<compile_context>
chip_gen: v7x
topology: tpu7x:2x2x1
jax: 0.10.2.dev20260603
libtpu: 0.0.44.dev20260713+nightly
codegen_flags: <defaults>
</compile_context>

<pallas_src>
import functools

import jax
import jax.numpy as jnp
from jax import lax
from jax.experimental import pallas as pl
from jax.experimental.pallas import tpu as pltpu
from jax.experimental.pallas import tpu_sc as plsc

_NC = 2
_NS = 16
_NW = _NC * _NS


@functools.lru_cache(maxsize=None)
def _make_lookup(V, D, B, S):
    assert D % 8 == 0 and B % 128 == 0
    DT = D // 8
    NB = B // 128
    TCW = NB // _NW
    n_units = S * TCW
    assert NB % _NW == 0 and n_units % 2 == 0
    b_per_w = 128 * TCW

    mesh = plsc.VectorSubcoreMesh(
        core_axis_name="c", subcore_axis_name="s",
        num_cores=_NC, num_subcores=_NS)

    @functools.partial(
        pl.kernel,
        out_type=jax.ShapeDtypeStruct((S, DT, NB, 8, 128), jnp.float32),
        mesh=mesh,
        scratch_types=[
            pltpu.VMEM((b_per_w, S), jnp.int32),
            pltpu.VMEM((2, 128), jnp.int32),
            pltpu.VMEM((2, 128, D), jnp.float32),
            pltpu.VMEM((2, DT, 8, 129), jnp.float32),
        ] + [pltpu.SemaphoreType.DMA] * 4,
        compiler_params=pltpu.CompilerParams(
            use_tc_tiling_on_sc=False, needs_layout_passes=False),
    )
    def lookup(idx_hbm, table_hbm, out_hbm,
               idx_v, idx_c, rows, tiles, g0, g1, o0, o1):
        gsem = (g0, g1)
        osem = (o0, o1)
        wid = lax.axis_index("s") * _NC + lax.axis_index("c")

        pltpu.sync_copy(idx_hbm.at[pl.ds(wid * b_per_w, b_per_w)], idx_v)

        iota = lax.iota(jnp.int32, 16)
        r_vec = lax.rem(iota, 8)
        tr_lo = lax.div(iota, 8)
        tr_hi = tr_lo + 2

        def build_idx(k, b):
            j = k // S
            s = k % S
            s_splat = jnp.full((16,), 0, jnp.int32) + s
            for c0 in range(0, 128, 16):
                row_vec = iota + (128 * j + c0)
                vals = plsc.load_gather(idx_v, [row_vec, s_splat])
                idx_c[b, pl.ds(c0, 16)] = vals

        def start_gather(k, b):
            pltpu.async_copy(table_hbm.at[idx_c.at[b]], rows.at[b], gsem[b])

        def wait_gather(k, b):
            pltpu.make_async_copy(
                table_hbm.at[idx_c.at[b]], rows.at[b], gsem[b]).wait()

        def start_out(k, b):
            j = k // S
            s = k % S
            pltpu.async_copy(
                tiles.at[b, :, :, pl.ds(0, 128)],
                out_hbm.at[s, :, wid * TCW + j], osem[b])

        def wait_out(b):
            pltpu.make_async_copy(
                tiles.at[b, :, :, pl.ds(0, 128)],
                out_hbm.at[0, :, 0], osem[b]).wait()

        def transpose_unit(b):
            rb = rows.at[b]
            tb = tiles.at[b]

            def cblk(cb, c_splat):
                for ci in range(16):
                    c = cb * 16 + ci
                    plsc.store_scatter(
                        tb, [tr_lo, r_vec, c_splat], rb[c, pl.ds(0, 16)])
                    plsc.store_scatter(
                        tb, [tr_hi, r_vec, c_splat], rb[c, pl.ds(16, 16)])
                    c_splat = c_splat + 1
                return c_splat

            lax.fori_loop(0, 8, cblk, jnp.full((16,), 0, jnp.int32))

        build_idx(0, 0)
        start_gather(0, 0)

        def group(g, carry):
            for h in range(2):
                k = g * 2 + h
                b = h

                @pl.when(k + 1 < n_units)
                def _():
                    build_idx(k + 1, 1 - b)
                    start_gather(k + 1, 1 - b)

                wait_gather(k, b)

                @pl.when(k >= 2)
                def _():
                    wait_out(b)

                transpose_unit(b)
                start_out(k, b)
            return carry

        lax.fori_loop(0, n_units // 2, group, 0)
        wait_out(0)
        wait_out(1)

    return lookup


def kernel(inputs, word_embeddings):
    B, S = inputs.shape
    V, D = word_embeddings.shape
    res = _make_lookup(V, D, B, S)(inputs, word_embeddings)
    return res.transpose(2, 4, 0, 1, 3).reshape(B, S, D)

# --- scband reference (transcript-rebuilt; emitter-appended) ---
"""Pipeline reference for scband-word-embedding-9208409882680 (READ-ONLY COPY).

The authoritative reference and input builder live on the scoring server;
editing this copy changes nothing except your own understanding.
"""

import jax, jax.numpy as jnp
import numpy as np

VOCAB = 1000000
EMBED_DIM = 32
BATCH = 16384
SEQ = 50

def setup_inputs(seed: int = 0) -> dict:
    key = jax.random.key(seed)
    k_idx, k_tab = jax.random.split(key)
    inputs = jax.random.randint(k_idx, (BATCH, SEQ), 0, VOCAB, dtype=jnp.int64 if jax.config.jax_enable_x64 else jnp.int32)
    word_embeddings = jax.random.normal(k_tab, (VOCAB, EMBED_DIM), dtype=jnp.float32) * 0.02
    return {"inputs": inputs, "word_embeddings": word_embeddings}

def reference(inputs, word_embeddings):
    # Faithful to keras layers.Embedding lookup: gather rows of the table by index.
    embedded_words = jnp.take(word_embeddings, inputs, axis=0)
    return embedded_words

if __name__ == "__main__":
    import jax
    _d = setup_inputs()
    print(jax.jit(kernel)(*tuple(_d.values())))

</pallas_src>

<mosaic_0001>
#map = affine_map<(d0, d1) -> (0, 0)>
#map1 = affine_map<(d0, d1) -> (0, 0, 0, 0, 0)>
module attributes {stable_mosaic.version = 14 : i64} {
  func.func @lookup(%arg0: i32, %arg1: i32, %arg2: memref<16384x50xi32, #tpu.memory_space<hbm>>, %arg3: memref<1000000x32xf32, #tpu.memory_space<hbm>>, %arg4: memref<50x4x128x8x128xf32, #tpu.memory_space<hbm>>, %arg5: memref<512x50xi32, #tpu.memory_space<vmem>>, %arg6: memref<2x128xi32, #tpu.memory_space<vmem>>, %arg7: memref<2x128x32xf32, #tpu.memory_space<vmem>>, %arg8: memref<2x4x8x129xf32, #tpu.memory_space<vmem>>, %arg9: memref<!tpu.dma_semaphore, #tpu.memory_space<semaphore_mem>>, %arg10: memref<!tpu.dma_semaphore, #tpu.memory_space<semaphore_mem>>, %arg11: memref<!tpu.dma_semaphore, #tpu.memory_space<semaphore_mem>>, %arg12: memref<!tpu.dma_semaphore, #tpu.memory_space<semaphore_mem>>) attributes {dimension_semantics = [#tpu.dimension_semantics<core_parallel>, #tpu.dimension_semantics<subcore_parallel>], iteration_bounds = array<i64: 2, 16>, scalar_prefetch = 0 : i64, scratch_operands = 8 : i64, tpu.core_type = #tpu.core_type<sc_vector_subcore>, window_params = [{transform_indices = #map}, {transform_indices = #map}, {transform_indices = #map1}]} {
    %mul3A = arith.constant 2 : i32
    %mul3A_0 = arith.muli %arg1, %mul3A : i32
    %add3A = arith.addi %mul3A_0, %arg0 : i32
    %mul3A_1 = arith.constant 512 : i32
    %mul3A_2 = arith.muli %add3A, %mul3A_1 : i32
    "tpu.region"() ({
      %run_scoped3A = tpu.sem_alloc : memref<!tpu.dma_semaphore, #tpu.memory_space<semaphore_mem>>
      %dma_start3A_137 = arith.constant 0 : i32
      %dma_start3A_138 = tpu.memref_slice %arg2[%mul3A_2, %dma_start3A_137] : memref<16384x50xi32, #tpu.memory_space<hbm>> -> memref<512x50xi32, #tpu.memory_space<hbm>>
      %dma_start3A_139 = arith.constant 0 : i32
      %dma_start3A_140 = tpu.memref_slice %arg2[%mul3A_2, %dma_start3A_139] : memref<16384x50xi32, #tpu.memory_space<hbm>> -> memref<512x50xi32, #tpu.memory_space<hbm>>
      tpu.enqueue_dma source(%dma_start3A_140 : memref<512x50xi32, #tpu.memory_space<hbm>>) target(%arg5 : memref<512x50xi32, #tpu.memory_space<vmem>>) target_semaphore(%run_scoped3A : memref<!tpu.dma_semaphore, #tpu.memory_space<semaphore_mem>>)
      %dma_wait3A_141 = arith.constant 0 : i32
      %dma_wait3A_142 = tpu.memref_slice %arg2[%mul3A_2, %dma_wait3A_141] : memref<16384x50xi32, #tpu.memory_space<hbm>> -> memref<512x50xi32, #tpu.memory_space<hbm>>
      %dma_wait3A_143 = arith.constant 0 : i32
      %dma_wait3A_144 = tpu.memref_slice %arg2[%mul3A_2, %dma_wait3A_143] : memref<16384x50xi32, #tpu.memory_space<hbm>> -> memref<512x50xi32, #tpu.memory_space<hbm>>
      tpu.wait_dma2 semaphore(%run_scoped3A : memref<!tpu.dma_semaphore, #tpu.memory_space<semaphore_mem>>) src(%dma_wait3A_144 : memref<512x50xi32, #tpu.memory_space<hbm>>) dst(%arg5 : memref<512x50xi32, #tpu.memory_space<vmem>>)
      tpu.yield
    }) : () -> ()
    %iota3A = tpu.iota {dimensions = array<i32: 0>} : vector<16xi32>
    %rem3A = arith.constant 8 : i32
    %rem3A_3 = vector.broadcast %rem3A : i32 to vector<16xi32>
    %rem3A_4 = arith.remsi %iota3A, %rem3A_3 : vector<16xi32>
    %div3A = arith.constant 8 : i32
    %div3A_5 = vector.broadcast %div3A : i32 to vector<16xi32>
    %div3A_6 = arith.divsi %iota3A, %div3A_5 : vector<16xi32>
    %add3A_7 = arith.constant 2 : i32
    %add3A_8 = vector.broadcast %add3A_7 : i32 to vector<16xi32>
    %add3A_9 = arith.addi %div3A_6, %add3A_8 : vector<16xi32>
    %broadcast_in_dim3A = arith.constant 0 : i32
    %broadcast_in_dim3A_10 = vector.broadcast %broadcast_in_dim3A : i32 to vector<16xi32>
    %add3A_11 = arith.constant 0 : i32
    %add3A_12 = vector.broadcast %add3A_11 : i32 to vector<16xi32>
    %add3A_13 = arith.addi %broadcast_in_dim3A_10, %add3A_12 : vector<16xi32>
    %add3A_14 = arith.constant 0 : i32
    %add3A_15 = vector.broadcast %add3A_14 : i32 to vector<16xi32>
    %add3A_16 = arith.addi %iota3A, %add3A_15 : vector<16xi32>
    %gather3A = tpu.vector_load_idx %arg5[%add3A_16, %add3A_13] : memref<512x50xi32, #tpu.memory_space<vmem>>[vector<16xi32>, vector<16xi32>], vector<16xi32>,
    %swap3A = arith.constant 0 : i32
    %swap3A_17 = arith.index_cast %swap3A : i32 to index
    %swap3A_18 = arith.constant 0 : index
    %swap3A_19 = tpu.vector_load %arg6[%swap3A_17, %swap3A_18] {strides = array<i32>} : memref<2x128xi32, #tpu.memory_space<vmem>>, vector<16xi32>,
    tpu.vector_store %arg6[%swap3A_17, %swap3A_18], %gather3A {strides = array<i32>} : memref<2x128xi32, #tpu.memory_space<vmem>>, vector<16xi32>,
    %add3A_20 = arith.constant 16 : i32
    %add3A_21 = vector.broadcast %add3A_20 : i32 to vector<16xi32>
    %add3A_22 = arith.addi %iota3A, %add3A_21 : vector<16xi32>
    %gather3A_23 = tpu.vector_load_idx %arg5[%add3A_22, %add3A_13] : memref<512x50xi32, #tpu.memory_space<vmem>>[vector<16xi32>, vector<16xi32>], vector<16xi32>,
    %swap3A_24 = arith.constant 0 : i32
    %swap3A_25 = arith.index_cast %swap3A_24 : i32 to index
    %swap3A_26 = arith.constant 16 : index
    %swap3A_27 = tpu.vector_load %arg6[%swap3A_25, %swap3A_26] {strides = array<i32>} : memref<2x128xi32, #tpu.memory_space<vmem>>, vector<16xi32>,
    tpu.vector_store %arg6[%swap3A_25, %swap3A_26], %gather3A_23 {strides = array<i32>} : memref<2x128xi32, #tpu.memory_space<vmem>>, vector<16xi32>,
    %add3A_28 = arith.constant 32 : i32
    %add3A_29 = vector.broadcast %add3A_28 : i32 to vector<16xi32>
    %add3A_30 = arith.addi %iota3A, %add3A_29 : vector<16xi32>
    %gather3A_31 = tpu.vector_load_idx %arg5[%add3A_30, %add3A_13] : memref<512x50xi32, #tpu.memory_space<vmem>>[vector<16xi32>, vector<16xi32>], vector<16xi32>,
    %swap3A_32 = arith.constant 0 : i32
    %swap3A_33 = arith.index_cast %swap3A_32 : i32 to index
    %swap3A_34 = arith.constant 32 : index
    %swap3A_35 = tpu.vector_load %arg6[%swap3A_33, %swap3A_34] {strides = array<i32>} : memref<2x128xi32, #tpu.memory_space<vmem>>, vector<16xi32>,
    tpu.vector_store %arg6[%swap3A_33, %swap3A_34], %gather3A_31 {strides = array<i32>} : memref<2x128xi32, #tpu.memory_space<vmem>>, vector<16xi32>,
    %add3A_36 = arith.constant 48 : i32
    %add3A_37 = vector.broadcast %add3A_36 : i32 to vector<16xi32>
    %add3A_38 = arith.addi %iota3A, %add3A_37 : vector<16xi32>
    %gather3A_39 = tpu.vector_load_idx %arg5[%add3A_38, %add3A_13] : memref<512x50xi32, #tpu.memory_space<vmem>>[vector<16xi32>, vector<16xi32>], vector<16xi32>,
    %swap3A_40 = arith.constant 0 : i32
    %swap3A_41 = arith.index_cast %swap3A_40 : i32 to index
    %swap3A_42 = arith.constant 48 : index
    %swap3A_43 = tpu.vector_load %arg6[%swap3A_41, %swap3A_42] {strides = array<i32>} : memref<2x128xi32, #tpu.memory_space<vmem>>, vector<16xi32>,
    tpu.vector_store %arg6[%swap3A_41, %swap3A_42], %gather3A_39 {strides = array<i32>} : memref<2x128xi32, #tpu.memory_space<vmem>>, vector<16xi32>,
    %add3A_44 = arith.constant 64 : i32
    %add3A_45 = vector.broadcast %add3A_44 : i32 to vector<16xi32>
    %add3A_46 = arith.addi %iota3A, %add3A_45 : vector<16xi32>
    %gather3A_47 = tpu.vector_load_idx %arg5[%add3A_46, %add3A_13] : memref<512x50xi32, #tpu.memory_space<vmem>>[vector<16xi32>, vector<16xi32>], vector<16xi32>,
    %swap3A_48 = arith.constant 0 : i32
    %swap3A_49 = arith.index_cast %swap3A_48 : i32 to index
    %swap3A_50 = arith.constant 64 : index
    %swap3A_51 = tpu.vector_load %arg6[%swap3A_49, %swap3A_50] {strides = array<i32>} : memref<2x128xi32, #tpu.memory_space<vmem>>, vector<16xi32>,
    tpu.vector_store %arg6[%swap3A_49, %swap3A_50], %gather3A_47 {strides = array<i32>} : memref<2x128xi32, #tpu.memory_space<vmem>>, vector<16xi32>,
    %add3A_52 = arith.constant 80 : i32
    %add3A_53 = vector.broadcast %add3A_52 : i32 to vector<16xi32>
    %add3A_54 = arith.addi %iota3A, %add3A_53 : vector<16xi32>
    %gather3A_55 = tpu.vector_load_idx %arg5[%add3A_54, %add3A_13] : memref<512x50xi32, #tpu.memory_space<vmem>>[vector<16xi32>, vector<16xi32>], vector<16xi32>,
    %swap3A_56 = arith.constant 0 : i32
    %swap3A_57 = arith.index_cast %swap3A_56 : i32 to index
    %swap3A_58 = arith.constant 80 : index
    %swap3A_59 = tpu.vector_load %arg6[%swap3A_57, %swap3A_58] {strides = array<i32>} : memref<2x128xi32, #tpu.memory_space<vmem>>, vector<16xi32>,
    tpu.vector_store %arg6[%swap3A_57, %swap3A_58], %gather3A_55 {strides = array<i32>} : memref<2x128xi32, #tpu.memory_space<vmem>>, vector<16xi32>,
    %add3A_60 = arith.constant 96 : i32
    %add3A_61 = vector.broadcast %add3A_60 : i32 to vector<16xi32>
    %add3A_62 = arith.addi %iota3A, %add3A_61 : vector<16xi32>
    %gather3A_63 = tpu.vector_load_idx %arg5[%add3A_62, %add3A_13] : memref<512x50xi32, #tpu.memory_space<vmem>>[vector<16xi32>, vector<16xi32>], vector<16xi32>,
    %swap3A_64 = arith.constant 0 : i32
    %swap3A_65 = arith.index_cast %swap3A_64 : i32 to index
    %swap3A_66 = arith.constant 96 : index
    %swap3A_67 = tpu.vector_load %arg6[%swap3A_65, %swap3A_66] {strides = array<i32>} : memref<2x128xi32, #tpu.memory_space<vmem>>, vector<16xi32>,
    tpu.vector_store %arg6[%swap3A_65, %swap3A_66], %gather3A_63 {strides = array<i32>} : memref<2x128xi32, #tpu.memory_space<vmem>>, vector<16xi32>,
    %add3A_68 = arith.constant 112 : i32
    %add3A_69 = vector.broadcast %add3A_68 : i32 to vector<16xi32>
    %add3A_70 = arith.addi %iota3A, %add3A_69 : vector<16xi32>
    %gather3A_71 = tpu.vector_load_idx %arg5[%add3A_70, %add3A_13] : memref<512x50xi32, #tpu.memory_space<vmem>>[vector<16xi32>, vector<16xi32>], vector<16xi32>,
    %swap3A_72 = arith.constant 0 : i32
    %swap3A_73 = arith.index_cast %swap3A_72 : i32 to index
    %swap3A_74 = arith.constant 112 : index
    %swap3A_75 = tpu.vector_load %arg6[%swap3A_73, %swap3A_74] {strides = array<i32>} : memref<2x128xi32, #tpu.memory_space<vmem>>, vector<16xi32>,
    tpu.vector_store %arg6[%swap3A_73, %swap3A_74], %gather3A_71 {strides = array<i32>} : memref<2x128xi32, #tpu.memory_space<vmem>>, vector<16xi32>,
    %dma_start3A = arith.constant 0 : i32
    %dma_start3A_76 = arith.constant 0 : i32
    %dma_start3A_77 = arith.constant 0 : i32
    %dma_start3A_78 = arith.constant 0 : i32
    %dma_start3A_79 = tpu.memref_slice %arg7[%dma_start3A_76, %dma_start3A_77, %dma_start3A_78] : memref<2x128x32xf32, #tpu.memory_space<vmem>> -> memref<1x128x32xf32, #tpu.memory_space<vmem>>
    %dma_start3A_80 = tpu.memref_squeeze %dma_start3A_79 : memref<1x128x32xf32, #tpu.memory_space<vmem>> -> memref<128x32xf32, #tpu.memory_space<vmem>>
    %dma_start3A_81 = arith.constant 0 : i32
    %dma_start3A_82 = tpu.memref_slice %arg6[%dma_start3A, %dma_start3A_81] : memref<2x128xi32, #tpu.memory_space<vmem>> -> memref<1x128xi32, #tpu.memory_space<vmem>>
    %dma_start3A_83 = tpu.memref_squeeze %dma_start3A_82 : memref<1x128xi32, #tpu.memory_space<vmem>> -> memref<128xi32, #tpu.memory_space<vmem>>
    %dma_start3A_84 = arith.constant 0 : i32
    %dma_start3A_85 = arith.constant 0 : i32
    %dma_start3A_86 = tpu.memref_slice %arg3[%dma_start3A_84, %dma_start3A_85] : memref<1000000x32xf32, #tpu.memory_space<hbm>> -> memref<1000000x32xf32, #tpu.memory_space<hbm>>
    tpu.enqueue_indirect_dma source(%dma_start3A_86 : memref<1000000x32xf32, #tpu.memory_space<hbm>>) target(%dma_start3A_80 : memref<128x32xf32, #tpu.memory_space<vmem>>) offsets(%dma_start3A_83 : memref<128xi32, #tpu.memory_space<vmem>>) semaphore(%arg9 : memref<!tpu.dma_semaphore, #tpu.memory_space<semaphore_mem>>)
    %scan3A = arith.constant 0 : i32
    %scan3A_87 = arith.constant 0 : i32
    %scan3A_88 = arith.constant 100 : i32
    %scan3A_89 = arith.addi %scan3A_87, %scan3A_88 : i32
    %scan3A_90 = arith.constant 1 : i32
    scf.for %scan3A_137 = %scan3A_87 to %scan3A_89 step %scan3A_90  : i32 {
      %mul3A_138 = arith.constant 2 : i32
      %mul3A_139 = arith.muli %scan3A_137, %mul3A_138 : i32
      %add3A_140 = arith.constant 0 : i32
      %add3A_141 = arith.addi %mul3A_139, %add3A_140 : i32
      %add3A_142 = arith.constant 1 : i32
      %add3A_143 = arith.addi %add3A_141, %add3A_142 : i32
      %lt3A = arith.constant 200 : i32
      %lt3A_144 = arith.cmpi slt, %add3A_143, %lt3A : i32
      %convert_element_type3A = arith.extui %lt3A_144 : i1 to i32
      %cond3A = arith.constant 0 : i32
      %cond3A_145 = arith.cmpi ne, %convert_element_type3A, %cond3A : i32
      scf.if %cond3A_145 {
        %add3A_331 = arith.constant 1 : i32
        %add3A_332 = arith.addi %add3A_141, %add3A_331 : i32
        %jit3A_333 = arith.constant 50 : i32
        %div3A_334 = arith.divsi %add3A_332, %jit3A_333 : i32
        %sign3A_335 = arith.constant 0 : i32
        %sign3A_336 = arith.cmpi sgt, %add3A_332, %sign3A_335 : i32
        %sign3A_337 = arith.extui %sign3A_336 : i1 to i32
        %sign3A_338 = arith.constant 0 : i32
        %sign3A_339 = arith.cmpi slt, %add3A_332, %sign3A_338 : i32
        %sign3A_340 = arith.extui %sign3A_339 : i1 to i32
        %sign3A_341 = arith.subi %sign3A_337, %sign3A_340 : i32
        %sign3A_342 = arith.constant 0 : i32
        %sign3A_343 = arith.cmpi sgt, %jit3A_333, %sign3A_342 : i32
        %sign3A_344 = arith.extui %sign3A_343 : i1 to i32
        %sign3A_345 = arith.constant 0 : i32
        %sign3A_346 = arith.cmpi slt, %jit3A_333, %sign3A_345 : i32
        %sign3A_347 = arith.extui %sign3A_346 : i1 to i32
        %sign3A_348 = arith.subi %sign3A_344, %sign3A_347 : i32
        %ne3A_349 = arith.cmpi ne, %sign3A_341, %sign3A_348 : i32
        %rem3A_350 = arith.remsi %add3A_332, %jit3A_333 : i32
        %ne3A_351 = arith.constant 0 : i32
        %ne3A_352 = arith.cmpi ne, %rem3A_350, %ne3A_351 : i32
        %and3A_353 = arith.andi %ne3A_349, %ne3A_352 : i1
        %sub3A_354 = arith.constant 1 : i32
        %sub3A_355 = arith.subi %div3A_334, %sub3A_354 : i32
        %select_n3A_356 = arith.select %and3A_353, %sub3A_355, %div3A_334 : i32
        %jit3A_357 = arith.constant 50 : i32
        %eq3A_358 = arith.constant 0 : i32
        %eq3A_359 = arith.cmpi eq, %jit3A_357, %eq3A_358 : i32
        %jit3A_360 = arith.constant 1 : i32
        %select_n3A_361 = arith.select %eq3A_359, %jit3A_360, %jit3A_357 : i32
        %rem3A_362 = arith.remsi %add3A_332, %select_n3A_361 : i32
        %ne3A_363 = arith.constant 0 : i32
        %ne3A_364 = arith.cmpi ne, %rem3A_362, %ne3A_363 : i32
        %lt3A_365 = arith.constant 0 : i32
        %lt3A_366 = arith.cmpi slt, %rem3A_362, %lt3A_365 : i32
        %lt3A_367 = arith.constant 0 : i32
        %lt3A_368 = arith.cmpi slt, %select_n3A_361, %lt3A_367 : i32
        %ne3A_369 = arith.xori %lt3A_366, %lt3A_368 : i1
        %and3A_370 = arith.andi %ne3A_369, %ne3A_364 : i1
        %add3A_371 = arith.addi %rem3A_362, %select_n3A_361 : i32
        %select_n3A_372 = arith.select %and3A_370, %add3A_371, %rem3A_362 : i32
        %broadcast_in_dim3A_373 = arith.constant 0 : i32
        %broadcast_in_dim3A_374 = vector.broadcast %broadcast_in_dim3A_373 : i32 to vector<16xi32>
        %add3A_375 = vector.broadcast %select_n3A_372 : i32 to vector<16xi32>
        %add3A_376 = arith.addi %broadcast_in_dim3A_374, %add3A_375 : vector<16xi32>
        %mul3A_377 = arith.constant 128 : i32
        %mul3A_378 = arith.muli %mul3A_377, %select_n3A_356 : i32
        %add3A_379 = arith.constant 0 : i32
        %add3A_380 = arith.addi %mul3A_378, %add3A_379 : i32
        %add3A_381 = vector.broadcast %add3A_380 : i32 to vector<16xi32>
        %add3A_382 = arith.addi %iota3A, %add3A_381 : vector<16xi32>
        %gather3A_383 = tpu.vector_load_idx %arg5[%add3A_382, %add3A_376] : memref<512x50xi32, #tpu.memory_space<vmem>>[vector<16xi32>, vector<16xi32>], vector<16xi32>,
        %swap3A_384 = arith.constant 1 : i32
        %swap3A_385 = arith.index_cast %swap3A_384 : i32 to index
        %swap3A_386 = arith.constant 0 : index
        %swap3A_387 = tpu.vector_load %arg6[%swap3A_385, %swap3A_386] {strides = array<i32>} : memref<2x128xi32, #tpu.memory_space<vmem>>, vector<16xi32>,
        tpu.vector_store %arg6[%swap3A_385, %swap3A_386], %gather3A_383 {strides = array<i32>} : memref<2x128xi32, #tpu.memory_space<vmem>>, vector<16xi32>,
        %mul3A_388 = arith.constant 128 : i32
        %mul3A_389 = arith.muli %mul3A_388, %select_n3A_356 : i32
        %add3A_390 = arith.constant 16 : i32
        %add3A_391 = arith.addi %mul3A_389, %add3A_390 : i32
        %add3A_392 = vector.broadcast %add3A_391 : i32 to vector<16xi32>
        %add3A_393 = arith.addi %iota3A, %add3A_392 : vector<16xi32>
        %gather3A_394 = tpu.vector_load_idx %arg5[%add3A_393, %add3A_376] : memref<512x50xi32, #tpu.memory_space<vmem>>[vector<16xi32>, vector<16xi32>], vector<16xi32>,
        %swap3A_395 = arith.constant 1 : i32
        %swap3A_396 = arith.index_cast %swap3A_395 : i32 to index
        %swap3A_397 = arith.constant 16 : index
        %swap3A_398 = tpu.vector_load %arg6[%swap3A_396, %swap3A_397] {strides = array<i32>} : memref<2x128xi32, #tpu.memory_space<vmem>>, vector<16xi32>,
        tpu.vector_store %arg6[%swap3A_396, %swap3A_397], %gather3A_394 {strides = array<i32>} : memref<2x128xi32, #tpu.memory_space<vmem>>, vector<16xi32>,
        %mul3A_399 = arith.constant 128 : i32
        %mul3A_400 = arith.muli %mul3A_399, %select_n3A_356 : i32
        %add3A_401 = arith.constant 32 : i32
        %add3A_402 = arith.addi %mul3A_400, %add3A_401 : i32
        %add3A_403 = vector.broadcast %add3A_402 : i32 to vector<16xi32>
        %add3A_404 = arith.addi %iota3A, %add3A_403 : vector<16xi32>
        %gather3A_405 = tpu.vector_load_idx %arg5[%add3A_404, %add3A_376] : memref<512x50xi32, #tpu.memory_space<vmem>>[vector<16xi32>, vector<16xi32>], vector<16xi32>,
        %swap3A_406 = arith.constant 1 : i32
        %swap3A_407 = arith.index_cast %swap3A_406 : i32 to index
        %swap3A_408 = arith.constant 32 : index
        %swap3A_409 = tpu.vector_load %arg6[%swap3A_407, %swap3A_408] {strides = array<i32>} : memref<2x128xi32, #tpu.memory_space<vmem>>, vector<16xi32>,
        tpu.vector_store %arg6[%swap3A_407, %swap3A_408], %gather3A_405 {strides = array<i32>} : memref<2x128xi32, #tpu.memory_space<vmem>>, vector<16xi32>,
        %mul3A_410 = arith.constant 128 : i32
        %mul3A_411 = arith.muli %mul3A_410, %select_n3A_356 : i32
        %add3A_412 = arith.constant 48 : i32
        %add3A_413 = arith.addi %mul3A_411, %add3A_412 : i32
        %add3A_414 = vector.broadcast %add3A_413 : i32 to vector<16xi32>
        %add3A_415 = arith.addi %iota3A, %add3A_414 : vector<16xi32>
        %gather3A_416 = tpu.vector_load_idx %arg5[%add3A_415, %add3A_376] : memref<512x50xi32, #tpu.memory_space<vmem>>[vector<16xi32>, vector<16xi32>], vector<16xi32>,
        %swap3A_417 = arith.constant 1 : i32
        %swap3A_418 = arith.index_cast %swap3A_417 : i32 to index
        %swap3A_419 = arith.constant 48 : index
        %swap3A_420 = tpu.vector_load %arg6[%swap3A_418, %swap3A_419] {strides = array<i32>} : memref<2x128xi32, #tpu.memory_space<vmem>>, vector<16xi32>,
        tpu.vector_store %arg6[%swap3A_418, %swap3A_419], %gather3A_416 {strides = array<i32>} : memref<2x128xi32, #tpu.memory_space<vmem>>, vector<16xi32>,
        %mul3A_421 = arith.constant 128 : i32
        %mul3A_422 = arith.muli %mul3A_421, %select_n3A_356 : i32
        %add3A_423 = arith.constant 64 : i32
        %add3A_424 = arith.addi %mul3A_422, %add3A_423 : i32
        %add3A_425 = vector.broadcast %add3A_424 : i32 to vector<16xi32>
        %add3A_426 = arith.addi %iota3A, %add3A_425 : vector<16xi32>
        %gather3A_427 = tpu.vector_load_idx %arg5[%add3A_426, %add3A_376] : memref<512x50xi32, #tpu.memory_space<vmem>>[vector<16xi32>, vector<16xi32>], vector<16xi32>,
        %swap3A_428 = arith.constant 1 : i32
        %swap3A_429 = arith.index_cast %swap3A_428 : i32 to index
        %swap3A_430 = arith.constant 64 : index
        %swap3A_431 = tpu.vector_load %arg6[%swap3A_429, %swap3A_430] {strides = array<i32>} : memref<2x128xi32, #tpu.memory_space<vmem>>, vector<16xi32>,
        tpu.vector_store %arg6[%swap3A_429, %swap3A_430], %gather3A_427 {strides = array<i32>} : memref<2x128xi32, #tpu.memory_space<vmem>>, vector<16xi32>,
        %mul3A_432 = arith.constant 128 : i32
        %mul3A_433 = arith.muli %mul3A_432, %select_n3A_356 : i32
        %add3A_434 = arith.constant 80 : i32
        %add3A_435 = arith.addi %mul3A_433, %add3A_434 : i32
        %add3A_436 = vector.broadcast %add3A_435 : i32 to vector<16xi32>
        %add3A_437 = arith.addi %iota3A, %add3A_436 : vector<16xi32>
        %gather3A_438 = tpu.vector_load_idx %arg5[%add3A_437, %add3A_376] : memref<512x50xi32, #tpu.memory_space<vmem>>[vector<16xi32>, vector<16xi32>], vector<16xi32>,
        %swap3A_439 = arith.constant 1 : i32
        %swap3A_440 = arith.index_cast %swap3A_439 : i32 to index
        %swap3A_441 = arith.constant 80 : index
        %swap3A_442 = tpu.vector_load %arg6[%swap3A_440, %swap3A_441] {strides = array<i32>} : memref<2x128xi32, #tpu.memory_space<vmem>>, vector<16xi32>,
        tpu.vector_store %arg6[%swap3A_440, %swap3A_441], %gather3A_438 {strides = array<i32>} : memref<2x128xi32, #tpu.memory_space<vmem>>, vector<16xi32>,
        %mul3A_443 = arith.constant 128 : i32
        %mul3A_444 = arith.muli %mul3A_443, %select_n3A_356 : i32
        %add3A_445 = arith.constant 96 : i32
        %add3A_446 = arith.addi %mul3A_444, %add3A_445 : i32
        %add3A_447 = vector.broadcast %add3A_446 : i32 to vector<16xi32>
        %add3A_448 = arith.addi %iota3A, %add3A_447 : vector<16xi32>
        %gather3A_449 = tpu.vector_load_idx %arg5[%add3A_448, %add3A_376] : memref<512x50xi32, #tpu.memory_space<vmem>>[vector<16xi32>, vector<16xi32>], vector<16xi32>,
        %swap3A_450 = arith.constant 1 : i32
        %swap3A_451 = arith.index_cast %swap3A_450 : i32 to index
        %swap3A_452 = arith.constant 96 : index
        %swap3A_453 = tpu.vector_load %arg6[%swap3A_451, %swap3A_452] {strides = array<i32>} : memref<2x128xi32, #tpu.memory_space<vmem>>, vector<16xi32>,
        tpu.vector_store %arg6[%swap3A_451, %swap3A_452], %gather3A_449 {strides = array<i32>} : memref<2x128xi32, #tpu.memory_space<vmem>>, vector<16xi32>,
        %mul3A_454 = arith.constant 128 : i32
        %mul3A_455 = arith.muli %mul3A_454, %select_n3A_356 : i32
        %add3A_456 = arith.constant 112 : i32
        %add3A_457 = arith.addi %mul3A_455, %add3A_456 : i32
        %add3A_458 = vector.broadcast %add3A_457 : i32 to vector<16xi32>
        %add3A_459 = arith.addi %iota3A, %add3A_458 : vector<16xi32>
        %gather3A_460 = tpu.vector_load_idx %arg5[%add3A_459, %add3A_376] : memref<512x50xi32, #tpu.memory_space<vmem>>[vector<16xi32>, vector<16xi32>], vector<16xi32>,
        %swap3A_461 = arith.constant 1 : i32
        %swap3A_462 = arith.index_cast %swap3A_461 : i32 to index
        %swap3A_463 = arith.constant 112 : index
        %swap3A_464 = tpu.vector_load %arg6[%swap3A_462, %swap3A_463] {strides = array<i32>} : memref<2x128xi32, #tpu.memory_space<vmem>>, vector<16xi32>,
        tpu.vector_store %arg6[%swap3A_462, %swap3A_463], %gather3A_460 {strides = array<i32>} : memref<2x128xi32, #tpu.memory_space<vmem>>, vector<16xi32>,
        %add3A_465 = arith.constant 1 : i32
        %add3A_466 = arith.addi %add3A_141, %add3A_465 : i32
        %dma_start3A_467 = arith.constant 1 : i32
        %dma_start3A_468 = arith.constant 1 : i32
        %dma_start3A_469 = arith.constant 0 : i32
        %dma_start3A_470 = arith.constant 0 : i32
        %dma_start3A_471 = tpu.memref_slice %arg7[%dma_start3A_468, %dma_start3A_469, %dma_start3A_470] : memref<2x128x32xf32, #tpu.memory_space<vmem>> -> memref<1x128x32xf32, #tpu.memory_space<vmem>>
        %dma_start3A_472 = tpu.memref_squeeze %dma_start3A_471 : memref<1x128x32xf32, #tpu.memory_space<vmem>> -> memref<128x32xf32, #tpu.memory_space<vmem>>
        %dma_start3A_473 = arith.constant 0 : i32
        %dma_start3A_474 = tpu.memref_slice %arg6[%dma_start3A_467, %dma_start3A_473] : memref<2x128xi32, #tpu.memory_space<vmem>> -> memref<1x128xi32, #tpu.memory_space<vmem>>
        %dma_start3A_475 = tpu.memref_squeeze %dma_start3A_474 : memref<1x128xi32, #tpu.memory_space<vmem>> -> memref<128xi32, #tpu.memory_space<vmem>>
        %dma_start3A_476 = arith.constant 0 : i32
        %dma_start3A_477 = arith.constant 0 : i32
        %dma_start3A_478 = tpu.memref_slice %arg3[%dma_start3A_476, %dma_start3A_477] : memref<1000000x32xf32, #tpu.memory_space<hbm>> -> memref<1000000x32xf32, #tpu.memory_space<hbm>>
        tpu.enqueue_indirect_dma source(%dma_start3A_478 : memref<1000000x32xf32, #tpu.memory_space<hbm>>) target(%dma_start3A_472 : memref<128x32xf32, #tpu.memory_space<vmem>>) offsets(%dma_start3A_475 : memref<128xi32, #tpu.memory_space<vmem>>) semaphore(%arg10 : memref<!tpu.dma_semaphore, #tpu.memory_space<semaphore_mem>>)
      } else {
      }
      %dma_wait3A_146 = arith.constant 0 : i32
      %dma_wait3A_147 = arith.constant 0 : i32
      %dma_wait3A_148 = arith.constant 0 : i32
      %dma_wait3A_149 = arith.constant 0 : i32
      %dma_wait3A_150 = tpu.memref_slice %arg7[%dma_wait3A_147, %dma_wait3A_148, %dma_wait3A_149] : memref<2x128x32xf32, #tpu.memory_space<vmem>> -> memref<1x128x32xf32, #tpu.memory_space<vmem>>
      %dma_wait3A_151 = tpu.memref_squeeze %dma_wait3A_150 : memref<1x128x32xf32, #tpu.memory_space<vmem>> -> memref<128x32xf32, #tpu.memory_space<vmem>>
      %dma_wait3A_152 = arith.constant 0 : i32
      %dma_wait3A_153 = tpu.memref_slice %arg6[%dma_wait3A_146, %dma_wait3A_152] : memref<2x128xi32, #tpu.memory_space<vmem>> -> memref<1x128xi32, #tpu.memory_space<vmem>>
      %dma_wait3A_154 = tpu.memref_squeeze %dma_wait3A_153 : memref<1x128xi32, #tpu.memory_space<vmem>> -> memref<128xi32, #tpu.memory_space<vmem>>
      %dma_wait3A_155 = arith.constant 0 : i32
      %dma_wait3A_156 = arith.constant 0 : i32
      %dma_wait3A_157 = tpu.memref_slice %arg3[%dma_wait3A_155, %dma_wait3A_156] : memref<1000000x32xf32, #tpu.memory_space<hbm>> -> memref<1000000x32xf32, #tpu.memory_space<hbm>>
      tpu.wait_indirect_dma semaphore(%arg9 : memref<!tpu.dma_semaphore, #tpu.memory_space<semaphore_mem>>) src(%dma_wait3A_157 : memref<1000000x32xf32, #tpu.memory_space<hbm>>) dst(%dma_wait3A_151 : memref<128x32xf32, #tpu.memory_space<vmem>>)
      %ge3A = arith.constant 2 : i32
      %ge3A_158 = arith.cmpi sge, %add3A_141, %ge3A : i32
      %convert_element_type3A_159 = arith.extui %ge3A_158 : i1 to i32
      %cond3A_160 = arith.constant 0 : i32
      %cond3A_161 = arith.cmpi ne, %convert_element_type3A_159, %cond3A_160 : i32
      scf.if %cond3A_161 {
        %dma_wait3A_331 = arith.constant 0 : i32
        %dma_wait3A_332 = arith.constant 0 : i32
        %dma_wait3A_333 = arith.constant 0 : i32
        %dma_wait3A_334 = arith.constant 0 : i32
        %dma_wait3A_335 = arith.constant 0 : i32
        %dma_wait3A_336 = arith.constant 0 : i32
        %dma_wait3A_337 = tpu.memref_slice %arg8[%dma_wait3A_331, %dma_wait3A_334, %dma_wait3A_335, %dma_wait3A_336] : memref<2x4x8x129xf32, #tpu.memory_space<vmem>> -> memref<1x4x8x128xf32, #tpu.memory_space<vmem>>
        %dma_wait3A_338 = tpu.memref_squeeze %dma_wait3A_337 : memref<1x4x8x128xf32, #tpu.memory_space<vmem>> -> memref<4x8x128xf32, #tpu.memory_space<vmem>>
        %dma_wait3A_339 = arith.constant 0 : i32
        %dma_wait3A_340 = arith.constant 0 : i32
        %dma_wait3A_341 = arith.constant 0 : i32
        %dma_wait3A_342 = tpu.memref_slice %arg4[%dma_wait3A_332, %dma_wait3A_339, %dma_wait3A_333, %dma_wait3A_340, %dma_wait3A_341] : memref<50x4x128x8x128xf32, #tpu.memory_space<hbm>> -> memref<1x4x1x8x128xf32, #tpu.memory_space<hbm>>
        %dma_wait3A_343 = tpu.memref_squeeze %dma_wait3A_342 : memref<1x4x1x8x128xf32, #tpu.memory_space<hbm>> -> memref<4x8x128xf32, #tpu.memory_space<hbm>>
        %dma_wait3A_344 = arith.constant 0 : i32
        %dma_wait3A_345 = arith.constant 0 : i32
        %dma_wait3A_346 = arith.constant 0 : i32
        %dma_wait3A_347 = tpu.memref_slice %arg4[%dma_wait3A_332, %dma_wait3A_344, %dma_wait3A_333, %dma_wait3A_345, %dma_wait3A_346] : memref<50x4x128x8x128xf32, #tpu.memory_space<hbm>> -> memref<1x4x1x8x128xf32, #tpu.memory_space<hbm>>
        %dma_wait3A_348 = tpu.memref_squeeze %dma_wait3A_347 : memref<1x4x1x8x128xf32, #tpu.memory_space<hbm>> -> memref<4x8x128xf32, #tpu.memory_space<hbm>>
        %dma_wait3A_349 = arith.constant 0 : i32
        %dma_wait3A_350 = arith.constant 0 : i32
        %dma_wait3A_351 = arith.constant 0 : i32
        %dma_wait3A_352 = tpu.memref_slice %arg8[%dma_wait3A_331, %dma_wait3A_349, %dma_wait3A_350, %dma_wait3A_351] : memref<2x4x8x129xf32, #tpu.memory_space<vmem>> -> memref<1x4x8x128xf32, #tpu.memory_space<vmem>>
        %dma_wait3A_353 = tpu.memref_squeeze %dma_wait3A_352 : memref<1x4x8x128xf32, #tpu.memory_space<vmem>> -> memref<4x8x128xf32, #tpu.memory_space<vmem>>
        tpu.wait_dma2 semaphore(%arg11 : memref<!tpu.dma_semaphore, #tpu.memory_space<semaphore_mem>>) src(%dma_wait3A_353 : memref<4x8x128xf32, #tpu.memory_space<vmem>>) dst(%dma_wait3A_348 : memref<4x8x128xf32, #tpu.memory_space<hbm>>)
      } else {
      }
      %broadcast_in_dim3A_162 = arith.constant 0 : i32
      %broadcast_in_dim3A_163 = vector.broadcast %broadcast_in_dim3A_162 : i32 to vector<16xi32>
      %scan3A_164 = arith.constant 0 : i32
      %scan3A_165 = arith.constant 0 : i32
      %scan3A_166 = arith.constant 0 : i32
      %scan3A_167 = arith.constant 8 : i32
      %scan3A_168 = arith.addi %scan3A_166, %scan3A_167 : i32
      %scan3A_169 = arith.constant 1 : i32
      %scan3A_170 = scf.for %scan3A_331 = %scan3A_166 to %scan3A_168 step %scan3A_169 iter_args(%scan3A_332 = %broadcast_in_dim3A_163) -> (vector<16xi32>)  : i32 {
        %mul3A_333 = arith.constant 16 : i32
        %mul3A_334 = arith.muli %scan3A_331, %mul3A_333 : i32
        %add3A_335 = arith.constant 0 : i32
        %add3A_336 = arith.addi %mul3A_334, %add3A_335 : i32
        %get3A = arith.constant 0 : i32
        %get3A_337 = arith.constant 0 : i32
        %get3A_338 = tpu.memref_slice %arg7[%scan3A_164, %get3A, %get3A_337] : memref<2x128x32xf32, #tpu.memory_space<vmem>> -> memref<1x128x32xf32, #tpu.memory_space<vmem>>
        %get3A_339 = tpu.memref_squeeze %get3A_338 : memref<1x128x32xf32, #tpu.memory_space<vmem>> -> memref<128x32xf32, #tpu.memory_space<vmem>>
        %get3A_340 = arith.index_cast %add3A_336 : i32 to index
        %get3A_341 = arith.constant 0 : index
        %get3A_342 = tpu.vector_load %get3A_339[%get3A_340, %get3A_341] {strides = array<i32>} : memref<128x32xf32, #tpu.memory_space<vmem>>, vector<16xf32>,
        %scatter3A = arith.constant 0 : i32
        %scatter3A_343 = arith.constant 0 : i32
        %scatter3A_344 = arith.constant 0 : i32
        %scatter3A_345 = tpu.memref_slice %arg8[%scan3A_165, %scatter3A, %scatter3A_343, %scatter3A_344] : memref<2x4x8x129xf32, #tpu.memory_space<vmem>> -> memref<1x4x8x129xf32, #tpu.memory_space<vmem>>
        %scatter3A_346 = tpu.memref_squeeze %scatter3A_345 : memref<1x4x8x129xf32, #tpu.memory_space<vmem>> -> memref<4x8x129xf32, #tpu.memory_space<vmem>>
        tpu.vector_store_idx %scatter3A_346[%div3A_6, %rem3A_4, %scan3A_332], %get3A_342 : memref<4x8x129xf32, #tpu.memory_space<vmem>>[vector<16xi32>, vector<16xi32>, vector<16xi32>], vector<16xf32>,
        %get3A_347 = arith.constant 0 : i32
        %get3A_348 = arith.constant 0 : i32
        %get3A_349 = tpu.memref_slice %arg7[%scan3A_164, %get3A_347, %get3A_348] : memref<2x128x32xf32, #tpu.memory_space<vmem>> -> memref<1x128x32xf32, #tpu.memory_space<vmem>>
        %get3A_350 = tpu.memref_squeeze %get3A_349 : memref<1x128x32xf32, #tpu.memory_space<vmem>> -> memref<128x32xf32, #tpu.memory_space<vmem>>
        %get3A_351 = arith.index_cast %add3A_336 : i32 to index
        %get3A_352 = arith.constant 16 : index
        %get3A_353 = tpu.vector_load %get3A_350[%get3A_351, %get3A_352] {strides = array<i32>} : memref<128x32xf32, #tpu.memory_space<vmem>>, vector<16xf32>,
        %scatter3A_354 = arith.constant 0 : i32
        %scatter3A_355 = arith.constant 0 : i32
        %scatter3A_356 = arith.constant 0 : i32
        %scatter3A_357 = tpu.memref_slice %arg8[%scan3A_165, %scatter3A_354, %scatter3A_355, %scatter3A_356] : memref<2x4x8x129xf32, #tpu.memory_space<vmem>> -> memref<1x4x8x129xf32, #tpu.memory_space<vmem>>
        %scatter3A_358 = tpu.memref_squeeze %scatter3A_357 : memref<1x4x8x129xf32, #tpu.memory_space<vmem>> -> memref<4x8x129xf32, #tpu.memory_space<vmem>>
        tpu.vector_store_idx %scatter3A_358[%add3A_9, %rem3A_4, %scan3A_332], %get3A_353 : memref<4x8x129xf32, #tpu.memory_space<vmem>>[vector<16xi32>, vector<16xi32>, vector<16xi32>], vector<16xf32>,
        %add3A_359 = arith.constant 1 : i32
        %add3A_360 = vector.broadcast %add3A_359 : i32 to vector<16xi32>
        %add3A_361 = arith.addi %scan3A_332, %add3A_360 : vector<16xi32>
        %mul3A_362 = arith.constant 16 : i32
        %mul3A_363 = arith.muli %scan3A_331, %mul3A_362 : i32
        %add3A_364 = arith.constant 1 : i32
        %add3A_365 = arith.addi %mul3A_363, %add3A_364 : i32
        %get3A_366 = arith.constant 0 : i32
        %get3A_367 = arith.constant 0 : i32
        %get3A_368 = tpu.memref_slice %arg7[%scan3A_164, %get3A_366, %get3A_367] : memref<2x128x32xf32, #tpu.memory_space<vmem>> -> memref<1x128x32xf32, #tpu.memory_space<vmem>>
        %get3A_369 = tpu.memref_squeeze %get3A_368 : memref<1x128x32xf32, #tpu.memory_space<vmem>> -> memref<128x32xf32, #tpu.memory_space<vmem>>
        %get3A_370 = arith.index_cast %add3A_365 : i32 to index
        %get3A_371 = arith.constant 0 : index
        %get3A_372 = tpu.vector_load %get3A_369[%get3A_370, %get3A_371] {strides = array<i32>} : memref<128x32xf32, #tpu.memory_space<vmem>>, vector<16xf32>,
        %scatter3A_373 = arith.constant 0 : i32
        %scatter3A_374 = arith.constant 0 : i32
        %scatter3A_375 = arith.constant 0 : i32
        %scatter3A_376 = tpu.memref_slice %arg8[%scan3A_165, %scatter3A_373, %scatter3A_374, %scatter3A_375] : memref<2x4x8x129xf32, #tpu.memory_space<vmem>> -> memref<1x4x8x129xf32, #tpu.memory_space<vmem>>
        %scatter3A_377 = tpu.memref_squeeze %scatter3A_376 : memref<1x4x8x129xf32, #tpu.memory_space<vmem>> -> memref<4x8x129xf32, #tpu.memory_space<vmem>>
        tpu.vector_store_idx %scatter3A_377[%div3A_6, %rem3A_4, %add3A_361], %get3A_372 : memref<4x8x129xf32, #tpu.memory_space<vmem>>[vector<16xi32>, vector<16xi32>, vector<16xi32>], vector<16xf32>,
        %get3A_378 = arith.constant 0 : i32
        %get3A_379 = arith.constant 0 : i32
        %get3A_380 = tpu.memref_slice %arg7[%scan3A_164, %get3A_378, %get3A_379] : memref<2x128x32xf32, #tpu.memory_space<vmem>> -> memref<1x128x32xf32, #tpu.memory_space<vmem>>
        %get3A_381 = tpu.memref_squeeze %get3A_380 : memref<1x128x32xf32, #tpu.memory_space<vmem>> -> memref<128x32xf32, #tpu.memory_space<vmem>>
        %get3A_382 = arith.index_cast %add3A_365 : i32 to index
        %get3A_383 = arith.constant 16 : index
        %get3A_384 = tpu.vector_load %get3A_381[%get3A_382, %get3A_383] {strides = array<i32>} : memref<128x32xf32, #tpu.memory_space<vmem>>, vector<16xf32>,
        %scatter3A_385 = arith.constant 0 : i32
        %scatter3A_386 = arith.constant 0 : i32
        %scatter3A_387 = arith.constant 0 : i32
        %scatter3A_388 = tpu.memref_slice %arg8[%scan3A_165, %scatter3A_385, %scatter3A_386, %scatter3A_387] : memref<2x4x8x129xf32, #tpu.memory_space<vmem>> -> memref<1x4x8x129xf32, #tpu.memory_space<vmem>>
        %scatter3A_389 = tpu.memref_squeeze %scatter3A_388 : memref<1x4x8x129xf32, #tpu.memory_space<vmem>> -> memref<4x8x129xf32, #tpu.memory_space<vmem>>
        tpu.vector_store_idx %scatter3A_389[%add3A_9, %rem3A_4, %add3A_361], %get3A_384 : memref<4x8x129xf32, #tpu.memory_space<vmem>>[vector<16xi32>, vector<16xi32>, vector<16xi32>], vector<16xf32>,
        %add3A_390 = arith.constant 1 : i32
        %add3A_391 = vector.broadcast %add3A_390 : i32 to vector<16xi32>
        %add3A_392 = arith.addi %add3A_361, %add3A_391 : vector<16xi32>
        %mul3A_393 = arith.constant 16 : i32
        %mul3A_394 = arith.muli %scan3A_331, %mul3A_393 : i32
        %add3A_395 = arith.constant 2 : i32
        %add3A_396 = arith.addi %mul3A_394, %add3A_395 : i32
        %get3A_397 = arith.constant 0 : i32
        %get3A_398 = arith.constant 0 : i32
        %get3A_399 = tpu.memref_slice %arg7[%scan3A_164, %get3A_397, %get3A_398] : memref<2x128x32xf32, #tpu.memory_space<vmem>> -> memref<1x128x32xf32, #tpu.memory_space<vmem>>
        %get3A_400 = tpu.memref_squeeze %get3A_399 : memref<1x128x32xf32, #tpu.memory_space<vmem>> -> memref<128x32xf32, #tpu.memory_space<vmem>>
        %get3A_401 = arith.index_cast %add3A_396 : i32 to index
        %get3A_402 = arith.constant 0 : index
        %get3A_403 = tpu.vector_load %get3A_400[%get3A_401, %get3A_402] {strides = array<i32>} : memref<128x32xf32, #tpu.memory_space<vmem>>, vector<16xf32>,
        %scatter3A_404 = arith.constant 0 : i32
        %scatter3A_405 = arith.constant 0 : i32
        %scatter3A_406 = arith.constant 0 : i32
        %scatter3A_407 = tpu.memref_slice %arg8[%scan3A_165, %scatter3A_404, %scatter3A_405, %scatter3A_406] : memref<2x4x8x129xf32, #tpu.memory_space<vmem>> -> memref<1x4x8x129xf32, #tpu.memory_space<vmem>>
        %scatter3A_408 = tpu.memref_squeeze %scatter3A_407 : memref<1x4x8x129xf32, #tpu.memory_space<vmem>> -> memref<4x8x129xf32, #tpu.memory_space<vmem>>
        tpu.vector_store_idx %scatter3A_408[%div3A_6, %rem3A_4, %add3A_392], %get3A_403 : memref<4x8x129xf32, #tpu.memory_space<vmem>>[vector<16xi32>, vector<16xi32>, vector<16xi32>], vector<16xf32>,
        %get3A_409 = arith.constant 0 : i32
        %get3A_410 = arith.constant 0 : i32
        %get3A_411 = tpu.memref_slice %arg7[%scan3A_164, %get3A_409, %get3A_410] : memref<2x128x32xf32, #tpu.memory_space<vmem>> -> memref<1x128x32xf32, #tpu.memory_space<vmem>>
        %get3A_412 = tpu.memref_squeeze %get3A_411 : memref<1x128x32xf32, #tpu.memory_space<vmem>> -> memref<128x32xf32, #tpu.memory_space<vmem>>
        %get3A_413 = arith.index_cast %add3A_396 : i32 to index
        %get3A_414 = arith.constant 16 : index
        %get3A_415 = tpu.vector_load %get3A_412[%get3A_413, %get3A_414] {strides = array<i32>} : memref<128x32xf32, #tpu.memory_space<vmem>>, vector<16xf32>,
        %scatter3A_416 = arith.constant 0 : i32
        %scatter3A_417 = arith.constant 0 : i32
        %scatter3A_418 = arith.constant 0 : i32
        %scatter3A_419 = tpu.memref_slice %arg8[%scan3A_165, %scatter3A_416, %scatter3A_417, %scatter3A_418] : memref<2x4x8x129xf32, #tpu.memory_space<vmem>> -> memref<1x4x8x129xf32, #tpu.memory_space<vmem>>
        %scatter3A_420 = tpu.memref_squeeze %scatter3A_419 : memref<1x4x8x129xf32, #tpu.memory_space<vmem>> -> memref<4x8x129xf32, #tpu.memory_space<vmem>>
        tpu.vector_store_idx %scatter3A_420[%add3A_9, %rem3A_4, %add3A_392], %get3A_415 : memref<4x8x129xf32, #tpu.memory_space<vmem>>[vector<16xi32>, vector<16xi32>, vector<16xi32>], vector<16xf32>,
        %add3A_421 = arith.constant 1 : i32
        %add3A_422 = vector.broadcast %add3A_421 : i32 to vector<16xi32>
        %add3A_423 = arith.addi %add3A_392, %add3A_422 : vector<16xi32>
        %mul3A_424 = arith.constant 16 : i32
        %mul3A_425 = arith.muli %scan3A_331, %mul3A_424 : i32
        %add3A_426 = arith.constant 3 : i32
        %add3A_427 = arith.addi %mul3A_425, %add3A_426 : i32
        %get3A_428 = arith.constant 0 : i32
        %get3A_429 = arith.constant 0 : i32
        %get3A_430 = tpu.memref_slice %arg7[%scan3A_164, %get3A_428, %get3A_429] : memref<2x128x32xf32, #tpu.memory_space<vmem>> -> memref<1x128x32xf32, #tpu.memory_space<vmem>>
        %get3A_431 = tpu.memref_squeeze %get3A_430 : memref<1x128x32xf32, #tpu.memory_space<vmem>> -> memref<128x32xf32, #tpu.memory_space<vmem>>
        %get3A_432 = arith.index_cast %add3A_427 : i32 to index
        %get3A_433 = arith.constant 0 : index
        %get3A_434 = tpu.vector_load %get3A_431[%get3A_432, %get3A_433] {strides = array<i32>} : memref<128x32xf32, #tpu.memory_space<vmem>>, vector<16xf32>,
        %scatter3A_435 = arith.constant 0 : i32
        %scatter3A_436 = arith.constant 0 : i32
        %scatter3A_437 = arith.constant 0 : i32
        %scatter3A_438 = tpu.memref_slice %arg8[%scan3A_165, %scatter3A_435, %scatter3A_436, %scatter3A_437] : memref<2x4x8x129xf32, #tpu.memory_space<vmem>> -> memref<1x4x8x129xf32, #tpu.memory_space<vmem>>
        %scatter3A_439 = tpu.memref_squeeze %scatter3A_438 : memref<1x4x8x129xf32, #tpu.memory_space<vmem>> -> memref<4x8x129xf32, #tpu.memory_space<vmem>>
        tpu.vector_store_idx %scatter3A_439[%div3A_6, %rem3A_4, %add3A_423], %get3A_434 : memref<4x8x129xf32, #tpu.memory_space<vmem>>[vector<16xi32>, vector<16xi32>, vector<16xi32>], vector<16xf32>,
        %get3A_440 = arith.constant 0 : i32
        %get3A_441 = arith.constant 0 : i32
        %get3A_442 = tpu.memref_slice %arg7[%scan3A_164, %get3A_440, %get3A_441] : memref<2x128x32xf32, #tpu.memory_space<vmem>> -> memref<1x128x32xf32, #tpu.memory_space<vmem>>
        %get3A_443 = tpu.memref_squeeze %get3A_442 : memref<1x128x32xf32, #tpu.memory_space<vmem>> -> memref<128x32xf32, #tpu.memory_space<vmem>>
        %get3A_444 = arith.index_cast %add3A_427 : i32 to index
        %get3A_445 = arith.constant 16 : index
        %get3A_446 = tpu.vector_load %get3A_443[%get3A_444, %get3A_445] {strides = array<i32>} : memref<128x32xf32, #tpu.memory_space<vmem>>, vector<16xf32>,
        %scatter3A_447 = arith.constant 0 : i32
        %scatter3A_448 = arith.constant 0 : i32
        %scatter3A_449 = arith.constant 0 : i32
        %scatter3A_450 = tpu.memref_slice %arg8[%scan3A_165, %scatter3A_447, %scatter3A_448, %scatter3A_449] : memref<2x4x8x129xf32, #tpu.memory_space<vmem>> -> memref<1x4x8x129xf32, #tpu.memory_space<vmem>>
        %scatter3A_451 = tpu.memref_squeeze %scatter3A_450 : memref<1x4x8x129xf32, #tpu.memory_space<vmem>> -> memref<4x8x129xf32, #tpu.memory_space<vmem>>
        tpu.vector_store_idx %scatter3A_451[%add3A_9, %rem3A_4, %add3A_423], %get3A_446 : memref<4x8x129xf32, #tpu.memory_space<vmem>>[vector<16xi32>, vector<16xi32>, vector<16xi32>], vector<16xf32>,
        %add3A_452 = arith.constant 1 : i32
        %add3A_453 = vector.broadcast %add3A_452 : i32 to vector<16xi32>
        %add3A_454 = arith.addi %add3A_423, %add3A_453 : vector<16xi32>
        %mul3A_455 = arith.constant 16 : i32
        %mul3A_456 = arith.muli %scan3A_331, %mul3A_455 : i32
        %add3A_457 = arith.constant 4 : i32
        %add3A_458 = arith.addi %mul3A_456, %add3A_457 : i32
        %get3A_459 = arith.constant 0 : i32
        %get3A_460 = arith.constant 0 : i32
        %get3A_461 = tpu.memref_slice %arg7[%scan3A_164, %get3A_459, %get3A_460] : memref<2x128x32xf32, #tpu.memory_space<vmem>> -> memref<1x128x32xf32, #tpu.memory_space<vmem>>
        %get3A_462 = tpu.memref_squeeze %get3A_461 : memref<1x128x32xf32, #tpu.memory_space<vmem>> -> memref<128x32xf32, #tpu.memory_space<vmem>>
        %get3A_463 = arith.index_cast %add3A_458 : i32 to index
        %get3A_464 = arith.constant 0 : index
        %get3A_465 = tpu.vector_load %get3A_462[%get3A_463, %get3A_464] {strides = array<i32>} : memref<128x32xf32, #tpu.memory_space<vmem>>, vector<16xf32>,
        %scatter3A_466 = arith.constant 0 : i32
        %scatter3A_467 = arith.constant 0 : i32
        %scatter3A_468 = arith.constant 0 : i32
        %scatter3A_469 = tpu.memref_slice %arg8[%scan3A_165, %scatter3A_466, %scatter3A_467, %scatter3A_468] : memref<2x4x8x129xf32, #tpu.memory_space<vmem>> -> memref<1x4x8x129xf32, #tpu.memory_space<vmem>>
        %scatter3A_470 = tpu.memref_squeeze %scatter3A_469 : memref<1x4x8x129xf32, #tpu.memory_space<vmem>> -> memref<4x8x129xf32, #tpu.memory_space<vmem>>
        tpu.vector_store_idx %scatter3A_470[%div3A_6, %rem3A_4, %add3A_454], %get3A_465 : memref<4x8x129xf32, #tpu.memory_space<vmem>>[vector<16xi32>, vector<16xi32>, vector<16xi32>], vector<16xf32>,
        %get3A_471 = arith.constant 0 : i32
        %get3A_472 = arith.constant 0 : i32
        %get3A_473 = tpu.memref_slice %arg7[%scan3A_164, %get3A_471, %get3A_472] : memref<2x128x32xf32, #tpu.memory_space<vmem>> -> memref<1x128x32xf32, #tpu.memory_space<vmem>>
        %get3A_474 = tpu.memref_squeeze %get3A_473 : memref<1x128x32xf32, #tpu.memory_space<vmem>> -> memref<128x32xf32, #tpu.memory_space<vmem>>
        %get3A_475 = arith.index_cast %add3A_458 : i32 to index
        %get3A_476 = arith.constant 16 : index
        %get3A_477 = tpu.vector_load %get3A_474[%get3A_475, %get3A_476] {strides = array<i32>} : memref<128x32xf32, #tpu.memory_space<vmem>>, vector<16xf32>,
        %scatter3A_478 = arith.constant 0 : i32
        %scatter3A_479 = arith.constant 0 : i32
        %scatter3A_480 = arith.constant 0 : i32
        %scatter3A_481 = tpu.memref_slice %arg8[%scan3A_165, %scatter3A_478, %scatter3A_479, %scatter3A_480] : memref<2x4x8x129xf32, #tpu.memory_space<vmem>> -> memref<1x4x8x129xf32, #tpu.memory_space<vmem>>
        %scatter3A_482 = tpu.memref_squeeze %scatter3A_481 : memref<1x4x8x129xf32, #tpu.memory_space<vmem>> -> memref<4x8x129xf32, #tpu.memory_space<vmem>>
        tpu.vector_store_idx %scatter3A_482[%add3A_9, %rem3A_4, %add3A_454], %get3A_477 : memref<4x8x129xf32, #tpu.memory_space<vmem>>[vector<16xi32>, vector<16xi32>, vector<16xi32>], vector<16xf32>,
        %add3A_483 = arith.constant 1 : i32
        %add3A_484 = vector.broadcast %add3A_483 : i32 to vector<16xi32>
        %add3A_485 = arith.addi %add3A_454, %add3A_484 : vector<16xi32>
        %mul3A_486 = arith.constant 16 : i32
        %mul3A_487 = arith.muli %scan3A_331, %mul3A_486 : i32
        %add3A_488 = arith.constant 5 : i32
        %add3A_489 = arith.addi %mul3A_487, %add3A_488 : i32
        %get3A_490 = arith.constant 0 : i32
        %get3A_491 = arith.constant 0 : i32
        %get3A_492 = tpu.memref_slice %arg7[%scan3A_164, %get3A_490, %get3A_491] : memref<2x128x32xf32, #tpu.memory_space<vmem>> -> memref<1x128x32xf32, #tpu.memory_space<vmem>>
        %get3A_493 = tpu.memref_squeeze %get3A_492 : memref<1x128x32xf32, #tpu.memory_space<vmem>> -> memref<128x32xf32, #tpu.memory_space<vmem>>
        %get3A_494 = arith.index_cast %add3A_489 : i32 to index
        %get3A_495 = arith.constant 0 : index
        %get3A_496 = tpu.vector_load %get3A_493[%get3A_494, %get3A_495] {strides = array<i32>} : memref<128x32xf32, #tpu.memory_space<vmem>>, vector<16xf32>,
        %scatter3A_497 = arith.constant 0 : i32
        %scatter3A_498 = arith.constant 0 : i32
        %scatter3A_499 = arith.constant 0 : i32
        %scatter3A_500 = tpu.memref_slice %arg8[%scan3A_165, %scatter3A_497, %scatter3A_498, %scatter3A_499] : memref<2x4x8x129xf32, #tpu.memory_space<vmem>> -> memref<1x4x8x129xf32, #tpu.memory_space<vmem>>
        %scatter3A_501 = tpu.memref_squeeze %scatter3A_500 : memref<1x4x8x129xf32, #tpu.memory_space<vmem>> -> memref<4x8x129xf32, #tpu.memory_space<vmem>>
        tpu.vector_store_idx %scatter3A_501[%div3A_6, %rem3A_4, %add3A_485], %get3A_496 : memref<4x8x129xf32, #tpu.memory_space<vmem>>[vector<16xi32>, vector<16xi32>, vector<16xi32>], vector<16xf32>,
        %get3A_502 = arith.constant 0 : i32
        %get3A_503 = arith.constant 0 : i32
        %get3A_504 = tpu.memref_slice %arg7[%scan3A_164, %get3A_502, %get3A_503] : memref<2x128x32xf32, #tpu.memory_space<vmem>> -> memref<1x128x32xf32, #tpu.memory_space<vmem>>
        %get3A_505 = tpu.memref_squeeze %get3A_504 : memref<1x128x32xf32, #tpu.memory_space<vmem>> -> memref<128x32xf32, #tpu.memory_space<vmem>>
        %get3A_506 = arith.index_cast %add3A_489 : i32 to index
        %get3A_507 = arith.constant 16 : index
        %get3A_508 = tpu.vector_load %get3A_505[%get3A_506, %get3A_507] {strides = array<i32>} : memref<128x32xf32, #tpu.memory_space<vmem>>, vector<16xf32>,
        %scatter3A_509 = arith.constant 0 : i32
        %scatter3A_510 = arith.constant 0 : i32
        %scatter3A_511 = arith.constant 0 : i32
        %scatter3A_512 = tpu.memref_slice %arg8[%scan3A_165, %scatter3A_509, %scatter3A_510, %scatter3A_511] : memref<2x4x8x129xf32, #tpu.memory_space<vmem>> -> memref<1x4x8x129xf32, #tpu.memory_space<vmem>>
        %scatter3A_513 = tpu.memref_squeeze %scatter3A_512 : memref<1x4x8x129xf32, #tpu.memory_space<vmem>> -> memref<4x8x129xf32, #tpu.memory_space<vmem>>
        tpu.vector_store_idx %scatter3A_513[%add3A_9, %rem3A_4, %add3A_485], %get3A_508 : memref<4x8x129xf32, #tpu.memory_space<vmem>>[vector<16xi32>, vector<16xi32>, vector<16xi32>], vector<16xf32>,
        %add3A_514 = arith.constant 1 : i32
        %add3A_515 = vector.broadcast %add3A_514 : i32 to vector<16xi32>
        %add3A_516 = arith.addi %add3A_485, %add3A_515 : vector<16xi32>
        %mul3A_517 = arith.constant 16 : i32
        %mul3A_518 = arith.muli %scan3A_331, %mul3A_517 : i32
        %add3A_519 = arith.constant 6 : i32
        %add3A_520 = arith.addi %mul3A_518, %add3A_519 : i32
        %get3A_521 = arith.constant 0 : i32
        %get3A_522 = arith.constant 0 : i32
        %get3A_523 = tpu.memref_slice %arg7[%scan3A_164, %get3A_521, %get3A_522] : memref<2x128x32xf32, #tpu.memory_space<vmem>> -> memref<1x128x32xf32, #tpu.memory_space<vmem>>
        %get3A_524 = tpu.memref_squeeze %get3A_523 : memref<1x128x32xf32, #tpu.memory_space<vmem>> -> memref<128x32xf32, #tpu.memory_space<vmem>>
        %get3A_525 = arith.index_cast %add3A_520 : i32 to index
        %get3A_526 = arith.constant 0 : index
        %get3A_527 = tpu.vector_load %get3A_524[%get3A_525, %get3A_526] {strides = array<i32>} : memref<128x32xf32, #tpu.memory_space<vmem>>, vector<16xf32>,
        %scatter3A_528 = arith.constant 0 : i32
        %scatter3A_529 = arith.constant 0 : i32
        %scatter3A_530 = arith.constant 0 : i32
        %scatter3A_531 = tpu.memref_slice %arg8[%scan3A_165, %scatter3A_528, %scatter3A_529, %scatter3A_530] : memref<2x4x8x129xf32, #tpu.memory_space<vmem>> -> memref<1x4x8x129xf32, #tpu.memory_space<vmem>>
        %scatter3A_532 = tpu.memref_squeeze %scatter3A_531 : memref<1x4x8x129xf32, #tpu.memory_space<vmem>> -> memref<4x8x129xf32, #tpu.memory_space<vmem>>
        tpu.vector_store_idx %scatter3A_532[%div3A_6, %rem3A_4, %add3A_516], %get3A_527 : memref<4x8x129xf32, #tpu.memory_space<vmem>>[vector<16xi32>, vector<16xi32>, vector<16xi32>], vector<16xf32>,
        %get3A_533 = arith.constant 0 : i32
        %get3A_534 = arith.constant 0 : i32
        %get3A_535 = tpu.memref_slice %arg7[%scan3A_164, %get3A_533, %get3A_534] : memref<2x128x32xf32, #tpu.memory_space<vmem>> -> memref<1x128x32xf32, #tpu.memory_space<vmem>>
        %get3A_536 = tpu.memref_squeeze %get3A_535 : memref<1x128x32xf32, #tpu.memory_space<vmem>> -> memref<128x32xf32, #tpu.memory_space<vmem>>
        %get3A_537 = arith.index_cast %add3A_520 : i32 to index
        %get3A_538 = arith.constant 16 : index
        %get3A_539 = tpu.vector_load %get3A_536[%get3A_537, %get3A_538] {strides = array<i32>} : memref<128x32xf32, #tpu.memory_space<vmem>>, vector<16xf32>,
        %scatter3A_540 = arith.constant 0 : i32
        %scatter3A_541 = arith.constant 0 : i32
        %scatter3A_542 = arith.constant 0 : i32
        %scatter3A_543 = tpu.memref_slice %arg8[%scan3A_165, %scatter3A_540, %scatter3A_541, %scatter3A_542] : memref<2x4x8x129xf32, #tpu.memory_space<vmem>> -> memref<1x4x8x129xf32, #tpu.memory_space<vmem>>
        %scatter3A_544 = tpu.memref_squeeze %scatter3A_543 : memref<1x4x8x129xf32, #tpu.memory_space<vmem>> -> memref<4x8x129xf32, #tpu.memory_space<vmem>>
        tpu.vector_store_idx %scatter3A_544[%add3A_9, %rem3A_4, %add3A_516], %get3A_539 : memref<4x8x129xf32, #tpu.memory_space<vmem>>[vector<16xi32>, vector<16xi32>, vector<16xi32>], vector<16xf32>,
        %add3A_545 = arith.constant 1 : i32
        %add3A_546 = vector.broadcast %add3A_545 : i32 to vector<16xi32>
        %add3A_547 = arith.addi %add3A_516, %add3A_546 : vector<16xi32>
        %mul3A_548 = arith.constant 16 : i32
        %mul3A_549 = arith.muli %scan3A_331, %mul3A_548 : i32
        %add3A_550 = arith.constant 7 : i32
        %add3A_551 = arith.addi %mul3A_549, %add3A_550 : i32
        %get3A_552 = arith.constant 0 : i32
        %get3A_553 = arith.constant 0 : i32
        %get3A_554 = tpu.memref_slice %arg7[%scan3A_164, %get3A_552, %get3A_553] : memref<2x128x32xf32, #tpu.memory_space<vmem>> -> memref<1x128x32xf32, #tpu.memory_space<vmem>>
        %get3A_555 = tpu.memref_squeeze %get3A_554 : memref<1x128x32xf32, #tpu.memory_space<vmem>> -> memref<128x32xf32, #tpu.memory_space<vmem>>
        %get3A_556 = arith.index_cast %add3A_551 : i32 to index
        %get3A_557 = arith.constant 0 : index
        %get3A_558 = tpu.vector_load %get3A_555[%get3A_556, %get3A_557] {strides = array<i32>} : memref<128x32xf32, #tpu.memory_space<vmem>>, vector<16xf32>,
        %scatter3A_559 = arith.constant 0 : i32
        %scatter3A_560 = arith.constant 0 : i32
        %scatter3A_561 = arith.constant 0 : i32
        %scatter3A_562 = tpu.memref_slice %arg8[%scan3A_165, %scatter3A_559, %scatter3A_560, %scatter3A_561] : memref<2x4x8x129xf32, #tpu.memory_space<vmem>> -> memref<1x4x8x129xf32, #tpu.memory_space<vmem>>
        %scatter3A_563 = tpu.memref_squeeze %scatter3A_562 : memref<1x4x8x129xf32, #tpu.memory_space<vmem>> -> memref<4x8x129xf32, #tpu.memory_space<vmem>>
        tpu.vector_store_idx %scatter3A_563[%div3A_6, %rem3A_4, %add3A_547], %get3A_558 : memref<4x8x129xf32, #tpu.memory_space<vmem>>[vector<16xi32>, vector<16xi32>, vector<16xi32>], vector<16xf32>,
        %get3A_564 = arith.constant 0 : i32
        %get3A_565 = arith.constant 0 : i32
        %get3A_566 = tpu.memref_slice %arg7[%scan3A_164, %get3A_564, %get3A_565] : memref<2x128x32xf32, #tpu.memory_space<vmem>> -> memref<1x128x32xf32, #tpu.memory_space<vmem>>
        %get3A_567 = tpu.memref_squeeze %get3A_566 : memref<1x128x32xf32, #tpu.memory_space<vmem>> -> memref<128x32xf32, #tpu.memory_space<vmem>>
        %get3A_568 = arith.index_cast %add3A_551 : i32 to index
        %get3A_569 = arith.constant 16 : index
        %get3A_570 = tpu.vector_load %get3A_567[%get3A_568, %get3A_569] {strides = array<i32>} : memref<128x32xf32, #tpu.memory_space<vmem>>, vector<16xf32>,
        %scatter3A_571 = arith.constant 0 : i32
        %scatter3A_572 = arith.constant 0 : i32
        %scatter3A_573 = arith.constant 0 : i32
        %scatter3A_574 = tpu.memref_slice %arg8[%scan3A_165, %scatter3A_571, %scatter3A_572, %scatter3A_573] : memref<2x4x8x129xf32, #tpu.memory_space<vmem>> -> memref<1x4x8x129xf32, #tpu.memory_space<vmem>>
        %scatter3A_575 = tpu.memref_squeeze %scatter3A_574 : memref<1x4x8x129xf32, #tpu.memory_space<vmem>> -> memref<4x8x129xf32, #tpu.memory_space<vmem>>
        tpu.vector_store_idx %scatter3A_575[%add3A_9, %rem3A_4, %add3A_547], %get3A_570 : memref<4x8x129xf32, #tpu.memory_space<vmem>>[vector<16xi32>, vector<16xi32>, vector<16xi32>], vector<16xf32>,
        %add3A_576 = arith.constant 1 : i32
        %add3A_577 = vector.broadcast %add3A_576 : i32 to vector<16xi32>
        %add3A_578 = arith.addi %add3A_547, %add3A_577 : vector<16xi32>
        %mul3A_579 = arith.constant 16 : i32
        %mul3A_580 = arith.muli %scan3A_331, %mul3A_579 : i32
        %add3A_581 = arith.constant 8 : i32
        %add3A_582 = arith.addi %mul3A_580, %add3A_581 : i32
        %get3A_583 = arith.constant 0 : i32
        %get3A_584 = arith.constant 0 : i32
        %get3A_585 = tpu.memref_slice %arg7[%scan3A_164, %get3A_583, %get3A_584] : memref<2x128x32xf32, #tpu.memory_space<vmem>> -> memref<1x128x32xf32, #tpu.memory_space<vmem>>
        %get3A_586 = tpu.memref_squeeze %get3A_585 : memref<1x128x32xf32, #tpu.memory_space<vmem>> -> memref<128x32xf32, #tpu.memory_space<vmem>>
        %get3A_587 = arith.index_cast %add3A_582 : i32 to index
        %get3A_588 = arith.constant 0 : index
        %get3A_589 = tpu.vector_load %get3A_586[%get3A_587, %get3A_588] {strides = array<i32>} : memref<128x32xf32, #tpu.memory_space<vmem>>, vector<16xf32>,
        %scatter3A_590 = arith.constant 0 : i32
        %scatter3A_591 = arith.constant 0 : i32
        %scatter3A_592 = arith.constant 0 : i32
        %scatter3A_593 = tpu.memref_slice %arg8[%scan3A_165, %scatter3A_590, %scatter3A_591, %scatter3A_592] : memref<2x4x8x129xf32, #tpu.memory_space<vmem>> -> memref<1x4x8x129xf32, #tpu.memory_space<vmem>>
        %scatter3A_594 = tpu.memref_squeeze %scatter3A_593 : memref<1x4x8x129xf32, #tpu.memory_space<vmem>> -> memref<4x8x129xf32, #tpu.memory_space<vmem>>
        tpu.vector_store_idx %scatter3A_594[%div3A_6, %rem3A_4, %add3A_578], %get3A_589 : memref<4x8x129xf32, #tpu.memory_space<vmem>>[vector<16xi32>, vector<16xi32>, vector<16xi32>], vector<16xf32>,
        %get3A_595 = arith.constant 0 : i32
        %get3A_596 = arith.constant 0 : i32
        %get3A_597 = tpu.memref_slice %arg7[%scan3A_164, %get3A_595, %get3A_596] : memref<2x128x32xf32, #tpu.memory_space<vmem>> -> memref<1x128x32xf32, #tpu.memory_space<vmem>>
        %get3A_598 = tpu.memref_squeeze %get3A_597 : memref<1x128x32xf32, #tpu.memory_space<vmem>> -> memref<128x32xf32, #tpu.memory_space<vmem>>
        %get3A_599 = arith.index_cast %add3A_582 : i32 to index
        %get3A_600 = arith.constant 16 : index
        %get3A_601 = tpu.vector_load %get3A_598[%get3A_599, %get3A_600] {strides = array<i32>} : memref<128x32xf32, #tpu.memory_space<vmem>>, vector<16xf32>,
        %scatter3A_602 = arith.constant 0 : i32
        %scatter3A_603 = arith.constant 0 : i32
        %scatter3A_604 = arith.constant 0 : i32
        %scatter3A_605 = tpu.memref_slice %arg8[%scan3A_165, %scatter3A_602, %scatter3A_603, %scatter3A_604] : memref<2x4x8x129xf32, #tpu.memory_space<vmem>> -> memref<1x4x8x129xf32, #tpu.memory_space<vmem>>
        %scatter3A_606 = tpu.memref_squeeze %scatter3A_605 : memref<1x4x8x129xf32, #tpu.memory_space<vmem>> -> memref<4x8x129xf32, #tpu.memory_space<vmem>>
        tpu.vector_store_idx %scatter3A_606[%add3A_9, %rem3A_4, %add3A_578], %get3A_601 : memref<4x8x129xf32, #tpu.memory_space<vmem>>[vector<16xi32>, vector<16xi32>, vector<16xi32>], vector<16xf32>,
        %add3A_607 = arith.constant 1 : i32
        %add3A_608 = vector.broadcast %add3A_607 : i32 to vector<16xi32>
        %add3A_609 = arith.addi %add3A_578, %add3A_608 : vector<16xi32>
        %mul3A_610 = arith.constant 16 : i32
        %mul3A_611 = arith.muli %scan3A_331, %mul3A_610 : i32
        %add3A_612 = arith.constant 9 : i32
        %add3A_613 = arith.addi %mul3A_611, %add3A_612 : i32
        %get3A_614 = arith.constant 0 : i32
        %get3A_615 = arith.constant 0 : i32
        %get3A_616 = tpu.memref_slice %arg7[%scan3A_164, %get3A_614, %get3A_615] : memref<2x128x32xf32, #tpu.memory_space<vmem>> -> memref<1x128x32xf32, #tpu.memory_space<vmem>>
        %get3A_617 = tpu.memref_squeeze %get3A_616 : memref<1x128x32xf32, #tpu.memory_space<vmem>> -> memref<128x32xf32, #tpu.memory_space<vmem>>
        %get3A_618 = arith.index_cast %add3A_613 : i32 to index
        %get3A_619 = arith.constant 0 : index
        %get3A_620 = tpu.vector_load %get3A_617[%get3A_618, %get3A_619] {strides = array<i32>} : memref<128x32xf32, #tpu.memory_space<vmem>>, vector<16xf32>,
        %scatter3A_621 = arith.constant 0 : i32
        %scatter3A_622 = arith.constant 0 : i32
        %scatter3A_623 = arith.constant 0 : i32
        %scatter3A_624 = tpu.memref_slice %arg8[%scan3A_165, %scatter3A_621, %scatter3A_622, %scatter3A_623] : memref<2x4x8x129xf32, #tpu.memory_space<vmem>> -> memref<1x4x8x129xf32, #tpu.memory_space<vmem>>
        %scatter3A_625 = tpu.memref_squeeze %scatter3A_624 : memref<1x4x8x129xf32, #tpu.memory_space<vmem>> -> memref<4x8x129xf32, #tpu.memory_space<vmem>>
        tpu.vector_store_idx %scatter3A_625[%div3A_6, %rem3A_4, %add3A_609], %get3A_620 : memref<4x8x129xf32, #tpu.memory_space<vmem>>[vector<16xi32>, vector<16xi32>, vector<16xi32>], vector<16xf32>,
        %get3A_626 = arith.constant 0 : i32
        %get3A_627 = arith.constant 0 : i32
        %get3A_628 = tpu.memref_slice %arg7[%scan3A_164, %get3A_626, %get3A_627] : memref<2x128x32xf32, #tpu.memory_space<vmem>> -> memref<1x128x32xf32, #tpu.memory_space<vmem>>
        %get3A_629 = tpu.memref_squeeze %get3A_628 : memref<1x128x32xf32, #tpu.memory_space<vmem>> -> memref<128x32xf32, #tpu.memory_space<vmem>>
        %get3A_630 = arith.index_cast %add3A_613 : i32 to index
        %get3A_631 = arith.constant 16 : index
        %get3A_632 = tpu.vector_load %get3A_629[%get3A_630, %get3A_631] {strides = array<i32>} : memref<128x32xf32, #tpu.memory_space<vmem>>, vector<16xf32>,
        %scatter3A_633 = arith.constant 0 : i32
        %scatter3A_634 = arith.constant 0 : i32
        %scatter3A_635 = arith.constant 0 : i32
        %scatter3A_636 = tpu.memref_slice %arg8[%scan3A_165, %scatter3A_633, %scatter3A_634, %scatter3A_635] : memref<2x4x8x129xf32, #tpu.memory_space<vmem>> -> memref<1x4x8x129xf32, #tpu.memory_space<vmem>>
        %scatter3A_637 = tpu.memref_squeeze %scatter3A_636 : memref<1x4x8x129xf32, #tpu.memory_space<vmem>> -> memref<4x8x129xf32, #tpu.memory_space<vmem>>
        tpu.vector_store_idx %scatter3A_637[%add3A_9, %rem3A_4, %add3A_609], %get3A_632 : memref<4x8x129xf32, #tpu.memory_space<vmem>>[vector<16xi32>, vector<16xi32>, vector<16xi32>], vector<16xf32>,
        %add3A_638 = arith.constant 1 : i32
        %add3A_639 = vector.broadcast %add3A_638 : i32 to vector<16xi32>
        %add3A_640 = arith.addi %add3A_609, %add3A_639 : vector<16xi32>
        %mul3A_641 = arith.constant 16 : i32
        %mul3A_642 = arith.muli %scan3A_331, %mul3A_641 : i32
        %add3A_643 = arith.constant 10 : i32
        %add3A_644 = arith.addi %mul3A_642, %add3A_643 : i32
        %get3A_645 = arith.constant 0 : i32
        %get3A_646 = arith.constant 0 : i32
        %get3A_647 = tpu.memref_slice %arg7[%scan3A_164, %get3A_645, %get3A_646] : memref<2x128x32xf32, #tpu.memory_space<vmem>> -> memref<1x128x32xf32, #tpu.memory_space<vmem>>
        %get3A_648 = tpu.memref_squeeze %get3A_647 : memref<1x128x32xf32, #tpu.memory_space<vmem>> -> memref<128x32xf32, #tpu.memory_space<vmem>>
        %get3A_649 = arith.index_cast %add3A_644 : i32 to index
        %get3A_650 = arith.constant 0 : index
        %get3A_651 = tpu.vector_load %get3A_648[%get3A_649, %get3A_650] {strides = array<i32>} : memref<128x32xf32, #tpu.memory_space<vmem>>, vector<16xf32>,
        %scatter3A_652 = arith.constant 0 : i32
        %scatter3A_653 = arith.constant 0 : i32
        %scatter3A_654 = arith.constant 0 : i32
        %scatter3A_655 = tpu.memref_slice %arg8[%scan3A_165, %scatter3A_652, %scatter3A_653, %scatter3A_654] : memref<2x4x8x129xf32, #tpu.memory_space<vmem>> -> memref<1x4x8x129xf32, #tpu.memory_space<vmem>>
        %scatter3A_656 = tpu.memref_squeeze %scatter3A_655 : memref<1x4x8x129xf32, #tpu.memory_space<vmem>> -> memref<4x8x129xf32, #tpu.memory_space<vmem>>
        tpu.vector_store_idx %scatter3A_656[%div3A_6, %rem3A_4, %add3A_640], %get3A_651 : memref<4x8x129xf32, #tpu.memory_space<vmem>>[vector<16xi32>, vector<16xi32>, vector<16xi32>], vector<16xf32>,
        %get3A_657 = arith.constant 0 : i32
        %get3A_658 = arith.constant 0 : i32
        %get3A_659 = tpu.memref_slice %arg7[%scan3A_164, %get3A_657, %get3A_658] : memref<2x128x32xf32, #tpu.memory_space<vmem>> -> memref<1x128x32xf32, #tpu.memory_space<vmem>>
        %get3A_660 = tpu.memref_squeeze %get3A_659 : memref<1x128x32xf32, #tpu.memory_space<vmem>> -> memref<128x32xf32, #tpu.memory_space<vmem>>
        %get3A_661 = arith.index_cast %add3A_644 : i32 to index
        %get3A_662 = arith.constant 16 : index
        %get3A_663 = tpu.vector_load %get3A_660[%get3A_661, %get3A_662] {strides = array<i32>} : memref<128x32xf32, #tpu.memory_space<vmem>>, vector<16xf32>,
        %scatter3A_664 = arith.constant 0 : i32
        %scatter3A_665 = arith.constant 0 : i32
        %scatter3A_666 = arith.constant 0 : i32
        %scatter3A_667 = tpu.memref_slice %arg8[%scan3A_165, %scatter3A_664, %scatter3A_665, %scatter3A_666] : memref<2x4x8x129xf32, #tpu.memory_space<vmem>> -> memref<1x4x8x129xf32, #tpu.memory_space<vmem>>
        %scatter3A_668 = tpu.memref_squeeze %scatter3A_667 : memref<1x4x8x129xf32, #tpu.memory_space<vmem>> -> memref<4x8x129xf32, #tpu.memory_space<vmem>>
        tpu.vector_store_idx %scatter3A_668[%add3A_9, %rem3A_4, %add3A_640], %get3A_663 : memref<4x8x129xf32, #tpu.memory_space<vmem>>[vector<16xi32>, vector<16xi32>, vector<16xi32>], vector<16xf32>,
        %add3A_669 = arith.constant 1 : i32
        %add3A_670 = vector.broadcast %add3A_669 : i32 to vector<16xi32>
        %add3A_671 = arith.addi %add3A_640, %add3A_670 : vector<16xi32>
        %mul3A_672 = arith.constant 16 : i32
        %mul3A_673 = arith.muli %scan3A_331, %mul3A_672 : i32
        %add3A_674 = arith.constant 11 : i32
        %add3A_675 = arith.addi %mul3A_673, %add3A_674 : i32
        %get3A_676 = arith.constant 0 : i32
        %get3A_677 = arith.constant 0 : i32
        %get3A_678 = tpu.memref_slice %arg7[%scan3A_164, %get3A_676, %get3A_677] : memref<2x128x32xf32, #tpu.memory_space<vmem>> -> memref<1x128x32xf32, #tpu.memory_space<vmem>>
        %get3A_679 = tpu.memref_squeeze %get3A_678 : memref<1x128x32xf32, #tpu.memory_space<vmem>> -> memref<128x32xf32, #tpu.memory_space<vmem>>
        %get3A_680 = arith.index_cast %add3A_675 : i32 to index
        %get3A_681 = arith.constant 0 : index
        %get3A_682 = tpu.vector_load %get3A_679[%get3A_680, %get3A_681] {strides = array<i32>} : memref<128x32xf32, #tpu.memory_space<vmem>>, vector<16xf32>,
        %scatter3A_683 = arith.constant 0 : i32
        %scatter3A_684 = arith.constant 0 : i32
        %scatter3A_685 = arith.constant 0 : i32
        %scatter3A_686 = tpu.memref_slice %arg8[%scan3A_165, %scatter3A_683, %scatter3A_684, %scatter3A_685] : memref<2x4x8x129xf32, #tpu.memory_space<vmem>> -> memref<1x4x8x129xf32, #tpu.memory_space<vmem>>
        %scatter3A_687 = tpu.memref_squeeze %scatter3A_686 : memref<1x4x8x129xf32, #tpu.memory_space<vmem>> -> memref<4x8x129xf32, #tpu.memory_space<vmem>>
        tpu.vector_store_idx %scatter3A_687[%div3A_6, %rem3A_4, %add3A_671], %get3A_682 : memref<4x8x129xf32, #tpu.memory_space<vmem>>[vector<16xi32>, vector<16xi32>, vector<16xi32>], vector<16xf32>,
        %get3A_688 = arith.constant 0 : i32
        %get3A_689 = arith.constant 0 : i32
        %get3A_690 = tpu.memref_slice %arg7[%scan3A_164, %get3A_688, %get3A_689] : memref<2x128x32xf32, #tpu.memory_space<vmem>> -> memref<1x128x32xf32, #tpu.memory_space<vmem>>
        %get3A_691 = tpu.memref_squeeze %get3A_690 : memref<1x128x32xf32, #tpu.memory_space<vmem>> -> memref<128x32xf32, #tpu.memory_space<vmem>>
        %get3A_692 = arith.index_cast %add3A_675 : i32 to index
        %get3A_693 = arith.constant 16 : index
        %get3A_694 = tpu.vector_load %get3A_691[%get3A_692, %get3A_693] {strides = array<i32>} : memref<128x32xf32, #tpu.memory_space<vmem>>, vector<16xf32>,
        %scatter3A_695 = arith.constant 0 : i32
        %scatter3A_696 = arith.constant 0 : i32
        %scatter3A_697 = arith.constant 0 : i32
        %scatter3A_698 = tpu.memref_slice %arg8[%scan3A_165, %scatter3A_695, %scatter3A_696, %scatter3A_697] : memref<2x4x8x129xf32, #tpu.memory_space<vmem>> -> memref<1x4x8x129xf32, #tpu.memory_space<vmem>>
        %scatter3A_699 = tpu.memref_squeeze %scatter3A_698 : memref<1x4x8x129xf32, #tpu.memory_space<vmem>> -> memref<4x8x129xf32, #tpu.memory_space<vmem>>
        tpu.vector_store_idx %scatter3A_699[%add3A_9, %rem3A_4, %add3A_671], %get3A_694 : memref<4x8x129xf32, #tpu.memory_space<vmem>>[vector<16xi32>, vector<16xi32>, vector<16xi32>], vector<16xf32>,
        %add3A_700 = arith.constant 1 : i32
        %add3A_701 = vector.broadcast %add3A_700 : i32 to vector<16xi32>
        %add3A_702 = arith.addi %add3A_671, %add3A_701 : vector<16xi32>
        %mul3A_703 = arith.constant 16 : i32
        %mul3A_704 = arith.muli %scan3A_331, %mul3A_703 : i32
        %add3A_705 = arith.constant 12 : i32
        %add3A_706 = arith.addi %mul3A_704, %add3A_705 : i32
        %get3A_707 = arith.constant 0 : i32
        %get3A_708 = arith.constant 0 : i32
        %get3A_709 = tpu.memref_slice %arg7[%scan3A_164, %get3A_707, %get3A_708] : memref<2x128x32xf32, #tpu.memory_space<vmem>> -> memref<1x128x32xf32, #tpu.memory_space<vmem>>
        %get3A_710 = tpu.memref_squeeze %get3A_709 : memref<1x128x32xf32, #tpu.memory_space<vmem>> -> memref<128x32xf32, #tpu.memory_space<vmem>>
        %get3A_711 = arith.index_cast %add3A_706 : i32 to index
        %get3A_712 = arith.constant 0 : index
        %get3A_713 = tpu.vector_load %get3A_710[%get3A_711, %get3A_712] {strides = array<i32>} : memref<128x32xf32, #tpu.memory_space<vmem>>, vector<16xf32>,
        %scatter3A_714 = arith.constant 0 : i32
        %scatter3A_715 = arith.constant 0 : i32
        %scatter3A_716 = arith.constant 0 : i32
        %scatter3A_717 = tpu.memref_slice %arg8[%scan3A_165, %scatter3A_714, %scatter3A_715, %scatter3A_716] : memref<2x4x8x129xf32, #tpu.memory_space<vmem>> -> memref<1x4x8x129xf32, #tpu.memory_space<vmem>>
        %scatter3A_718 = tpu.memref_squeeze %scatter3A_717 : memref<1x4x8x129xf32, #tpu.memory_space<vmem>> -> memref<4x8x129xf32, #tpu.memory_space<vmem>>
        tpu.vector_store_idx %scatter3A_718[%div3A_6, %rem3A_4, %add3A_702], %get3A_713 : memref<4x8x129xf32, #tpu.memory_space<vmem>>[vector<16xi32>, vector<16xi32>, vector<16xi32>], vector<16xf32>,
        %get3A_719 = arith.constant 0 : i32
        %get3A_720 = arith.constant 0 : i32
        %get3A_721 = tpu.memref_slice %arg7[%scan3A_164, %get3A_719, %get3A_720] : memref<2x128x32xf32, #tpu.memory_space<vmem>> -> memref<1x128x32xf32, #tpu.memory_space<vmem>>
        %get3A_722 = tpu.memref_squeeze %get3A_721 : memref<1x128x32xf32, #tpu.memory_space<vmem>> -> memref<128x32xf32, #tpu.memory_space<vmem>>
        %get3A_723 = arith.index_cast %add3A_706 : i32 to index
        %get3A_724 = arith.constant 16 : index
        %get3A_725 = tpu.vector_load %get3A_722[%get3A_723, %get3A_724] {strides = array<i32>} : memref<128x32xf32, #tpu.memory_space<vmem>>, vector<16xf32>,
        %scatter3A_726 = arith.constant 0 : i32
        %scatter3A_727 = arith.constant 0 : i32
        %scatter3A_728 = arith.constant 0 : i32
        %scatter3A_729 = tpu.memref_slice %arg8[%scan3A_165, %scatter3A_726, %scatter3A_727, %scatter3A_728] : memref<2x4x8x129xf32, #tpu.memory_space<vmem>> -> memref<1x4x8x129xf32, #tpu.memory_space<vmem>>
        %scatter3A_730 = tpu.memref_squeeze %scatter3A_729 : memref<1x4x8x129xf32, #tpu.memory_space<vmem>> -> memref<4x8x129xf32, #tpu.memory_space<vmem>>
        tpu.vector_store_idx %scatter3A_730[%add3A_9, %rem3A_4, %add3A_702], %get3A_725 : memref<4x8x129xf32, #tpu.memory_space<vmem>>[vector<16xi32>, vector<16xi32>, vector<16xi32>], vector<16xf32>,
        %add3A_731 = arith.constant 1 : i32
        %add3A_732 = vector.broadcast %add3A_731 : i32 to vector<16xi32>
        %add3A_733 = arith.addi %add3A_702, %add3A_732 : vector<16xi32>
        %mul3A_734 = arith.constant 16 : i32
        %mul3A_735 = arith.muli %scan3A_331, %mul3A_734 : i32
        %add3A_736 = arith.constant 13 : i32
        %add3A_737 = arith.addi %mul3A_735, %add3A_736 : i32
        %get3A_738 = arith.constant 0 : i32
        %get3A_739 = arith.constant 0 : i32
        %get3A_740 = tpu.memref_slice %arg7[%scan3A_164, %get3A_738, %get3A_739] : memref<2x128x32xf32, #tpu.memory_space<vmem>> -> memref<1x128x32xf32, #tpu.memory_space<vmem>>
        %get3A_741 = tpu.memref_squeeze %get3A_740 : memref<1x128x32xf32, #tpu.memory_space<vmem>> -> memref<128x32xf32, #tpu.memory_space<vmem>>
        %get3A_742 = arith.index_cast %add3A_737 : i32 to index
        %get3A_743 = arith.constant 0 : index
        %get3A_744 = tpu.vector_load %get3A_741[%get3A_742, %get3A_743] {strides = array<i32>} : memref<128x32xf32, #tpu.memory_space<vmem>>, vector<16xf32>,
        %scatter3A_745 = arith.constant 0 : i32
        %scatter3A_746 = arith.constant 0 : i32
        %scatter3A_747 = arith.constant 0 : i32
        %scatter3A_748 = tpu.memref_slice %arg8[%scan3A_165, %scatter3A_745, %scatter3A_746, %scatter3A_747] : memref<2x4x8x129xf32, #tpu.memory_space<vmem>> -> memref<1x4x8x129xf32, #tpu.memory_space<vmem>>
        %scatter3A_749 = tpu.memref_squeeze %scatter3A_748 : memref<1x4x8x129xf32, #tpu.memory_space<vmem>> -> memref<4x8x129xf32, #tpu.memory_space<vmem>>
        tpu.vector_store_idx %scatter3A_749[%div3A_6, %rem3A_4, %add3A_733], %get3A_744 : memref<4x8x129xf32, #tpu.memory_space<vmem>>[vector<16xi32>, vector<16xi32>, vector<16xi32>], vector<16xf32>,
        %get3A_750 = arith.constant 0 : i32
        %get3A_751 = arith.constant 0 : i32
        %get3A_752 = tpu.memref_slice %arg7[%scan3A_164, %get3A_750, %get3A_751] : memref<2x128x32xf32, #tpu.memory_space<vmem>> -> memref<1x128x32xf32, #tpu.memory_space<vmem>>
        %get3A_753 = tpu.memref_squeeze %get3A_752 : memref<1x128x32xf32, #tpu.memory_space<vmem>> -> memref<128x32xf32, #tpu.memory_space<vmem>>
        %get3A_754 = arith.index_cast %add3A_737 : i32 to index
        %get3A_755 = arith.constant 16 : index
        %get3A_756 = tpu.vector_load %get3A_753[%get3A_754, %get3A_755] {strides = array<i32>} : memref<128x32xf32, #tpu.memory_space<vmem>>, vector<16xf32>,
        %scatter3A_757 = arith.constant 0 : i32
        %scatter3A_758 = arith.constant 0 : i32
        %scatter3A_759 = arith.constant 0 : i32
        %scatter3A_760 = tpu.memref_slice %arg8[%scan3A_165, %scatter3A_757, %scatter3A_758, %scatter3A_759] : memref<2x4x8x129xf32, #tpu.memory_space<vmem>> -> memref<1x4x8x129xf32, #tpu.memory_space<vmem>>
        %scatter3A_761 = tpu.memref_squeeze %scatter3A_760 : memref<1x4x8x129xf32, #tpu.memory_space<vmem>> -> memref<4x8x129xf32, #tpu.memory_space<vmem>>
        tpu.vector_store_idx %scatter3A_761[%add3A_9, %rem3A_4, %add3A_733], %get3A_756 : memref<4x8x129xf32, #tpu.memory_space<vmem>>[vector<16xi32>, vector<16xi32>, vector<16xi32>], vector<16xf32>,
        %add3A_762 = arith.constant 1 : i32
        %add3A_763 = vector.broadcast %add3A_762 : i32 to vector<16xi32>
        %add3A_764 = arith.addi %add3A_733, %add3A_763 : vector<16xi32>
        %mul3A_765 = arith.constant 16 : i32
        %mul3A_766 = arith.muli %scan3A_331, %mul3A_765 : i32
        %add3A_767 = arith.constant 14 : i32
        %add3A_768 = arith.addi %mul3A_766, %add3A_767 : i32
        %get3A_769 = arith.constant 0 : i32
        %get3A_770 = arith.constant 0 : i32
        %get3A_771 = tpu.memref_slice %arg7[%scan3A_164, %get3A_769, %get3A_770] : memref<2x128x32xf32, #tpu.memory_space<vmem>> -> memref<1x128x32xf32, #tpu.memory_space<vmem>>
        %get3A_772 = tpu.memref_squeeze %get3A_771 : memref<1x128x32xf32, #tpu.memory_space<vmem>> -> memref<128x32xf32, #tpu.memory_space<vmem>>
        %get3A_773 = arith.index_cast %add3A_768 : i32 to index
        %get3A_774 = arith.constant 0 : index
        %get3A_775 = tpu.vector_load %get3A_772[%get3A_773, %get3A_774] {strides = array<i32>} : memref<128x32xf32, #tpu.memory_space<vmem>>, vector<16xf32>,
        %scatter3A_776 = arith.constant 0 : i32
        %scatter3A_777 = arith.constant 0 : i32
        %scatter3A_778 = arith.constant 0 : i32
        %scatter3A_779 = tpu.memref_slice %arg8[%scan3A_165, %scatter3A_776, %scatter3A_777, %scatter3A_778] : memref<2x4x8x129xf32, #tpu.memory_space<vmem>> -> memref<1x4x8x129xf32, #tpu.memory_space<vmem>>
        %scatter3A_780 = tpu.memref_squeeze %scatter3A_779 : memref<1x4x8x129xf32, #tpu.memory_space<vmem>> -> memref<4x8x129xf32, #tpu.memory_space<vmem>>
        tpu.vector_store_idx %scatter3A_780[%div3A_6, %rem3A_4, %add3A_764], %get3A_775 : memref<4x8x129xf32, #tpu.memory_space<vmem>>[vector<16xi32>, vector<16xi32>, vector<16xi32>], vector<16xf32>,
        %get3A_781 = arith.constant 0 : i32
        %get3A_782 = arith.constant 0 : i32
        %get3A_783 = tpu.memref_slice %arg7[%scan3A_164, %get3A_781, %get3A_782] : memref<2x128x32xf32, #tpu.memory_space<vmem>> -> memref<1x128x32xf32, #tpu.memory_space<vmem>>
        %get3A_784 = tpu.memref_squeeze %get3A_783 : memref<1x128x32xf32, #tpu.memory_space<vmem>> -> memref<128x32xf32, #tpu.memory_space<vmem>>
        %get3A_785 = arith.index_cast %add3A_768 : i32 to index
        %get3A_786 = arith.constant 16 : index
        %get3A_787 = tpu.vector_load %get3A_784[%get3A_785, %get3A_786] {strides = array<i32>} : memref<128x32xf32, #tpu.memory_space<vmem>>, vector<16xf32>,
        %scatter3A_788 = arith.constant 0 : i32
        %scatter3A_789 = arith.constant 0 : i32
        %scatter3A_790 = arith.constant 0 : i32
        %scatter3A_791 = tpu.memref_slice %arg8[%scan3A_165, %scatter3A_788, %scatter3A_789, %scatter3A_790] : memref<2x4x8x129xf32, #tpu.memory_space<vmem>> -> memref<1x4x8x129xf32, #tpu.memory_space<vmem>>
        %scatter3A_792 = tpu.memref_squeeze %scatter3A_791 : memref<1x4x8x129xf32, #tpu.memory_space<vmem>> -> memref<4x8x129xf32, #tpu.memory_space<vmem>>
        tpu.vector_store_idx %scatter3A_792[%add3A_9, %rem3A_4, %add3A_764], %get3A_787 : memref<4x8x129xf32, #tpu.memory_space<vmem>>[vector<16xi32>, vector<16xi32>, vector<16xi32>], vector<16xf32>,
        %add3A_793 = arith.constant 1 : i32
        %add3A_794 = vector.broadcast %add3A_793 : i32 to vector<16xi32>
        %add3A_795 = arith.addi %add3A_764, %add3A_794 : vector<16xi32>
        %mul3A_796 = arith.constant 16 : i32
        %mul3A_797 = arith.muli %scan3A_331, %mul3A_796 : i32
        %add3A_798 = arith.constant 15 : i32
        %add3A_799 = arith.addi %mul3A_797, %add3A_798 : i32
        %get3A_800 = arith.constant 0 : i32
        %get3A_801 = arith.constant 0 : i32
        %get3A_802 = tpu.memref_slice %arg7[%scan3A_164, %get3A_800, %get3A_801] : memref<2x128x32xf32, #tpu.memory_space<vmem>> -> memref<1x128x32xf32, #tpu.memory_space<vmem>>
        %get3A_803 = tpu.memref_squeeze %get3A_802 : memref<1x128x32xf32, #tpu.memory_space<vmem>> -> memref<128x32xf32, #tpu.memory_space<vmem>>
        %get3A_804 = arith.index_cast %add3A_799 : i32 to index
        %get3A_805 = arith.constant 0 : index
        %get3A_806 = tpu.vector_load %get3A_803[%get3A_804, %get3A_805] {strides = array<i32>} : memref<128x32xf32, #tpu.memory_space<vmem>>, vector<16xf32>,
        %scatter3A_807 = arith.constant 0 : i32
        %scatter3A_808 = arith.constant 0 : i32
        %scatter3A_809 = arith.constant 0 : i32
        %scatter3A_810 = tpu.memref_slice %arg8[%scan3A_165, %scatter3A_807, %scatter3A_808, %scatter3A_809] : memref<2x4x8x129xf32, #tpu.memory_space<vmem>> -> memref<1x4x8x129xf32, #tpu.memory_space<vmem>>
        %scatter3A_811 = tpu.memref_squeeze %scatter3A_810 : memref<1x4x8x129xf32, #tpu.memory_space<vmem>> -> memref<4x8x129xf32, #tpu.memory_space<vmem>>
        tpu.vector_store_idx %scatter3A_811[%div3A_6, %rem3A_4, %add3A_795], %get3A_806 : memref<4x8x129xf32, #tpu.memory_space<vmem>>[vector<16xi32>, vector<16xi32>, vector<16xi32>], vector<16xf32>,
        %get3A_812 = arith.constant 0 : i32
        %get3A_813 = arith.constant 0 : i32
        %get3A_814 = tpu.memref_slice %arg7[%scan3A_164, %get3A_812, %get3A_813] : memref<2x128x32xf32, #tpu.memory_space<vmem>> -> memref<1x128x32xf32, #tpu.memory_space<vmem>>
        %get3A_815 = tpu.memref_squeeze %get3A_814 : memref<1x128x32xf32, #tpu.memory_space<vmem>> -> memref<128x32xf32, #tpu.memory_space<vmem>>
        %get3A_816 = arith.index_cast %add3A_799 : i32 to index
        %get3A_817 = arith.constant 16 : index
        %get3A_818 = tpu.vector_load %get3A_815[%get3A_816, %get3A_817] {strides = array<i32>} : memref<128x32xf32, #tpu.memory_space<vmem>>, vector<16xf32>,
        %scatter3A_819 = arith.constant 0 : i32
        %scatter3A_820 = arith.constant 0 : i32
        %scatter3A_821 = arith.constant 0 : i32
        %scatter3A_822 = tpu.memref_slice %arg8[%scan3A_165, %scatter3A_819, %scatter3A_820, %scatter3A_821] : memref<2x4x8x129xf32, #tpu.memory_space<vmem>> -> memref<1x4x8x129xf32, #tpu.memory_space<vmem>>
        %scatter3A_823 = tpu.memref_squeeze %scatter3A_822 : memref<1x4x8x129xf32, #tpu.memory_space<vmem>> -> memref<4x8x129xf32, #tpu.memory_space<vmem>>
        tpu.vector_store_idx %scatter3A_823[%add3A_9, %rem3A_4, %add3A_795], %get3A_818 : memref<4x8x129xf32, #tpu.memory_space<vmem>>[vector<16xi32>, vector<16xi32>, vector<16xi32>], vector<16xf32>,
        %add3A_824 = arith.constant 1 : i32
        %add3A_825 = vector.broadcast %add3A_824 : i32 to vector<16xi32>
        %add3A_826 = arith.addi %add3A_795, %add3A_825 : vector<16xi32>
        scf.yield %add3A_826 : vector<16xi32>
      }
      %scan3A_171 = arith.constant 8 : i32
      %jit3A = arith.constant 50 : i32
      %div3A_172 = arith.divsi %add3A_141, %jit3A : i32
      %sign3A = arith.constant 0 : i32
      %sign3A_173 = arith.cmpi sgt, %add3A_141, %sign3A : i32
      %sign3A_174 = arith.extui %sign3A_173 : i1 to i32
      %sign3A_175 = arith.constant 0 : i32
      %sign3A_176 = arith.cmpi slt, %add3A_141, %sign3A_175 : i32
      %sign3A_177 = arith.extui %sign3A_176 : i1 to i32
      %sign3A_178 = arith.subi %sign3A_174, %sign3A_177 : i32
      %sign3A_179 = arith.constant 0 : i32
      %sign3A_180 = arith.cmpi sgt, %jit3A, %sign3A_179 : i32
      %sign3A_181 = arith.extui %sign3A_180 : i1 to i32
      %sign3A_182 = arith.constant 0 : i32
      %sign3A_183 = arith.cmpi slt, %jit3A, %sign3A_182 : i32
      %sign3A_184 = arith.extui %sign3A_183 : i1 to i32
      %sign3A_185 = arith.subi %sign3A_181, %sign3A_184 : i32
      %ne3A = arith.cmpi ne, %sign3A_178, %sign3A_185 : i32
      %rem3A_186 = arith.remsi %add3A_141, %jit3A : i32
      %ne3A_187 = arith.constant 0 : i32
      %ne3A_188 = arith.cmpi ne, %rem3A_186, %ne3A_187 : i32
      %and3A = arith.andi %ne3A, %ne3A_188 : i1
      %sub3A = arith.constant 1 : i32
      %sub3A_189 = arith.subi %div3A_172, %sub3A : i32
      %select_n3A = arith.select %and3A, %sub3A_189, %div3A_172 : i32
      %jit3A_190 = arith.constant 50 : i32
      %eq3A = arith.constant 0 : i32
      %eq3A_191 = arith.cmpi eq, %jit3A_190, %eq3A : i32
      %jit3A_192 = arith.constant 1 : i32
      %select_n3A_193 = arith.select %eq3A_191, %jit3A_192, %jit3A_190 : i32
      %rem3A_194 = arith.remsi %add3A_141, %select_n3A_193 : i32
      %ne3A_195 = arith.constant 0 : i32
      %ne3A_196 = arith.cmpi ne, %rem3A_194, %ne3A_195 : i32
      %lt3A_197 = arith.constant 0 : i32
      %lt3A_198 = arith.cmpi slt, %rem3A_194, %lt3A_197 : i32
      %lt3A_199 = arith.constant 0 : i32
      %lt3A_200 = arith.cmpi slt, %select_n3A_193, %lt3A_199 : i32
      %ne3A_201 = arith.xori %lt3A_198, %lt3A_200 : i1
      %and3A_202 = arith.andi %ne3A_201, %ne3A_196 : i1
      %add3A_203 = arith.addi %rem3A_194, %select_n3A_193 : i32
      %select_n3A_204 = arith.select %and3A_202, %add3A_203, %rem3A_194 : i32
      %mul3A_205 = arith.constant 4 : i32
      %mul3A_206 = arith.muli %add3A, %mul3A_205 : i32
      %add3A_207 = arith.addi %mul3A_206, %select_n3A : i32
      %dma_start3A_208 = arith.constant 0 : i32
      %dma_start3A_209 = arith.constant 0 : i32
      %dma_start3A_210 = arith.constant 0 : i32
      %dma_start3A_211 = arith.constant 0 : i32
      %dma_start3A_212 = tpu.memref_slice %arg8[%dma_start3A_208, %dma_start3A_209, %dma_start3A_210, %dma_start3A_211] : memref<2x4x8x129xf32, #tpu.memory_space<vmem>> -> memref<1x4x8x128xf32, #tpu.memory_space<vmem>>
      %dma_start3A_213 = tpu.memref_squeeze %dma_start3A_212 : memref<1x4x8x128xf32, #tpu.memory_space<vmem>> -> memref<4x8x128xf32, #tpu.memory_space<vmem>>
      %dma_start3A_214 = arith.constant 0 : i32
      %dma_start3A_215 = arith.constant 0 : i32
      %dma_start3A_216 = arith.constant 0 : i32
      %dma_start3A_217 = tpu.memref_slice %arg4[%select_n3A_204, %dma_start3A_214, %add3A_207, %dma_start3A_215, %dma_start3A_216] : memref<50x4x128x8x128xf32, #tpu.memory_space<hbm>> -> memref<1x4x1x8x128xf32, #tpu.memory_space<hbm>>
      %dma_start3A_218 = tpu.memref_squeeze %dma_start3A_217 : memref<1x4x1x8x128xf32, #tpu.memory_space<hbm>> -> memref<4x8x128xf32, #tpu.memory_space<hbm>>
      %dma_start3A_219 = arith.constant 0 : i32
      %dma_start3A_220 = arith.constant 0 : i32
      %dma_start3A_221 = arith.constant 0 : i32
      %dma_start3A_222 = tpu.memref_slice %arg4[%select_n3A_204, %dma_start3A_219, %add3A_207, %dma_start3A_220, %dma_start3A_221] : memref<50x4x128x8x128xf32, #tpu.memory_space<hbm>> -> memref<1x4x1x8x128xf32, #tpu.memory_space<hbm>>
      %dma_start3A_223 = tpu.memref_squeeze %dma_start3A_222 : memref<1x4x1x8x128xf32, #tpu.memory_space<hbm>> -> memref<4x8x128xf32, #tpu.memory_space<hbm>>
      %dma_start3A_224 = arith.constant 0 : i32
      %dma_start3A_225 = arith.constant 0 : i32
      %dma_start3A_226 = arith.constant 0 : i32
      %dma_start3A_227 = tpu.memref_slice %arg8[%dma_start3A_208, %dma_start3A_224, %dma_start3A_225, %dma_start3A_226] : memref<2x4x8x129xf32, #tpu.memory_space<vmem>> -> memref<1x4x8x128xf32, #tpu.memory_space<vmem>>
      %dma_start3A_228 = tpu.memref_squeeze %dma_start3A_227 : memref<1x4x8x128xf32, #tpu.memory_space<vmem>> -> memref<4x8x128xf32, #tpu.memory_space<vmem>>
      tpu.enqueue_dma source(%dma_start3A_228 : memref<4x8x128xf32, #tpu.memory_space<vmem>>) target(%dma_start3A_223 : memref<4x8x128xf32, #tpu.memory_space<hbm>>) target_semaphore(%arg11 : memref<!tpu.dma_semaphore, #tpu.memory_space<semaphore_mem>>)
      %mul3A_229 = arith.constant 2 : i32
      %mul3A_230 = arith.muli %scan3A_137, %mul3A_229 : i32
      %add3A_231 = arith.constant 1 : i32
      %add3A_232 = arith.addi %mul3A_230, %add3A_231 : i32
      %add3A_233 = arith.constant 1 : i32
      %add3A_234 = arith.addi %add3A_232, %add3A_233 : i32
      %lt3A_235 = arith.constant 200 : i32
      %lt3A_236 = arith.cmpi slt, %add3A_234, %lt3A_235 : i32
      %convert_element_type3A_237 = arith.extui %lt3A_236 : i1 to i32
      %cond3A_238 = arith.constant 0 : i32
      %cond3A_239 = arith.cmpi ne, %convert_element_type3A_237, %cond3A_238 : i32
      scf.if %cond3A_239 {
        %add3A_331 = arith.constant 1 : i32
        %add3A_332 = arith.addi %add3A_232, %add3A_331 : i32
        %jit3A_333 = arith.constant 50 : i32
        %div3A_334 = arith.divsi %add3A_332, %jit3A_333 : i32
        %sign3A_335 = arith.constant 0 : i32
        %sign3A_336 = arith.cmpi sgt, %add3A_332, %sign3A_335 : i32
        %sign3A_337 = arith.extui %sign3A_336 : i1 to i32
        %sign3A_338 = arith.constant 0 : i32
        %sign3A_339 = arith.cmpi slt, %add3A_332, %sign3A_338 : i32
        %sign3A_340 = arith.extui %sign3A_339 : i1 to i32
        %sign3A_341 = arith.subi %sign3A_337, %sign3A_340 : i32
        %sign3A_342 = arith.constant 0 : i32
        %sign3A_343 = arith.cmpi sgt, %jit3A_333, %sign3A_342 : i32
        %sign3A_344 = arith.extui %sign3A_343 : i1 to i32
        %sign3A_345 = arith.constant 0 : i32
        %sign3A_346 = arith.cmpi slt, %jit3A_333, %sign3A_345 : i32
        %sign3A_347 = arith.extui %sign3A_346 : i1 to i32
        %sign3A_348 = arith.subi %sign3A_344, %sign3A_347 : i32
        %ne3A_349 = arith.cmpi ne, %sign3A_341, %sign3A_348 : i32
        %rem3A_350 = arith.remsi %add3A_332, %jit3A_333 : i32
        %ne3A_351 = arith.constant 0 : i32
        %ne3A_352 = arith.cmpi ne, %rem3A_350, %ne3A_351 : i32
        %and3A_353 = arith.andi %ne3A_349, %ne3A_352 : i1
        %sub3A_354 = arith.constant 1 : i32
        %sub3A_355 = arith.subi %div3A_334, %sub3A_354 : i32
        %select_n3A_356 = arith.select %and3A_353, %sub3A_355, %div3A_334 : i32
        %jit3A_357 = arith.constant 50 : i32
        %eq3A_358 = arith.constant 0 : i32
        %eq3A_359 = arith.cmpi eq, %jit3A_357, %eq3A_358 : i32
        %jit3A_360 = arith.constant 1 : i32
        %select_n3A_361 = arith.select %eq3A_359, %jit3A_360, %jit3A_357 : i32
        %rem3A_362 = arith.remsi %add3A_332, %select_n3A_361 : i32
        %ne3A_363 = arith.constant 0 : i32
        %ne3A_364 = arith.cmpi ne, %rem3A_362, %ne3A_363 : i32
        %lt3A_365 = arith.constant 0 : i32
        %lt3A_366 = arith.cmpi slt, %rem3A_362, %lt3A_365 : i32
        %lt3A_367 = arith.constant 0 : i32
        %lt3A_368 = arith.cmpi slt, %select_n3A_361, %lt3A_367 : i32
        %ne3A_369 = arith.xori %lt3A_366, %lt3A_368 : i1
        %and3A_370 = arith.andi %ne3A_369, %ne3A_364 : i1
        %add3A_371 = arith.addi %rem3A_362, %select_n3A_361 : i32
        %select_n3A_372 = arith.select %and3A_370, %add3A_371, %rem3A_362 : i32
        %broadcast_in_dim3A_373 = arith.constant 0 : i32
        %broadcast_in_dim3A_374 = vector.broadcast %broadcast_in_dim3A_373 : i32 to vector<16xi32>
        %add3A_375 = vector.broadcast %select_n3A_372 : i32 to vector<16xi32>
        %add3A_376 = arith.addi %broadcast_in_dim3A_374, %add3A_375 : vector<16xi32>
        %mul3A_377 = arith.constant 128 : i32
        %mul3A_378 = arith.muli %mul3A_377, %select_n3A_356 : i32
        %add3A_379 = arith.constant 0 : i32
        %add3A_380 = arith.addi %mul3A_378, %add3A_379 : i32
        %add3A_381 = vector.broadcast %add3A_380 : i32 to vector<16xi32>
        %add3A_382 = arith.addi %iota3A, %add3A_381 : vector<16xi32>
        %gather3A_383 = tpu.vector_load_idx %arg5[%add3A_382, %add3A_376] : memref<512x50xi32, #tpu.memory_space<vmem>>[vector<16xi32>, vector<16xi32>], vector<16xi32>,
        %swap3A_384 = arith.constant 0 : i32
        %swap3A_385 = arith.index_cast %swap3A_384 : i32 to index
        %swap3A_386 = arith.constant 0 : index
        %swap3A_387 = tpu.vector_load %arg6[%swap3A_385, %swap3A_386] {strides = array<i32>} : memref<2x128xi32, #tpu.memory_space<vmem>>, vector<16xi32>,
        tpu.vector_store %arg6[%swap3A_385, %swap3A_386], %gather3A_383 {strides = array<i32>} : memref<2x128xi32, #tpu.memory_space<vmem>>, vector<16xi32>,
        %mul3A_388 = arith.constant 128 : i32
        %mul3A_389 = arith.muli %mul3A_388, %select_n3A_356 : i32
        %add3A_390 = arith.constant 16 : i32
        %add3A_391 = arith.addi %mul3A_389, %add3A_390 : i32
        %add3A_392 = vector.broadcast %add3A_391 : i32 to vector<16xi32>
        %add3A_393 = arith.addi %iota3A, %add3A_392 : vector<16xi32>
        %gather3A_394 = tpu.vector_load_idx %arg5[%add3A_393, %add3A_376] : memref<512x50xi32, #tpu.memory_space<vmem>>[vector<16xi32>, vector<16xi32>], vector<16xi32>,
        %swap3A_395 = arith.constant 0 : i32
        %swap3A_396 = arith.index_cast %swap3A_395 : i32 to index
        %swap3A_397 = arith.constant 16 : index
        %swap3A_398 = tpu.vector_load %arg6[%swap3A_396, %swap3A_397] {strides = array<i32>} : memref<2x128xi32, #tpu.memory_space<vmem>>, vector<16xi32>,
        tpu.vector_store %arg6[%swap3A_396, %swap3A_397], %gather3A_394 {strides = array<i32>} : memref<2x128xi32, #tpu.memory_space<vmem>>, vector<16xi32>,
        %mul3A_399 = arith.constant 128 : i32
        %mul3A_400 = arith.muli %mul3A_399, %select_n3A_356 : i32
        %add3A_401 = arith.constant 32 : i32
        %add3A_402 = arith.addi %mul3A_400, %add3A_401 : i32
        %add3A_403 = vector.broadcast %add3A_402 : i32 to vector<16xi32>
        %add3A_404 = arith.addi %iota3A, %add3A_403 : vector<16xi32>
        %gather3A_405 = tpu.vector_load_idx %arg5[%add3A_404, %add3A_376] : memref<512x50xi32, #tpu.memory_space<vmem>>[vector<16xi32>, vector<16xi32>], vector<16xi32>,
        %swap3A_406 = arith.constant 0 : i32
        %swap3A_407 = arith.index_cast %swap3A_406 : i32 to index
        %swap3A_408 = arith.constant 32 : index
        %swap3A_409 = tpu.vector_load %arg6[%swap3A_407, %swap3A_408] {strides = array<i32>} : memref<2x128xi32, #tpu.memory_space<vmem>>, vector<16xi32>,
        tpu.vector_store %arg6[%swap3A_407, %swap3A_408], %gather3A_405 {strides = array<i32>} : memref<2x128xi32, #tpu.memory_space<vmem>>, vector<16xi32>,
        %mul3A_410 = arith.constant 128 : i32
        %mul3A_411 = arith.muli %mul3A_410, %select_n3A_356 : i32
        %add3A_412 = arith.constant 48 : i32
        %add3A_413 = arith.addi %mul3A_411, %add3A_412 : i32
        %add3A_414 = vector.broadcast %add3A_413 : i32 to vector<16xi32>
        %add3A_415 = arith.addi %iota3A, %add3A_414 : vector<16xi32>
        %gather3A_416 = tpu.vector_load_idx %arg5[%add3A_415, %add3A_376] : memref<512x50xi32, #tpu.memory_space<vmem>>[vector<16xi32>, vector<16xi32>], vector<16xi32>,
        %swap3A_417 = arith.constant 0 : i32
        %swap3A_418 = arith.index_cast %swap3A_417 : i32 to index
        %swap3A_419 = arith.constant 48 : index
        %swap3A_420 = tpu.vector_load %arg6[%swap3A_418, %swap3A_419] {strides = array<i32>} : memref<2x128xi32, #tpu.memory_space<vmem>>, vector<16xi32>,
        tpu.vector_store %arg6[%swap3A_418, %swap3A_419], %gather3A_416 {strides = array<i32>} : memref<2x128xi32, #tpu.memory_space<vmem>>, vector<16xi32>,
        %mul3A_421 = arith.constant 128 : i32
        %mul3A_422 = arith.muli %mul3A_421, %select_n3A_356 : i32
        %add3A_423 = arith.constant 64 : i32
        %add3A_424 = arith.addi %mul3A_422, %add3A_423 : i32
        %add3A_425 = vector.broadcast %add3A_424 : i32 to vector<16xi32>
        %add3A_426 = arith.addi %iota3A, %add3A_425 : vector<16xi32>
        %gather3A_427 = tpu.vector_load_idx %arg5[%add3A_426, %add3A_376] : memref<512x50xi32, #tpu.memory_space<vmem>>[vector<16xi32>, vector<16xi32>], vector<16xi32>,
        %swap3A_428 = arith.constant 0 : i32
        %swap3A_429 = arith.index_cast %swap3A_428 : i32 to index
        %swap3A_430 = arith.constant 64 : index
        %swap3A_431 = tpu.vector_load %arg6[%swap3A_429, %swap3A_430] {strides = array<i32>} : memref<2x128xi32, #tpu.memory_space<vmem>>, vector<16xi32>,
        tpu.vector_store %arg6[%swap3A_429, %swap3A_430], %gather3A_427 {strides = array<i32>} : memref<2x128xi32, #tpu.memory_space<vmem>>, vector<16xi32>,
        %mul3A_432 = arith.constant 128 : i32
        %mul3A_433 = arith.muli %mul3A_432, %select_n3A_356 : i32
        %add3A_434 = arith.constant 80 : i32
        %add3A_435 = arith.addi %mul3A_433, %add3A_434 : i32
        %add3A_436 = vector.broadcast %add3A_435 : i32 to vector<16xi32>
        %add3A_437 = arith.addi %iota3A, %add3A_436 : vector<16xi32>
        %gather3A_438 = tpu.vector_load_idx %arg5[%add3A_437, %add3A_376] : memref<512x50xi32, #tpu.memory_space<vmem>>[vector<16xi32>, vector<16xi32>], vector<16xi32>,
        %swap3A_439 = arith.constant 0 : i32
        %swap3A_440 = arith.index_cast %swap3A_439 : i32 to index
        %swap3A_441 = arith.constant 80 : index
        %swap3A_442 = tpu.vector_load %arg6[%swap3A_440, %swap3A_441] {strides = array<i32>} : memref<2x128xi32, #tpu.memory_space<vmem>>, vector<16xi32>,
        tpu.vector_store %arg6[%swap3A_440, %swap3A_441], %gather3A_438 {strides = array<i32>} : memref<2x128xi32, #tpu.memory_space<vmem>>, vector<16xi32>,
        %mul3A_443 = arith.constant 128 : i32
        %mul3A_444 = arith.muli %mul3A_443, %select_n3A_356 : i32
        %add3A_445 = arith.constant 96 : i32
        %add3A_446 = arith.addi %mul3A_444, %add3A_445 : i32
        %add3A_447 = vector.broadcast %add3A_446 : i32 to vector<16xi32>
        %add3A_448 = arith.addi %iota3A, %add3A_447 : vector<16xi32>
        %gather3A_449 = tpu.vector_load_idx %arg5[%add3A_448, %add3A_376] : memref<512x50xi32, #tpu.memory_space<vmem>>[vector<16xi32>, vector<16xi32>], vector<16xi32>,
        %swap3A_450 = arith.constant 0 : i32
        %swap3A_451 = arith.index_cast %swap3A_450 : i32 to index
        %swap3A_452 = arith.constant 96 : index
        %swap3A_453 = tpu.vector_load %arg6[%swap3A_451, %swap3A_452] {strides = array<i32>} : memref<2x128xi32, #tpu.memory_space<vmem>>, vector<16xi32>,
        tpu.vector_store %arg6[%swap3A_451, %swap3A_452], %gather3A_449 {strides = array<i32>} : memref<2x128xi32, #tpu.memory_space<vmem>>, vector<16xi32>,
        %mul3A_454 = arith.constant 128 : i32
        %mul3A_455 = arith.muli %mul3A_454, %select_n3A_356 : i32
        %add3A_456 = arith.constant 112 : i32
        %add3A_457 = arith.addi %mul3A_455, %add3A_456 : i32
        %add3A_458 = vector.broadcast %add3A_457 : i32 to vector<16xi32>
        %add3A_459 = arith.addi %iota3A, %add3A_458 : vector<16xi32>
        %gather3A_460 = tpu.vector_load_idx %arg5[%add3A_459, %add3A_376] : memref<512x50xi32, #tpu.memory_space<vmem>>[vector<16xi32>, vector<16xi32>], vector<16xi32>,
        %swap3A_461 = arith.constant 0 : i32
        %swap3A_462 = arith.index_cast %swap3A_461 : i32 to index
        %swap3A_463 = arith.constant 112 : index
        %swap3A_464 = tpu.vector_load %arg6[%swap3A_462, %swap3A_463] {strides = array<i32>} : memref<2x128xi32, #tpu.memory_space<vmem>>, vector<16xi32>,
        tpu.vector_store %arg6[%swap3A_462, %swap3A_463], %gather3A_460 {strides = array<i32>} : memref<2x128xi32, #tpu.memory_space<vmem>>, vector<16xi32>,
        %add3A_465 = arith.constant 1 : i32
        %add3A_466 = arith.addi %add3A_232, %add3A_465 : i32
        %dma_start3A_467 = arith.constant 0 : i32
        %dma_start3A_468 = arith.constant 0 : i32
        %dma_start3A_469 = arith.constant 0 : i32
        %dma_start3A_470 = arith.constant 0 : i32
        %dma_start3A_471 = tpu.memref_slice %arg7[%dma_start3A_468, %dma_start3A_469, %dma_start3A_470] : memref<2x128x32xf32, #tpu.memory_space<vmem>> -> memref<1x128x32xf32, #tpu.memory_space<vmem>>
        %dma_start3A_472 = tpu.memref_squeeze %dma_start3A_471 : memref<1x128x32xf32, #tpu.memory_space<vmem>> -> memref<128x32xf32, #tpu.memory_space<vmem>>
        %dma_start3A_473 = arith.constant 0 : i32
        %dma_start3A_474 = tpu.memref_slice %arg6[%dma_start3A_467, %dma_start3A_473] : memref<2x128xi32, #tpu.memory_space<vmem>> -> memref<1x128xi32, #tpu.memory_space<vmem>>
        %dma_start3A_475 = tpu.memref_squeeze %dma_start3A_474 : memref<1x128xi32, #tpu.memory_space<vmem>> -> memref<128xi32, #tpu.memory_space<vmem>>
        %dma_start3A_476 = arith.constant 0 : i32
        %dma_start3A_477 = arith.constant 0 : i32
        %dma_start3A_478 = tpu.memref_slice %arg3[%dma_start3A_476, %dma_start3A_477] : memref<1000000x32xf32, #tpu.memory_space<hbm>> -> memref<1000000x32xf32, #tpu.memory_space<hbm>>
        tpu.enqueue_indirect_dma source(%dma_start3A_478 : memref<1000000x32xf32, #tpu.memory_space<hbm>>) target(%dma_start3A_472 : memref<128x32xf32, #tpu.memory_space<vmem>>) offsets(%dma_start3A_475 : memref<128xi32, #tpu.memory_space<vmem>>) semaphore(%arg9 : memref<!tpu.dma_semaphore, #tpu.memory_space<semaphore_mem>>)
      } else {
      }
      %dma_wait3A_240 = arith.constant 1 : i32
      %dma_wait3A_241 = arith.constant 1 : i32
      %dma_wait3A_242 = arith.constant 0 : i32
      %dma_wait3A_243 = arith.constant 0 : i32
      %dma_wait3A_244 = tpu.memref_slice %arg7[%dma_wait3A_241, %dma_wait3A_242, %dma_wait3A_243] : memref<2x128x32xf32, #tpu.memory_space<vmem>> -> memref<1x128x32xf32, #tpu.memory_space<vmem>>
      %dma_wait3A_245 = tpu.memref_squeeze %dma_wait3A_244 : memref<1x128x32xf32, #tpu.memory_space<vmem>> -> memref<128x32xf32, #tpu.memory_space<vmem>>
      %dma_wait3A_246 = arith.constant 0 : i32
      %dma_wait3A_247 = tpu.memref_slice %arg6[%dma_wait3A_240, %dma_wait3A_246] : memref<2x128xi32, #tpu.memory_space<vmem>> -> memref<1x128xi32, #tpu.memory_space<vmem>>
      %dma_wait3A_248 = tpu.memref_squeeze %dma_wait3A_247 : memref<1x128xi32, #tpu.memory_space<vmem>> -> memref<128xi32, #tpu.memory_space<vmem>>
      %dma_wait3A_249 = arith.constant 0 : i32
      %dma_wait3A_250 = arith.constant 0 : i32
      %dma_wait3A_251 = tpu.memref_slice %arg3[%dma_wait3A_249, %dma_wait3A_250] : memref<1000000x32xf32, #tpu.memory_space<hbm>> -> memref<1000000x32xf32, #tpu.memory_space<hbm>>
      tpu.wait_indirect_dma semaphore(%arg10 : memref<!tpu.dma_semaphore, #tpu.memory_space<semaphore_mem>>) src(%dma_wait3A_251 : memref<1000000x32xf32, #tpu.memory_space<hbm>>) dst(%dma_wait3A_245 : memref<128x32xf32, #tpu.memory_space<vmem>>)
      %ge3A_252 = arith.constant 2 : i32
      %ge3A_253 = arith.cmpi sge, %add3A_232, %ge3A_252 : i32
      %convert_element_type3A_254 = arith.extui %ge3A_253 : i1 to i32
      %cond3A_255 = arith.constant 0 : i32
      %cond3A_256 = arith.cmpi ne, %convert_element_type3A_254, %cond3A_255 : i32
      scf.if %cond3A_256 {
        %dma_wait3A_331 = arith.constant 1 : i32
        %dma_wait3A_332 = arith.constant 0 : i32
        %dma_wait3A_333 = arith.constant 0 : i32
        %dma_wait3A_334 = arith.constant 0 : i32
        %dma_wait3A_335 = arith.constant 0 : i32
        %dma_wait3A_336 = arith.constant 0 : i32
        %dma_wait3A_337 = tpu.memref_slice %arg8[%dma_wait3A_331, %dma_wait3A_334, %dma_wait3A_335, %dma_wait3A_336] : memref<2x4x8x129xf32, #tpu.memory_space<vmem>> -> memref<1x4x8x128xf32, #tpu.memory_space<vmem>>
        %dma_wait3A_338 = tpu.memref_squeeze %dma_wait3A_337 : memref<1x4x8x128xf32, #tpu.memory_space<vmem>> -> memref<4x8x128xf32, #tpu.memory_space<vmem>>
        %dma_wait3A_339 = arith.constant 0 : i32
        %dma_wait3A_340 = arith.constant 0 : i32
        %dma_wait3A_341 = arith.constant 0 : i32
        %dma_wait3A_342 = tpu.memref_slice %arg4[%dma_wait3A_332, %dma_wait3A_339, %dma_wait3A_333, %dma_wait3A_340, %dma_wait3A_341] : memref<50x4x128x8x128xf32, #tpu.memory_space<hbm>> -> memref<1x4x1x8x128xf32, #tpu.memory_space<hbm>>
        %dma_wait3A_343 = tpu.memref_squeeze %dma_wait3A_342 : memref<1x4x1x8x128xf32, #tpu.memory_space<hbm>> -> memref<4x8x128xf32, #tpu.memory_space<hbm>>
        %dma_wait3A_344 = arith.constant 0 : i32
        %dma_wait3A_345 = arith.constant 0 : i32
        %dma_wait3A_346 = arith.constant 0 : i32
        %dma_wait3A_347 = tpu.memref_slice %arg4[%dma_wait3A_332, %dma_wait3A_344, %dma_wait3A_333, %dma_wait3A_345, %dma_wait3A_346] : memref<50x4x128x8x128xf32, #tpu.memory_space<hbm>> -> memref<1x4x1x8x128xf32, #tpu.memory_space<hbm>>
        %dma_wait3A_348 = tpu.memref_squeeze %dma_wait3A_347 : memref<1x4x1x8x128xf32, #tpu.memory_space<hbm>> -> memref<4x8x128xf32, #tpu.memory_space<hbm>>
        %dma_wait3A_349 = arith.constant 0 : i32
        %dma_wait3A_350 = arith.constant 0 : i32
        %dma_wait3A_351 = arith.constant 0 : i32
        %dma_wait3A_352 = tpu.memref_slice %arg8[%dma_wait3A_331, %dma_wait3A_349, %dma_wait3A_350, %dma_wait3A_351] : memref<2x4x8x129xf32, #tpu.memory_space<vmem>> -> memref<1x4x8x128xf32, #tpu.memory_space<vmem>>
        %dma_wait3A_353 = tpu.memref_squeeze %dma_wait3A_352 : memref<1x4x8x128xf32, #tpu.memory_space<vmem>> -> memref<4x8x128xf32, #tpu.memory_space<vmem>>
        tpu.wait_dma2 semaphore(%arg12 : memref<!tpu.dma_semaphore, #tpu.memory_space<semaphore_mem>>) src(%dma_wait3A_353 : memref<4x8x128xf32, #tpu.memory_space<vmem>>) dst(%dma_wait3A_348 : memref<4x8x128xf32, #tpu.memory_space<hbm>>)
      } else {
      }
      %broadcast_in_dim3A_257 = arith.constant 0 : i32
      %broadcast_in_dim3A_258 = vector.broadcast %broadcast_in_dim3A_257 : i32 to vector<16xi32>
      %scan3A_259 = arith.constant 1 : i32
      %scan3A_260 = arith.constant 1 : i32
      %scan3A_261 = arith.constant 0 : i32
      %scan3A_262 = arith.constant 8 : i32
      %scan3A_263 = arith.addi %scan3A_261, %scan3A_262 : i32
      %scan3A_264 = arith.constant 1 : i32
      %scan3A_265 = scf.for %scan3A_331 = %scan3A_261 to %scan3A_263 step %scan3A_264 iter_args(%scan3A_332 = %broadcast_in_dim3A_258) -> (vector<16xi32>)  : i32 {
        %mul3A_333 = arith.constant 16 : i32
        %mul3A_334 = arith.muli %scan3A_331, %mul3A_333 : i32
        %add3A_335 = arith.constant 0 : i32
        %add3A_336 = arith.addi %mul3A_334, %add3A_335 : i32
        %get3A = arith.constant 0 : i32
        %get3A_337 = arith.constant 0 : i32
        %get3A_338 = tpu.memref_slice %arg7[%scan3A_259, %get3A, %get3A_337] : memref<2x128x32xf32, #tpu.memory_space<vmem>> -> memref<1x128x32xf32, #tpu.memory_space<vmem>>
        %get3A_339 = tpu.memref_squeeze %get3A_338 : memref<1x128x32xf32, #tpu.memory_space<vmem>> -> memref<128x32xf32, #tpu.memory_space<vmem>>
        %get3A_340 = arith.index_cast %add3A_336 : i32 to index
        %get3A_341 = arith.constant 0 : index
        %get3A_342 = tpu.vector_load %get3A_339[%get3A_340, %get3A_341] {strides = array<i32>} : memref<128x32xf32, #tpu.memory_space<vmem>>, vector<16xf32>,
        %scatter3A = arith.constant 0 : i32
        %scatter3A_343 = arith.constant 0 : i32
        %scatter3A_344 = arith.constant 0 : i32
        %scatter3A_345 = tpu.memref_slice %arg8[%scan3A_260, %scatter3A, %scatter3A_343, %scatter3A_344] : memref<2x4x8x129xf32, #tpu.memory_space<vmem>> -> memref<1x4x8x129xf32, #tpu.memory_space<vmem>>
        %scatter3A_346 = tpu.memref_squeeze %scatter3A_345 : memref<1x4x8x129xf32, #tpu.memory_space<vmem>> -> memref<4x8x129xf32, #tpu.memory_space<vmem>>
        tpu.vector_store_idx %scatter3A_346[%div3A_6, %rem3A_4, %scan3A_332], %get3A_342 : memref<4x8x129xf32, #tpu.memory_space<vmem>>[vector<16xi32>, vector<16xi32>, vector<16xi32>], vector<16xf32>,
        %get3A_347 = arith.constant 0 : i32
        %get3A_348 = arith.constant 0 : i32
        %get3A_349 = tpu.memref_slice %arg7[%scan3A_259, %get3A_347, %get3A_348] : memref<2x128x32xf32, #tpu.memory_space<vmem>> -> memref<1x128x32xf32, #tpu.memory_space<vmem>>
        %get3A_350 = tpu.memref_squeeze %get3A_349 : memref<1x128x32xf32, #tpu.memory_space<vmem>> -> memref<128x32xf32, #tpu.memory_space<vmem>>
        %get3A_351 = arith.index_cast %add3A_336 : i32 to index
        %get3A_352 = arith.constant 16 : index
        %get3A_353 = tpu.vector_load %get3A_350[%get3A_351, %get3A_352] {strides = array<i32>} : memref<128x32xf32, #tpu.memory_space<vmem>>, vector<16xf32>,
        %scatter3A_354 = arith.constant 0 : i32
        %scatter3A_355 = arith.constant 0 : i32
        %scatter3A_356 = arith.constant 0 : i32
        %scatter3A_357 = tpu.memref_slice %arg8[%scan3A_260, %scatter3A_354, %scatter3A_355, %scatter3A_356] : memref<2x4x8x129xf32, #tpu.memory_space<vmem>> -> memref<1x4x8x129xf32, #tpu.memory_space<vmem>>
        %scatter3A_358 = tpu.memref_squeeze %scatter3A_357 : memref<1x4x8x129xf32, #tpu.memory_space<vmem>> -> memref<4x8x129xf32, #tpu.memory_space<vmem>>
        tpu.vector_store_idx %scatter3A_358[%add3A_9, %rem3A_4, %scan3A_332], %get3A_353 : memref<4x8x129xf32, #tpu.memory_space<vmem>>[vector<16xi32>, vector<16xi32>, vector<16xi32>], vector<16xf32>,
        %add3A_359 = arith.constant 1 : i32
        %add3A_360 = vector.broadcast %add3A_359 : i32 to vector<16xi32>
        %add3A_361 = arith.addi %scan3A_332, %add3A_360 : vector<16xi32>
        %mul3A_362 = arith.constant 16 : i32
        %mul3A_363 = arith.muli %scan3A_331, %mul3A_362 : i32
        %add3A_364 = arith.constant 1 : i32
        %add3A_365 = arith.addi %mul3A_363, %add3A_364 : i32
        %get3A_366 = arith.constant 0 : i32
        %get3A_367 = arith.constant 0 : i32
        %get3A_368 = tpu.memref_slice %arg7[%scan3A_259, %get3A_366, %get3A_367] : memref<2x128x32xf32, #tpu.memory_space<vmem>> -> memref<1x128x32xf32, #tpu.memory_space<vmem>>
        %get3A_369 = tpu.memref_squeeze %get3A_368 : memref<1x128x32xf32, #tpu.memory_space<vmem>> -> memref<128x32xf32, #tpu.memory_space<vmem>>
        %get3A_370 = arith.index_cast %add3A_365 : i32 to index
        %get3A_371 = arith.constant 0 : index
        %get3A_372 = tpu.vector_load %get3A_369[%get3A_370, %get3A_371] {strides = array<i32>} : memref<128x32xf32, #tpu.memory_space<vmem>>, vector<16xf32>,
        %scatter3A_373 = arith.constant 0 : i32
        %scatter3A_374 = arith.constant 0 : i32
        %scatter3A_375 = arith.constant 0 : i32
        %scatter3A_376 = tpu.memref_slice %arg8[%scan3A_260, %scatter3A_373, %scatter3A_374, %scatter3A_375] : memref<2x4x8x129xf32, #tpu.memory_space<vmem>> -> memref<1x4x8x129xf32, #tpu.memory_space<vmem>>
        %scatter3A_377 = tpu.memref_squeeze %scatter3A_376 : memref<1x4x8x129xf32, #tpu.memory_space<vmem>> -> memref<4x8x129xf32, #tpu.memory_space<vmem>>
        tpu.vector_store_idx %scatter3A_377[%div3A_6, %rem3A_4, %add3A_361], %get3A_372 : memref<4x8x129xf32, #tpu.memory_space<vmem>>[vector<16xi32>, vector<16xi32>, vector<16xi32>], vector<16xf32>,
        %get3A_378 = arith.constant 0 : i32
        %get3A_379 = arith.constant 0 : i32
        %get3A_380 = tpu.memref_slice %arg7[%scan3A_259, %get3A_378, %get3A_379] : memref<2x128x32xf32, #tpu.memory_space<vmem>> -> memref<1x128x32xf32, #tpu.memory_space<vmem>>
        %get3A_381 = tpu.memref_squeeze %get3A_380 : memref<1x128x32xf32, #tpu.memory_space<vmem>> -> memref<128x32xf32, #tpu.memory_space<vmem>>
        %get3A_382 = arith.index_cast %add3A_365 : i32 to index
        %get3A_383 = arith.constant 16 : index
        %get3A_384 = tpu.vector_load %get3A_381[%get3A_382, %get3A_383] {strides = array<i32>} : memref<128x32xf32, #tpu.memory_space<vmem>>, vector<16xf32>,
        %scatter3A_385 = arith.constant 0 : i32
        %scatter3A_386 = arith.constant 0 : i32
        %scatter3A_387 = arith.constant 0 : i32
        %scatter3A_388 = tpu.memref_slice %arg8[%scan3A_260, %scatter3A_385, %scatter3A_386, %scatter3A_387] : memref<2x4x8x129xf32, #tpu.memory_space<vmem>> -> memref<1x4x8x129xf32, #tpu.memory_space<vmem>>
        %scatter3A_389 = tpu.memref_squeeze %scatter3A_388 : memref<1x4x8x129xf32, #tpu.memory_space<vmem>> -> memref<4x8x129xf32, #tpu.memory_space<vmem>>
        tpu.vector_store_idx %scatter3A_389[%add3A_9, %rem3A_4, %add3A_361], %get3A_384 : memref<4x8x129xf32, #tpu.memory_space<vmem>>[vector<16xi32>, vector<16xi32>, vector<16xi32>], vector<16xf32>,
        %add3A_390 = arith.constant 1 : i32
        %add3A_391 = vector.broadcast %add3A_390 : i32 to vector<16xi32>
        %add3A_392 = arith.addi %add3A_361, %add3A_391 : vector<16xi32>
        %mul3A_393 = arith.constant 16 : i32
        %mul3A_394 = arith.muli %scan3A_331, %mul3A_393 : i32
        %add3A_395 = arith.constant 2 : i32
        %add3A_396 = arith.addi %mul3A_394, %add3A_395 : i32
        %get3A_397 = arith.constant 0 : i32
        %get3A_398 = arith.constant 0 : i32
        %get3A_399 = tpu.memref_slice %arg7[%scan3A_259, %get3A_397, %get3A_398] : memref<2x128x32xf32, #tpu.memory_space<vmem>> -> memref<1x128x32xf32, #tpu.memory_space<vmem>>
        %get3A_400 = tpu.memref_squeeze %get3A_399 : memref<1x128x32xf32, #tpu.memory_space<vmem>> -> memref<128x32xf32, #tpu.memory_space<vmem>>
        %get3A_401 = arith.index_cast %add3A_396 : i32 to index
        %get3A_402 = arith.constant 0 : index
        %get3A_403 = tpu.vector_load %get3A_400[%get3A_401, %get3A_402] {strides = array<i32>} : memref<128x32xf32, #tpu.memory_space<vmem>>, vector<16xf32>,
        %scatter3A_404 = arith.constant 0 : i32
        %scatter3A_405 = arith.constant 0 : i32
        %scatter3A_406 = arith.constant 0 : i32
        %scatter3A_407 = tpu.memref_slice %arg8[%scan3A_260, %scatter3A_404, %scatter3A_405, %scatter3A_406] : memref<2x4x8x129xf32, #tpu.memory_space<vmem>> -> memref<1x4x8x129xf32, #tpu.memory_space<vmem>>
        %scatter3A_408 = tpu.memref_squeeze %scatter3A_407 : memref<1x4x8x129xf32, #tpu.memory_space<vmem>> -> memref<4x8x129xf32, #tpu.memory_space<vmem>>
        tpu.vector_store_idx %scatter3A_408[%div3A_6, %rem3A_4, %add3A_392], %get3A_403 : memref<4x8x129xf32, #tpu.memory_space<vmem>>[vector<16xi32>, vector<16xi32>, vector<16xi32>], vector<16xf32>,
        %get3A_409 = arith.constant 0 : i32
        %get3A_410 = arith.constant 0 : i32
        %get3A_411 = tpu.memref_slice %arg7[%scan3A_259, %get3A_409, %get3A_410] : memref<2x128x32xf32, #tpu.memory_space<vmem>> -> memref<1x128x32xf32, #tpu.memory_space<vmem>>
        %get3A_412 = tpu.memref_squeeze %get3A_411 : memref<1x128x32xf32, #tpu.memory_space<vmem>> -> memref<128x32xf32, #tpu.memory_space<vmem>>
        %get3A_413 = arith.index_cast %add3A_396 : i32 to index
        %get3A_414 = arith.constant 16 : index
        %get3A_415 = tpu.vector_load %get3A_412[%get3A_413, %get3A_414] {strides = array<i32>} : memref<128x32xf32, #tpu.memory_space<vmem>>, vector<16xf32>,
        %scatter3A_416 = arith.constant 0 : i32
        %scatter3A_417 = arith.constant 0 : i32
        %scatter3A_418 = arith.constant 0 : i32
        %scatter3A_419 = tpu.memref_slice %arg8[%scan3A_260, %scatter3A_416, %scatter3A_417, %scatter3A_418] : memref<2x4x8x129xf32, #tpu.memory_space<vmem>> -> memref<1x4x8x129xf32, #tpu.memory_space<vmem>>
        %scatter3A_420 = tpu.memref_squeeze %scatter3A_419 : memref<1x4x8x129xf32, #tpu.memory_space<vmem>> -> memref<4x8x129xf32, #tpu.memory_space<vmem>>
        tpu.vector_store_idx %scatter3A_420[%add3A_9, %rem3A_4, %add3A_392], %get3A_415 : memref<4x8x129xf32, #tpu.memory_space<vmem>>[vector<16xi32>, vector<16xi32>, vector<16xi32>], vector<16xf32>,
        %add3A_421 = arith.constant 1 : i32
        %add3A_422 = vector.broadcast %add3A_421 : i32 to vector<16xi32>
        %add3A_423 = arith.addi %add3A_392, %add3A_422 : vector<16xi32>
        %mul3A_424 = arith.constant 16 : i32
        %mul3A_425 = arith.muli %scan3A_331, %mul3A_424 : i32
        %add3A_426 = arith.constant 3 : i32
        %add3A_427 = arith.addi %mul3A_425, %add3A_426 : i32
        %get3A_428 = arith.constant 0 : i32
        %get3A_429 = arith.constant 0 : i32
        %get3A_430 = tpu.memref_slice %arg7[%scan3A_259, %get3A_428, %get3A_429] : memref<2x128x32xf32, #tpu.memory_space<vmem>> -> memref<1x128x32xf32, #tpu.memory_space<vmem>>
        %get3A_431 = tpu.memref_squeeze %get3A_430 : memref<1x128x32xf32, #tpu.memory_space<vmem>> -> memref<128x32xf32, #tpu.memory_space<vmem>>
        %get3A_432 = arith.index_cast %add3A_427 : i32 to index
        %get3A_433 = arith.constant 0 : index
        %get3A_434 = tpu.vector_load %get3A_431[%get3A_432, %get3A_433] {strides = array<i32>} : memref<128x32xf32, #tpu.memory_space<vmem>>, vector<16xf32>,
        %scatter3A_435 = arith.constant 0 : i32
        %scatter3A_436 = arith.constant 0 : i32
        %scatter3A_437 = arith.constant 0 : i32
        %scatter3A_438 = tpu.memref_slice %arg8[%scan3A_260, %scatter3A_435, %scatter3A_436, %scatter3A_437] : memref<2x4x8x129xf32, #tpu.memory_space<vmem>> -> memref<1x4x8x129xf32, #tpu.memory_space<vmem>>
        %scatter3A_439 = tpu.memref_squeeze %scatter3A_438 : memref<1x4x8x129xf32, #tpu.memory_space<vmem>> -> memref<4x8x129xf32, #tpu.memory_space<vmem>>
        tpu.vector_store_idx %scatter3A_439[%div3A_6, %rem3A_4, %add3A_423], %get3A_434 : memref<4x8x129xf32, #tpu.memory_space<vmem>>[vector<16xi32>, vector<16xi32>, vector<16xi32>], vector<16xf32>,
        %get3A_440 = arith.constant 0 : i32
        %get3A_441 = arith.constant 0 : i32
        %get3A_442 = tpu.memref_slice %arg7[%scan3A_259, %get3A_440, %get3A_441] : memref<2x128x32xf32, #tpu.memory_space<vmem>> -> memref<1x128x32xf32, #tpu.memory_space<vmem>>
        %get3A_443 = tpu.memref_squeeze %get3A_442 : memref<1x128x32xf32, #tpu.memory_space<vmem>> -> memref<128x32xf32, #tpu.memory_space<vmem>>
        %get3A_444 = arith.index_cast %add3A_427 : i32 to index
        %get3A_445 = arith.constant 16 : index
        %get3A_446 = tpu.vector_load %get3A_443[%get3A_444, %get3A_445] {strides = array<i32>} : memref<128x32xf32, #tpu.memory_space<vmem>>, vector<16xf32>,
        %scatter3A_447 = arith.constant 0 : i32
        %scatter3A_448 = arith.constant 0 : i32
        %scatter3A_449 = arith.constant 0 : i32
        %scatter3A_450 = tpu.memref_slice %arg8[%scan3A_260, %scatter3A_447, %scatter3A_448, %scatter3A_449] : memref<2x4x8x129xf32, #tpu.memory_space<vmem>> -> memref<1x4x8x129xf32, #tpu.memory_space<vmem>>
        %scatter3A_451 = tpu.memref_squeeze %scatter3A_450 : memref<1x4x8x129xf32, #tpu.memory_space<vmem>> -> memref<4x8x129xf32, #tpu.memory_space<vmem>>
        tpu.vector_store_idx %scatter3A_451[%add3A_9, %rem3A_4, %add3A_423], %get3A_446 : memref<4x8x129xf32, #tpu.memory_space<vmem>>[vector<16xi32>, vector<16xi32>, vector<16xi32>], vector<16xf32>,
        %add3A_452 = arith.constant 1 : i32
        %add3A_453 = vector.broadcast %add3A_452 : i32 to vector<16xi32>
        %add3A_454 = arith.addi %add3A_423, %add3A_453 : vector<16xi32>
        %mul3A_455 = arith.constant 16 : i32
        %mul3A_456 = arith.muli %scan3A_331, %mul3A_455 : i32
        %add3A_457 = arith.constant 4 : i32
        %add3A_458 = arith.addi %mul3A_456, %add3A_457 : i32
        %get3A_459 = arith.constant 0 : i32
        %get3A_460 = arith.constant 0 : i32
        %get3A_461 = tpu.memref_slice %arg7[%scan3A_259, %get3A_459, %get3A_460] : memref<2x128x32xf32, #tpu.memory_space<vmem>> -> memref<1x128x32xf32, #tpu.memory_space<vmem>>
        %get3A_462 = tpu.memref_squeeze %get3A_461 : memref<1x128x32xf32, #tpu.memory_space<vmem>> -> memref<128x32xf32, #tpu.memory_space<vmem>>
        %get3A_463 = arith.index_cast %add3A_458 : i32 to index
        %get3A_464 = arith.constant 0 : index
        %get3A_465 = tpu.vector_load %get3A_462[%get3A_463, %get3A_464] {strides = array<i32>} : memref<128x32xf32, #tpu.memory_space<vmem>>, vector<16xf32>,
        %scatter3A_466 = arith.constant 0 : i32
        %scatter3A_467 = arith.constant 0 : i32
        %scatter3A_468 = arith.constant 0 : i32
        %scatter3A_469 = tpu.memref_slice %arg8[%scan3A_260, %scatter3A_466, %scatter3A_467, %scatter3A_468] : memref<2x4x8x129xf32, #tpu.memory_space<vmem>> -> memref<1x4x8x129xf32, #tpu.memory_space<vmem>>
        %scatter3A_470 = tpu.memref_squeeze %scatter3A_469 : memref<1x4x8x129xf32, #tpu.memory_space<vmem>> -> memref<4x8x129xf32, #tpu.memory_space<vmem>>
        tpu.vector_store_idx %scatter3A_470[%div3A_6, %rem3A_4, %add3A_454], %get3A_465 : memref<4x8x129xf32, #tpu.memory_space<vmem>>[vector<16xi32>, vector<16xi32>, vector<16xi32>], vector<16xf32>,
        %get3A_471 = arith.constant 0 : i32
        %get3A_472 = arith.constant 0 : i32
        %get3A_473 = tpu.memref_slice %arg7[%scan3A_259, %get3A_471, %get3A_472] : memref<2x128x32xf32, #tpu.memory_space<vmem>> -> memref<1x128x32xf32, #tpu.memory_space<vmem>>
        %get3A_474 = tpu.memref_squeeze %get3A_473 : memref<1x128x32xf32, #tpu.memory_space<vmem>> -> memref<128x32xf32, #tpu.memory_space<vmem>>
        %get3A_475 = arith.index_cast %add3A_458 : i32 to index
        %get3A_476 = arith.constant 16 : index
        %get3A_477 = tpu.vector_load %get3A_474[%get3A_475, %get3A_476] {strides = array<i32>} : memref<128x32xf32, #tpu.memory_space<vmem>>, vector<16xf32>,
        %scatter3A_478 = arith.constant 0 : i32
        %scatter3A_479 = arith.constant 0 : i32
        %scatter3A_480 = arith.constant 0 : i32
        %scatter3A_481 = tpu.memref_slice %arg8[%scan3A_260, %scatter3A_478, %scatter3A_479, %scatter3A_480] : memref<2x4x8x129xf32, #tpu.memory_space<vmem>> -> memref<1x4x8x129xf32, #tpu.memory_space<vmem>>
        %scatter3A_482 = tpu.memref_squeeze %scatter3A_481 : memref<1x4x8x129xf32, #tpu.memory_space<vmem>> -> memref<4x8x129xf32, #tpu.memory_space<vmem>>
        tpu.vector_store_idx %scatter3A_482[%add3A_9, %rem3A_4, %add3A_454], %get3A_477 : memref<4x8x129xf32, #tpu.memory_space<vmem>>[vector<16xi32>, vector<16xi32>, vector<16xi32>], vector<16xf32>,
        %add3A_483 = arith.constant 1 : i32
        %add3A_484 = vector.broadcast %add3A_483 : i32 to vector<16xi32>
        %add3A_485 = arith.addi %add3A_454, %add3A_484 : vector<16xi32>
        %mul3A_486 = arith.constant 16 : i32
        %mul3A_487 = arith.muli %scan3A_331, %mul3A_486 : i32
        %add3A_488 = arith.constant 5 : i32
        %add3A_489 = arith.addi %mul3A_487, %add3A_488 : i32
        %get3A_490 = arith.constant 0 : i32
        %get3A_491 = arith.constant 0 : i32
        %get3A_492 = tpu.memref_slice %arg7[%scan3A_259, %get3A_490, %get3A_491] : memref<2x128x32xf32, #tpu.memory_space<vmem>> -> memref<1x128x32xf32, #tpu.memory_space<vmem>>
        %get3A_493 = tpu.memref_squeeze %get3A_492 : memref<1x128x32xf32, #tpu.memory_space<vmem>> -> memref<128x32xf32, #tpu.memory_space<vmem>>
        %get3A_494 = arith.index_cast %add3A_489 : i32 to index
        %get3A_495 = arith.constant 0 : index
        %get3A_496 = tpu.vector_load %get3A_493[%get3A_494, %get3A_495] {strides = array<i32>} : memref<128x32xf32, #tpu.memory_space<vmem>>, vector<16xf32>,
        %scatter3A_497 = arith.constant 0 : i32
        %scatter3A_498 = arith.constant 0 : i32
        %scatter3A_499 = arith.constant 0 : i32
        %scatter3A_500 = tpu.memref_slice %arg8[%scan3A_260, %scatter3A_497, %scatter3A_498, %scatter3A_499] : memref<2x4x8x129xf32, #tpu.memory_space<vmem>> -> memref<1x4x8x129xf32, #tpu.memory_space<vmem>>
        %scatter3A_501 = tpu.memref_squeeze %scatter3A_500 : memref<1x4x8x129xf32, #tpu.memory_space<vmem>> -> memref<4x8x129xf32, #tpu.memory_space<vmem>>
        tpu.vector_store_idx %scatter3A_501[%div3A_6, %rem3A_4, %add3A_485], %get3A_496 : memref<4x8x129xf32, #tpu.memory_space<vmem>>[vector<16xi32>, vector<16xi32>, vector<16xi32>], vector<16xf32>,
        %get3A_502 = arith.constant 0 : i32
        %get3A_503 = arith.constant 0 : i32
        %get3A_504 = tpu.memref_slice %arg7[%scan3A_259, %get3A_502, %get3A_503] : memref<2x128x32xf32, #tpu.memory_space<vmem>> -> memref<1x128x32xf32, #tpu.memory_space<vmem>>
        %get3A_505 = tpu.memref_squeeze %get3A_504 : memref<1x128x32xf32, #tpu.memory_space<vmem>> -> memref<128x32xf32, #tpu.memory_space<vmem>>
        %get3A_506 = arith.index_cast %add3A_489 : i32 to index
        %get3A_507 = arith.constant 16 : index
        %get3A_508 = tpu.vector_load %get3A_505[%get3A_506, %get3A_507] {strides = array<i32>} : memref<128x32xf32, #tpu.memory_space<vmem>>, vector<16xf32>,
        %scatter3A_509 = arith.constant 0 : i32
        %scatter3A_510 = arith.constant 0 : i32
        %scatter3A_511 = arith.constant 0 : i32
        %scatter3A_512 = tpu.memref_slice %arg8[%scan3A_260, %scatter3A_509, %scatter3A_510, %scatter3A_511] : memref<2x4x8x129xf32, #tpu.memory_space<vmem>> -> memref<1x4x8x129xf32, #tpu.memory_space<vmem>>
        %scatter3A_513 = tpu.memref_squeeze %scatter3A_512 : memref<1x4x8x129xf32, #tpu.memory_space<vmem>> -> memref<4x8x129xf32, #tpu.memory_space<vmem>>
        tpu.vector_store_idx %scatter3A_513[%add3A_9, %rem3A_4, %add3A_485], %get3A_508 : memref<4x8x129xf32, #tpu.memory_space<vmem>>[vector<16xi32>, vector<16xi32>, vector<16xi32>], vector<16xf32>,
        %add3A_514 = arith.constant 1 : i32
        %add3A_515 = vector.broadcast %add3A_514 : i32 to vector<16xi32>
        %add3A_516 = arith.addi %add3A_485, %add3A_515 : vector<16xi32>
        %mul3A_517 = arith.constant 16 : i32
        %mul3A_518 = arith.muli %scan3A_331, %mul3A_517 : i32
        %add3A_519 = arith.constant 6 : i32
        %add3A_520 = arith.addi %mul3A_518, %add3A_519 : i32
        %get3A_521 = arith.constant 0 : i32
        %get3A_522 = arith.constant 0 : i32
        %get3A_523 = tpu.memref_slice %arg7[%scan3A_259, %get3A_521, %get3A_522] : memref<2x128x32xf32, #tpu.memory_space<vmem>> -> memref<1x128x32xf32, #tpu.memory_space<vmem>>
        %get3A_524 = tpu.memref_squeeze %get3A_523 : memref<1x128x32xf32, #tpu.memory_space<vmem>> -> memref<128x32xf32, #tpu.memory_space<vmem>>
        %get3A_525 = arith.index_cast %add3A_520 : i32 to index
        %get3A_526 = arith.constant 0 : index
        %get3A_527 = tpu.vector_load %get3A_524[%get3A_525, %get3A_526] {strides = array<i32>} : memref<128x32xf32, #tpu.memory_space<vmem>>, vector<16xf32>,
        %scatter3A_528 = arith.constant 0 : i32
        %scatter3A_529 = arith.constant 0 : i32
        %scatter3A_530 = arith.constant 0 : i32
        %scatter3A_531 = tpu.memref_slice %arg8[%scan3A_260, %scatter3A_528, %scatter3A_529, %scatter3A_530] : memref<2x4x8x129xf32, #tpu.memory_space<vmem>> -> memref<1x4x8x129xf32, #tpu.memory_space<vmem>>
        %scatter3A_532 = tpu.memref_squeeze %scatter3A_531 : memref<1x4x8x129xf32, #tpu.memory_space<vmem>> -> memref<4x8x129xf32, #tpu.memory_space<vmem>>
        tpu.vector_store_idx %scatter3A_532[%div3A_6, %rem3A_4, %add3A_516], %get3A_527 : memref<4x8x129xf32, #tpu.memory_space<vmem>>[vector<16xi32>, vector<16xi32>, vector<16xi32>], vector<16xf32>,
        %get3A_533 = arith.constant 0 : i32
        %get3A_534 = arith.constant 0 : i32
        %get3A_535 = tpu.memref_slice %arg7[%scan3A_259, %get3A_533, %get3A_534] : memref<2x128x32xf32, #tpu.memory_space<vmem>> -> memref<1x128x32xf32, #tpu.memory_space<vmem>>
        %get3A_536 = tpu.memref_squeeze %get3A_535 : memref<1x128x32xf32, #tpu.memory_space<vmem>> -> memref<128x32xf32, #tpu.memory_space<vmem>>
        %get3A_537 = arith.index_cast %add3A_520 : i32 to index
        %get3A_538 = arith.constant 16 : index
        %get3A_539 = tpu.vector_load %get3A_536[%get3A_537, %get3A_538] {strides = array<i32>} : memref<128x32xf32, #tpu.memory_space<vmem>>, vector<16xf32>,
        %scatter3A_540 = arith.constant 0 : i32
        %scatter3A_541 = arith.constant 0 : i32
        %scatter3A_542 = arith.constant 0 : i32
        %scatter3A_543 = tpu.memref_slice %arg8[%scan3A_260, %scatter3A_540, %scatter3A_541, %scatter3A_542] : memref<2x4x8x129xf32, #tpu.memory_space<vmem>> -> memref<1x4x8x129xf32, #tpu.memory_space<vmem>>
        %scatter3A_544 = tpu.memref_squeeze %scatter3A_543 : memref<1x4x8x129xf32, #tpu.memory_space<vmem>> -> memref<4x8x129xf32, #tpu.memory_space<vmem>>
        tpu.vector_store_idx %scatter3A_544[%add3A_9, %rem3A_4, %add3A_516], %get3A_539 : memref<4x8x129xf32, #tpu.memory_space<vmem>>[vector<16xi32>, vector<16xi32>, vector<16xi32>], vector<16xf32>,
        %add3A_545 = arith.constant 1 : i32
        %add3A_546 = vector.broadcast %add3A_545 : i32 to vector<16xi32>
        %add3A_547 = arith.addi %add3A_516, %add3A_546 : vector<16xi32>
        %mul3A_548 = arith.constant 16 : i32
        %mul3A_549 = arith.muli %scan3A_331, %mul3A_548 : i32
        %add3A_550 = arith.constant 7 : i32
        %add3A_551 = arith.addi %mul3A_549, %add3A_550 : i32
        %get3A_552 = arith.constant 0 : i32
        %get3A_553 = arith.constant 0 : i32
        %get3A_554 = tpu.memref_slice %arg7[%scan3A_259, %get3A_552, %get3A_553] : memref<2x128x32xf32, #tpu.memory_space<vmem>> -> memref<1x128x32xf32, #tpu.memory_space<vmem>>
        %get3A_555 = tpu.memref_squeeze %get3A_554 : memref<1x128x32xf32, #tpu.memory_space<vmem>> -> memref<128x32xf32, #tpu.memory_space<vmem>>
        %get3A_556 = arith.index_cast %add3A_551 : i32 to index
        %get3A_557 = arith.constant 0 : index
        %get3A_558 = tpu.vector_load %get3A_555[%get3A_556, %get3A_557] {strides = array<i32>} : memref<128x32xf32, #tpu.memory_space<vmem>>, vector<16xf32>,
        %scatter3A_559 = arith.constant 0 : i32
        %scatter3A_560 = arith.constant 0 : i32
        %scatter3A_561 = arith.constant 0 : i32
        %scatter3A_562 = tpu.memref_slice %arg8[%scan3A_260, %scatter3A_559, %scatter3A_560, %scatter3A_561] : memref<2x4x8x129xf32, #tpu.memory_space<vmem>> -> memref<1x4x8x129xf32, #tpu.memory_space<vmem>>
        %scatter3A_563 = tpu.memref_squeeze %scatter3A_562 : memref<1x4x8x129xf32, #tpu.memory_space<vmem>> -> memref<4x8x129xf32, #tpu.memory_space<vmem>>
        tpu.vector_store_idx %scatter3A_563[%div3A_6, %rem3A_4, %add3A_547], %get3A_558 : memref<4x8x129xf32, #tpu.memory_space<vmem>>[vector<16xi32>, vector<16xi32>, vector<16xi32>], vector<16xf32>,
        %get3A_564 = arith.constant 0 : i32
        %get3A_565 = arith.constant 0 : i32
        %get3A_566 = tpu.memref_slice %arg7[%scan3A_259, %get3A_564, %get3A_565] : memref<2x128x32xf32, #tpu.memory_space<vmem>> -> memref<1x128x32xf32, #tpu.memory_space<vmem>>
        %get3A_567 = tpu.memref_squeeze %get3A_566 : memref<1x128x32xf32, #tpu.memory_space<vmem>> -> memref<128x32xf32, #tpu.memory_space<vmem>>
        %get3A_568 = arith.index_cast %add3A_551 : i32 to index
        %get3A_569 = arith.constant 16 : index
        %get3A_570 = tpu.vector_load %get3A_567[%get3A_568, %get3A_569] {strides = array<i32>} : memref<128x32xf32, #tpu.memory_space<vmem>>, vector<16xf32>,
        %scatter3A_571 = arith.constant 0 : i32
        %scatter3A_572 = arith.constant 0 : i32
        %scatter3A_573 = arith.constant 0 : i32
        %scatter3A_574 = tpu.memref_slice %arg8[%scan3A_260, %scatter3A_571, %scatter3A_572, %scatter3A_573] : memref<2x4x8x129xf32, #tpu.memory_space<vmem>> -> memref<1x4x8x129xf32, #tpu.memory_space<vmem>>
        %scatter3A_575 = tpu.memref_squeeze %scatter3A_574 : memref<1x4x8x129xf32, #tpu.memory_space<vmem>> -> memref<4x8x129xf32, #tpu.memory_space<vmem>>
        tpu.vector_store_idx %scatter3A_575[%add3A_9, %rem3A_4, %add3A_547], %get3A_570 : memref<4x8x129xf32, #tpu.memory_space<vmem>>[vector<16xi32>, vector<16xi32>, vector<16xi32>], vector<16xf32>,
        %add3A_576 = arith.constant 1 : i32
        %add3A_577 = vector.broadcast %add3A_576 : i32 to vector<16xi32>
        %add3A_578 = arith.addi %add3A_547, %add3A_577 : vector<16xi32>
        %mul3A_579 = arith.constant 16 : i32
        %mul3A_580 = arith.muli %scan3A_331, %mul3A_579 : i32
        %add3A_581 = arith.constant 8 : i32
        %add3A_582 = arith.addi %mul3A_580, %add3A_581 : i32
        %get3A_583 = arith.constant 0 : i32
        %get3A_584 = arith.constant 0 : i32
        %get3A_585 = tpu.memref_slice %arg7[%scan3A_259, %get3A_583, %get3A_584] : memref<2x128x32xf32, #tpu.memory_space<vmem>> -> memref<1x128x32xf32, #tpu.memory_space<vmem>>
        %get3A_586 = tpu.memref_squeeze %get3A_585 : memref<1x128x32xf32, #tpu.memory_space<vmem>> -> memref<128x32xf32, #tpu.memory_space<vmem>>
        %get3A_587 = arith.index_cast %add3A_582 : i32 to index
        %get3A_588 = arith.constant 0 : index
        %get3A_589 = tpu.vector_load %get3A_586[%get3A_587, %get3A_588] {strides = array<i32>} : memref<128x32xf32, #tpu.memory_space<vmem>>, vector<16xf32>,
        %scatter3A_590 = arith.constant 0 : i32
        %scatter3A_591 = arith.constant 0 : i32
        %scatter3A_592 = arith.constant 0 : i32
        %scatter3A_593 = tpu.memref_slice %arg8[%scan3A_260, %scatter3A_590, %scatter3A_591, %scatter3A_592] : memref<2x4x8x129xf32, #tpu.memory_space<vmem>> -> memref<1x4x8x129xf32, #tpu.memory_space<vmem>>
        %scatter3A_594 = tpu.memref_squeeze %scatter3A_593 : memref<1x4x8x129xf32, #tpu.memory_space<vmem>> -> memref<4x8x129xf32, #tpu.memory_space<vmem>>
        tpu.vector_store_idx %scatter3A_594[%div3A_6, %rem3A_4, %add3A_578], %get3A_589 : memref<4x8x129xf32, #tpu.memory_space<vmem>>[vector<16xi32>, vector<16xi32>, vector<16xi32>], vector<16xf32>,
        %get3A_595 = arith.constant 0 : i32
        %get3A_596 = arith.constant 0 : i32
        %get3A_597 = tpu.memref_slice %arg7[%scan3A_259, %get3A_595, %get3A_596] : memref<2x128x32xf32, #tpu.memory_space<vmem>> -> memref<1x128x32xf32, #tpu.memory_space<vmem>>
        %get3A_598 = tpu.memref_squeeze %get3A_597 : memref<1x128x32xf32, #tpu.memory_space<vmem>> -> memref<128x32xf32, #tpu.memory_space<vmem>>
        %get3A_599 = arith.index_cast %add3A_582 : i32 to index
        %get3A_600 = arith.constant 16 : index
        %get3A_601 = tpu.vector_load %get3A_598[%get3A_599, %get3A_600] {strides = array<i32>} : memref<128x32xf32, #tpu.memory_space<vmem>>, vector<16xf32>,
        %scatter3A_602 = arith.constant 0 : i32
        %scatter3A_603 = arith.constant 0 : i32
        %scatter3A_604 = arith.constant 0 : i32
        %scatter3A_605 = tpu.memref_slice %arg8[%scan3A_260, %scatter3A_602, %scatter3A_603, %scatter3A_604] : memref<2x4x8x129xf32, #tpu.memory_space<vmem>> -> memref<1x4x8x129xf32, #tpu.memory_space<vmem>>
        %scatter3A_606 = tpu.memref_squeeze %scatter3A_605 : memref<1x4x8x129xf32, #tpu.memory_space<vmem>> -> memref<4x8x129xf32, #tpu.memory_space<vmem>>
        tpu.vector_store_idx %scatter3A_606[%add3A_9, %rem3A_4, %add3A_578], %get3A_601 : memref<4x8x129xf32, #tpu.memory_space<vmem>>[vector<16xi32>, vector<16xi32>, vector<16xi32>], vector<16xf32>,
        %add3A_607 = arith.constant 1 : i32
        %add3A_608 = vector.broadcast %add3A_607 : i32 to vector<16xi32>
        %add3A_609 = arith.addi %add3A_578, %add3A_608 : vector<16xi32>
        %mul3A_610 = arith.constant 16 : i32
        %mul3A_611 = arith.muli %scan3A_331, %mul3A_610 : i32
        %add3A_612 = arith.constant 9 : i32
        %add3A_613 = arith.addi %mul3A_611, %add3A_612 : i32
        %get3A_614 = arith.constant 0 : i32
        %get3A_615 = arith.constant 0 : i32
        %get3A_616 = tpu.memref_slice %arg7[%scan3A_259, %get3A_614, %get3A_615] : memref<2x128x32xf32, #tpu.memory_space<vmem>> -> memref<1x128x32xf32, #tpu.memory_space<vmem>>
        %get3A_617 = tpu.memref_squeeze %get3A_616 : memref<1x128x32xf32, #tpu.memory_space<vmem>> -> memref<128x32xf32, #tpu.memory_space<vmem>>
        %get3A_618 = arith.index_cast %add3A_613 : i32 to index
        %get3A_619 = arith.constant 0 : index
        %get3A_620 = tpu.vector_load %get3A_617[%get3A_618, %get3A_619] {strides = array<i32>} : memref<128x32xf32, #tpu.memory_space<vmem>>, vector<16xf32>,
        %scatter3A_621 = arith.constant 0 : i32
        %scatter3A_622 = arith.constant 0 : i32
        %scatter3A_623 = arith.constant 0 : i32
        %scatter3A_624 = tpu.memref_slice %arg8[%scan3A_260, %scatter3A_621, %scatter3A_622, %scatter3A_623] : memref<2x4x8x129xf32, #tpu.memory_space<vmem>> -> memref<1x4x8x129xf32, #tpu.memory_space<vmem>>
        %scatter3A_625 = tpu.memref_squeeze %scatter3A_624 : memref<1x4x8x129xf32, #tpu.memory_space<vmem>> -> memref<4x8x129xf32, #tpu.memory_space<vmem>>
        tpu.vector_store_idx %scatter3A_625[%div3A_6, %rem3A_4, %add3A_609], %get3A_620 : memref<4x8x129xf32, #tpu.memory_space<vmem>>[vector<16xi32>, vector<16xi32>, vector<16xi32>], vector<16xf32>,
        %get3A_626 = arith.constant 0 : i32
        %get3A_627 = arith.constant 0 : i32
        %get3A_628 = tpu.memref_slice %arg7[%scan3A_259, %get3A_626, %get3A_627] : memref<2x128x32xf32, #tpu.memory_space<vmem>> -> memref<1x128x32xf32, #tpu.memory_space<vmem>>
        %get3A_629 = tpu.memref_squeeze %get3A_628 : memref<1x128x32xf32, #tpu.memory_space<vmem>> -> memref<128x32xf32, #tpu.memory_space<vmem>>
        %get3A_630 = arith.index_cast %add3A_613 : i32 to index
        %get3A_631 = arith.constant 16 : index
        %get3A_632 = tpu.vector_load %get3A_629[%get3A_630, %get3A_631] {strides = array<i32>} : memref<128x32xf32, #tpu.memory_space<vmem>>, vector<16xf32>,
        %scatter3A_633 = arith.constant 0 : i32
        %scatter3A_634 = arith.constant 0 : i32
        %scatter3A_635 = arith.constant 0 : i32
        %scatter3A_636 = tpu.memref_slice %arg8[%scan3A_260, %scatter3A_633, %scatter3A_634, %scatter3A_635] : memref<2x4x8x129xf32, #tpu.memory_space<vmem>> -> memref<1x4x8x129xf32, #tpu.memory_space<vmem>>
        %scatter3A_637 = tpu.memref_squeeze %scatter3A_636 : memref<1x4x8x129xf32, #tpu.memory_space<vmem>> -> memref<4x8x129xf32, #tpu.memory_space<vmem>>
        tpu.vector_store_idx %scatter3A_637[%add3A_9, %rem3A_4, %add3A_609], %get3A_632 : memref<4x8x129xf32, #tpu.memory_space<vmem>>[vector<16xi32>, vector<16xi32>, vector<16xi32>], vector<16xf32>,
        %add3A_638 = arith.constant 1 : i32
        %add3A_639 = vector.broadcast %add3A_638 : i32 to vector<16xi32>
        %add3A_640 = arith.addi %add3A_609, %add3A_639 : vector<16xi32>
        %mul3A_641 = arith.constant 16 : i32
        %mul3A_642 = arith.muli %scan3A_331, %mul3A_641 : i32
        %add3A_643 = arith.constant 10 : i32
        %add3A_644 = arith.addi %mul3A_642, %add3A_643 : i32
        %get3A_645 = arith.constant 0 : i32
        %get3A_646 = arith.constant 0 : i32
        %get3A_647 = tpu.memref_slice %arg7[%scan3A_259, %get3A_645, %get3A_646] : memref<2x128x32xf32, #tpu.memory_space<vmem>> -> memref<1x128x32xf32, #tpu.memory_space<vmem>>
        %get3A_648 = tpu.memref_squeeze %get3A_647 : memref<1x128x32xf32, #tpu.memory_space<vmem>> -> memref<128x32xf32, #tpu.memory_space<vmem>>
        %get3A_649 = arith.index_cast %add3A_644 : i32 to index
        %get3A_650 = arith.constant 0 : index
        %get3A_651 = tpu.vector_load %get3A_648[%get3A_649, %get3A_650] {strides = array<i32>} : memref<128x32xf32, #tpu.memory_space<vmem>>, vector<16xf32>,
        %scatter3A_652 = arith.constant 0 : i32
        %scatter3A_653 = arith.constant 0 : i32
        %scatter3A_654 = arith.constant 0 : i32
        %scatter3A_655 = tpu.memref_slice %arg8[%scan3A_260, %scatter3A_652, %scatter3A_653, %scatter3A_654] : memref<2x4x8x129xf32, #tpu.memory_space<vmem>> -> memref<1x4x8x129xf32, #tpu.memory_space<vmem>>
        %scatter3A_656 = tpu.memref_squeeze %scatter3A_655 : memref<1x4x8x129xf32, #tpu.memory_space<vmem>> -> memref<4x8x129xf32, #tpu.memory_space<vmem>>
        tpu.vector_store_idx %scatter3A_656[%div3A_6, %rem3A_4, %add3A_640], %get3A_651 : memref<4x8x129xf32, #tpu.memory_space<vmem>>[vector<16xi32>, vector<16xi32>, vector<16xi32>], vector<16xf32>,
        %get3A_657 = arith.constant 0 : i32
        %get3A_658 = arith.constant 0 : i32
        %get3A_659 = tpu.memref_slice %arg7[%scan3A_259, %get3A_657, %get3A_658] : memref<2x128x32xf32, #tpu.memory_space<vmem>> -> memref<1x128x32xf32, #tpu.memory_space<vmem>>
        %get3A_660 = tpu.memref_squeeze %get3A_659 : memref<1x128x32xf32, #tpu.memory_space<vmem>> -> memref<128x32xf32, #tpu.memory_space<vmem>>
        %get3A_661 = arith.index_cast %add3A_644 : i32 to index
        %get3A_662 = arith.constant 16 : index
        %get3A_663 = tpu.vector_load %get3A_660[%get3A_661, %get3A_662] {strides = array<i32>} : memref<128x32xf32, #tpu.memory_space<vmem>>, vector<16xf32>,
        %scatter3A_664 = arith.constant 0 : i32
        %scatter3A_665 = arith.constant 0 : i32
        %scatter3A_666 = arith.constant 0 : i32
        %scatter3A_667 = tpu.memref_slice %arg8[%scan3A_260, %scatter3A_664, %scatter3A_665, %scatter3A_666] : memref<2x4x8x129xf32, #tpu.memory_space<vmem>> -> memref<1x4x8x129xf32, #tpu.memory_space<vmem>>
        %scatter3A_668 = tpu.memref_squeeze %scatter3A_667 : memref<1x4x8x129xf32, #tpu.memory_space<vmem>> -> memref<4x8x129xf32, #tpu.memory_space<vmem>>
        tpu.vector_store_idx %scatter3A_668[%add3A_9, %rem3A_4, %add3A_640], %get3A_663 : memref<4x8x129xf32, #tpu.memory_space<vmem>>[vector<16xi32>, vector<16xi32>, vector<16xi32>], vector<16xf32>,
        %add3A_669 = arith.constant 1 : i32
        %add3A_670 = vector.broadcast %add3A_669 : i32 to vector<16xi32>
        %add3A_671 = arith.addi %add3A_640, %add3A_670 : vector<16xi32>
        %mul3A_672 = arith.constant 16 : i32
        %mul3A_673 = arith.muli %scan3A_331, %mul3A_672 : i32
        %add3A_674 = arith.constant 11 : i32
        %add3A_675 = arith.addi %mul3A_673, %add3A_674 : i32
        %get3A_676 = arith.constant 0 : i32
        %get3A_677 = arith.constant 0 : i32
        %get3A_678 = tpu.memref_slice %arg7[%scan3A_259, %get3A_676, %get3A_677] : memref<2x128x32xf32, #tpu.memory_space<vmem>> -> memref<1x128x32xf32, #tpu.memory_space<vmem>>
        %get3A_679 = tpu.memref_squeeze %get3A_678 : memref<1x128x32xf32, #tpu.memory_space<vmem>> -> memref<128x32xf32, #tpu.memory_space<vmem>>
        %get3A_680 = arith.index_cast %add3A_675 : i32 to index
        %get3A_681 = arith.constant 0 : index
        %get3A_682 = tpu.vector_load %get3A_679[%get3A_680, %get3A_681] {strides = array<i32>} : memref<128x32xf32, #tpu.memory_space<vmem>>, vector<16xf32>,
        %scatter3A_683 = arith.constant 0 : i32
        %scatter3A_684 = arith.constant 0 : i32
        %scatter3A_685 = arith.constant 0 : i32
        %scatter3A_686 = tpu.memref_slice %arg8[%scan3A_260, %scatter3A_683, %scatter3A_684, %scatter3A_685] : memref<2x4x8x129xf32, #tpu.memory_space<vmem>> -> memref<1x4x8x129xf32, #tpu.memory_space<vmem>>
        %scatter3A_687 = tpu.memref_squeeze %scatter3A_686 : memref<1x4x8x129xf32, #tpu.memory_space<vmem>> -> memref<4x8x129xf32, #tpu.memory_space<vmem>>
        tpu.vector_store_idx %scatter3A_687[%div3A_6, %rem3A_4, %add3A_671], %get3A_682 : memref<4x8x129xf32, #tpu.memory_space<vmem>>[vector<16xi32>, vector<16xi32>, vector<16xi32>], vector<16xf32>,
        %get3A_688 = arith.constant 0 : i32
        %get3A_689 = arith.constant 0 : i32
        %get3A_690 = tpu.memref_slice %arg7[%scan3A_259, %get3A_688, %get3A_689] : memref<2x128x32xf32, #tpu.memory_space<vmem>> -> memref<1x128x32xf32, #tpu.memory_space<vmem>>
        %get3A_691 = tpu.memref_squeeze %get3A_690 : memref<1x128x32xf32, #tpu.memory_space<vmem>> -> memref<128x32xf32, #tpu.memory_space<vmem>>
        %get3A_692 = arith.index_cast %add3A_675 : i32 to index
        %get3A_693 = arith.constant 16 : index
        %get3A_694 = tpu.vector_load %get3A_691[%get3A_692, %get3A_693] {strides = array<i32>} : memref<128x32xf32, #tpu.memory_space<vmem>>, vector<16xf32>,
        %scatter3A_695 = arith.constant 0 : i32
        %scatter3A_696 = arith.constant 0 : i32
        %scatter3A_697 = arith.constant 0 : i32
        %scatter3A_698 = tpu.memref_slice %arg8[%scan3A_260, %scatter3A_695, %scatter3A_696, %scatter3A_697] : memref<2x4x8x129xf32, #tpu.memory_space<vmem>> -> memref<1x4x8x129xf32, #tpu.memory_space<vmem>>
        %scatter3A_699 = tpu.memref_squeeze %scatter3A_698 : memref<1x4x8x129xf32, #tpu.memory_space<vmem>> -> memref<4x8x129xf32, #tpu.memory_space<vmem>>
        tpu.vector_store_idx %scatter3A_699[%add3A_9, %rem3A_4, %add3A_671], %get3A_694 : memref<4x8x129xf32, #tpu.memory_space<vmem>>[vector<16xi32>, vector<16xi32>, vector<16xi32>], vector<16xf32>,
        %add3A_700 = arith.constant 1 : i32
        %add3A_701 = vector.broadcast %add3A_700 : i32 to vector<16xi32>
        %add3A_702 = arith.addi %add3A_671, %add3A_701 : vector<16xi32>
        %mul3A_703 = arith.constant 16 : i32
        %mul3A_704 = arith.muli %scan3A_331, %mul3A_703 : i32
        %add3A_705 = arith.constant 12 : i32
        %add3A_706 = arith.addi %mul3A_704, %add3A_705 : i32
        %get3A_707 = arith.constant 0 : i32
        %get3A_708 = arith.constant 0 : i32
        %get3A_709 = tpu.memref_slice %arg7[%scan3A_259, %get3A_707, %get3A_708] : memref<2x128x32xf32, #tpu.memory_space<vmem>> -> memref<1x128x32xf32, #tpu.memory_space<vmem>>
        %get3A_710 = tpu.memref_squeeze %get3A_709 : memref<1x128x32xf32, #tpu.memory_space<vmem>> -> memref<128x32xf32, #tpu.memory_space<vmem>>
        %get3A_711 = arith.index_cast %add3A_706 : i32 to index
        %get3A_712 = arith.constant 0 : index
        %get3A_713 = tpu.vector_load %get3A_710[%get3A_711, %get3A_712] {strides = array<i32>} : memref<128x32xf32, #tpu.memory_space<vmem>>, vector<16xf32>,
        %scatter3A_714 = arith.constant 0 : i32
        %scatter3A_715 = arith.constant 0 : i32
        %scatter3A_716 = arith.constant 0 : i32
        %scatter3A_717 = tpu.memref_slice %arg8[%scan3A_260, %scatter3A_714, %scatter3A_715, %scatter3A_716] : memref<2x4x8x129xf32, #tpu.memory_space<vmem>> -> memref<1x4x8x129xf32, #tpu.memory_space<vmem>>
        %scatter3A_718 = tpu.memref_squeeze %scatter3A_717 : memref<1x4x8x129xf32, #tpu.memory_space<vmem>> -> memref<4x8x129xf32, #tpu.memory_space<vmem>>
        tpu.vector_store_idx %scatter3A_718[%div3A_6, %rem3A_4, %add3A_702], %get3A_713 : memref<4x8x129xf32, #tpu.memory_space<vmem>>[vector<16xi32>, vector<16xi32>, vector<16xi32>], vector<16xf32>,
        %get3A_719 = arith.constant 0 : i32
        %get3A_720 = arith.constant 0 : i32
        %get3A_721 = tpu.memref_slice %arg7[%scan3A_259, %get3A_719, %get3A_720] : memref<2x128x32xf32, #tpu.memory_space<vmem>> -> memref<1x128x32xf32, #tpu.memory_space<vmem>>
        %get3A_722 = tpu.memref_squeeze %get3A_721 : memref<1x128x32xf32, #tpu.memory_space<vmem>> -> memref<128x32xf32, #tpu.memory_space<vmem>>
        %get3A_723 = arith.index_cast %add3A_706 : i32 to index
        %get3A_724 = arith.constant 16 : index
        %get3A_725 = tpu.vector_load %get3A_722[%get3A_723, %get3A_724] {strides = array<i32>} : memref<128x32xf32, #tpu.memory_space<vmem>>, vector<16xf32>,
        %scatter3A_726 = arith.constant 0 : i32
        %scatter3A_727 = arith.constant 0 : i32
        %scatter3A_728 = arith.constant 0 : i32
        %scatter3A_729 = tpu.memref_slice %arg8[%scan3A_260, %scatter3A_726, %scatter3A_727, %scatter3A_728] : memref<2x4x8x129xf32, #tpu.memory_space<vmem>> -> memref<1x4x8x129xf32, #tpu.memory_space<vmem>>
        %scatter3A_730 = tpu.memref_squeeze %scatter3A_729 : memref<1x4x8x129xf32, #tpu.memory_space<vmem>> -> memref<4x8x129xf32, #tpu.memory_space<vmem>>
        tpu.vector_store_idx %scatter3A_730[%add3A_9, %rem3A_4, %add3A_702], %get3A_725 : memref<4x8x129xf32, #tpu.memory_space<vmem>>[vector<16xi32>, vector<16xi32>, vector<16xi32>], vector<16xf32>,
        %add3A_731 = arith.constant 1 : i32
        %add3A_732 = vector.broadcast %add3A_731 : i32 to vector<16xi32>
        %add3A_733 = arith.addi %add3A_702, %add3A_732 : vector<16xi32>
        %mul3A_734 = arith.constant 16 : i32
        %mul3A_735 = arith.muli %scan3A_331, %mul3A_734 : i32
        %add3A_736 = arith.constant 13 : i32
        %add3A_737 = arith.addi %mul3A_735, %add3A_736 : i32
        %get3A_738 = arith.constant 0 : i32
        %get3A_739 = arith.constant 0 : i32
        %get3A_740 = tpu.memref_slice %arg7[%scan3A_259, %get3A_738, %get3A_739] : memref<2x128x32xf32, #tpu.memory_space<vmem>> -> memref<1x128x32xf32, #tpu.memory_space<vmem>>
        %get3A_741 = tpu.memref_squeeze %get3A_740 : memref<1x128x32xf32, #tpu.memory_space<vmem>> -> memref<128x32xf32, #tpu.memory_space<vmem>>
        %get3A_742 = arith.index_cast %add3A_737 : i32 to index
        %get3A_743 = arith.constant 0 : index
        %get3A_744 = tpu.vector_load %get3A_741[%get3A_742, %get3A_743] {strides = array<i32>} : memref<128x32xf32, #tpu.memory_space<vmem>>, vector<16xf32>,
        %scatter3A_745 = arith.constant 0 : i32
        %scatter3A_746 = arith.constant 0 : i32
        %scatter3A_747 = arith.constant 0 : i32
        %scatter3A_748 = tpu.memref_slice %arg8[%scan3A_260, %scatter3A_745, %scatter3A_746, %scatter3A_747] : memref<2x4x8x129xf32, #tpu.memory_space<vmem>> -> memref<1x4x8x129xf32, #tpu.memory_space<vmem>>
        %scatter3A_749 = tpu.memref_squeeze %scatter3A_748 : memref<1x4x8x129xf32, #tpu.memory_space<vmem>> -> memref<4x8x129xf32, #tpu.memory_space<vmem>>
        tpu.vector_store_idx %scatter3A_749[%div3A_6, %rem3A_4, %add3A_733], %get3A_744 : memref<4x8x129xf32, #tpu.memory_space<vmem>>[vector<16xi32>, vector<16xi32>, vector<16xi32>], vector<16xf32>,
        %get3A_750 = arith.constant 0 : i32
        %get3A_751 = arith.constant 0 : i32
        %get3A_752 = tpu.memref_slice %arg7[%scan3A_259, %get3A_750, %get3A_751] : memref<2x128x32xf32, #tpu.memory_space<vmem>> -> memref<1x128x32xf32, #tpu.memory_space<vmem>>
        %get3A_753 = tpu.memref_squeeze %get3A_752 : memref<1x128x32xf32, #tpu.memory_space<vmem>> -> memref<128x32xf32, #tpu.memory_space<vmem>>
        %get3A_754 = arith.index_cast %add3A_737 : i32 to index
        %get3A_755 = arith.constant 16 : index
        %get3A_756 = tpu.vector_load %get3A_753[%get3A_754, %get3A_755] {strides = array<i32>} : memref<128x32xf32, #tpu.memory_space<vmem>>, vector<16xf32>,
        %scatter3A_757 = arith.constant 0 : i32
        %scatter3A_758 = arith.constant 0 : i32
        %scatter3A_759 = arith.constant 0 : i32
        %scatter3A_760 = tpu.memref_slice %arg8[%scan3A_260, %scatter3A_757, %scatter3A_758, %scatter3A_759] : memref<2x4x8x129xf32, #tpu.memory_space<vmem>> -> memref<1x4x8x129xf32, #tpu.memory_space<vmem>>
        %scatter3A_761 = tpu.memref_squeeze %scatter3A_760 : memref<1x4x8x129xf32, #tpu.memory_space<vmem>> -> memref<4x8x129xf32, #tpu.memory_space<vmem>>
        tpu.vector_store_idx %scatter3A_761[%add3A_9, %rem3A_4, %add3A_733], %get3A_756 : memref<4x8x129xf32, #tpu.memory_space<vmem>>[vector<16xi32>, vector<16xi32>, vector<16xi32>], vector<16xf32>,
        %add3A_762 = arith.constant 1 : i32
        %add3A_763 = vector.broadcast %add3A_762 : i32 to vector<16xi32>
        %add3A_764 = arith.addi %add3A_733, %add3A_763 : vector<16xi32>
        %mul3A_765 = arith.constant 16 : i32
        %mul3A_766 = arith.muli %scan3A_331, %mul3A_765 : i32
        %add3A_767 = arith.constant 14 : i32
        %add3A_768 = arith.addi %mul3A_766, %add3A_767 : i32
        %get3A_769 = arith.constant 0 : i32
        %get3A_770 = arith.constant 0 : i32
        %get3A_771 = tpu.memref_slice %arg7[%scan3A_259, %get3A_769, %get3A_770] : memref<2x128x32xf32, #tpu.memory_space<vmem>> -> memref<1x128x32xf32, #tpu.memory_space<vmem>>
        %get3A_772 = tpu.memref_squeeze %get3A_771 : memref<1x128x32xf32, #tpu.memory_space<vmem>> -> memref<128x32xf32, #tpu.memory_space<vmem>>
        %get3A_773 = arith.index_cast %add3A_768 : i32 to index
        %get3A_774 = arith.constant 0 : index
        %get3A_775 = tpu.vector_load %get3A_772[%get3A_773, %get3A_774] {strides = array<i32>} : memref<128x32xf32, #tpu.memory_space<vmem>>, vector<16xf32>,
        %scatter3A_776 = arith.constant 0 : i32
        %scatter3A_777 = arith.constant 0 : i32
        %scatter3A_778 = arith.constant 0 : i32
        %scatter3A_779 = tpu.memref_slice %arg8[%scan3A_260, %scatter3A_776, %scatter3A_777, %scatter3A_778] : memref<2x4x8x129xf32, #tpu.memory_space<vmem>> -> memref<1x4x8x129xf32, #tpu.memory_space<vmem>>
        %scatter3A_780 = tpu.memref_squeeze %scatter3A_779 : memref<1x4x8x129xf32, #tpu.memory_space<vmem>> -> memref<4x8x129xf32, #tpu.memory_space<vmem>>
        tpu.vector_store_idx %scatter3A_780[%div3A_6, %rem3A_4, %add3A_764], %get3A_775 : memref<4x8x129xf32, #tpu.memory_space<vmem>>[vector<16xi32>, vector<16xi32>, vector<16xi32>], vector<16xf32>,
        %get3A_781 = arith.constant 0 : i32
        %get3A_782 = arith.constant 0 : i32
        %get3A_783 = tpu.memref_slice %arg7[%scan3A_259, %get3A_781, %get3A_782] : memref<2x128x32xf32, #tpu.memory_space<vmem>> -> memref<1x128x32xf32, #tpu.memory_space<vmem>>
        %get3A_784 = tpu.memref_squeeze %get3A_783 : memref<1x128x32xf32, #tpu.memory_space<vmem>> -> memref<128x32xf32, #tpu.memory_space<vmem>>
        %get3A_785 = arith.index_cast %add3A_768 : i32 to index
        %get3A_786 = arith.constant 16 : index
        %get3A_787 = tpu.vector_load %get3A_784[%get3A_785, %get3A_786] {strides = array<i32>} : memref<128x32xf32, #tpu.memory_space<vmem>>, vector<16xf32>,
        %scatter3A_788 = arith.constant 0 : i32
        %scatter3A_789 = arith.constant 0 : i32
        %scatter3A_790 = arith.constant 0 : i32
        %scatter3A_791 = tpu.memref_slice %arg8[%scan3A_260, %scatter3A_788, %scatter3A_789, %scatter3A_790] : memref<2x4x8x129xf32, #tpu.memory_space<vmem>> -> memref<1x4x8x129xf32, #tpu.memory_space<vmem>>
        %scatter3A_792 = tpu.memref_squeeze %scatter3A_791 : memref<1x4x8x129xf32, #tpu.memory_space<vmem>> -> memref<4x8x129xf32, #tpu.memory_space<vmem>>
        tpu.vector_store_idx %scatter3A_792[%add3A_9, %rem3A_4, %add3A_764], %get3A_787 : memref<4x8x129xf32, #tpu.memory_space<vmem>>[vector<16xi32>, vector<16xi32>, vector<16xi32>], vector<16xf32>,
        %add3A_793 = arith.constant 1 : i32
        %add3A_794 = vector.broadcast %add3A_793 : i32 to vector<16xi32>
        %add3A_795 = arith.addi %add3A_764, %add3A_794 : vector<16xi32>
        %mul3A_796 = arith.constant 16 : i32
        %mul3A_797 = arith.muli %scan3A_331, %mul3A_796 : i32
        %add3A_798 = arith.constant 15 : i32
        %add3A_799 = arith.addi %mul3A_797, %add3A_798 : i32
        %get3A_800 = arith.constant 0 : i32
        %get3A_801 = arith.constant 0 : i32
        %get3A_802 = tpu.memref_slice %arg7[%scan3A_259, %get3A_800, %get3A_801] : memref<2x128x32xf32, #tpu.memory_space<vmem>> -> memref<1x128x32xf32, #tpu.memory_space<vmem>>
        %get3A_803 = tpu.memref_squeeze %get3A_802 : memref<1x128x32xf32, #tpu.memory_space<vmem>> -> memref<128x32xf32, #tpu.memory_space<vmem>>
        %get3A_804 = arith.index_cast %add3A_799 : i32 to index
        %get3A_805 = arith.constant 0 : index
        %get3A_806 = tpu.vector_load %get3A_803[%get3A_804, %get3A_805] {strides = array<i32>} : memref<128x32xf32, #tpu.memory_space<vmem>>, vector<16xf32>,
        %scatter3A_807 = arith.constant 0 : i32
        %scatter3A_808 = arith.constant 0 : i32
        %scatter3A_809 = arith.constant 0 : i32
        %scatter3A_810 = tpu.memref_slice %arg8[%scan3A_260, %scatter3A_807, %scatter3A_808, %scatter3A_809] : memref<2x4x8x129xf32, #tpu.memory_space<vmem>> -> memref<1x4x8x129xf32, #tpu.memory_space<vmem>>
        %scatter3A_811 = tpu.memref_squeeze %scatter3A_810 : memref<1x4x8x129xf32, #tpu.memory_space<vmem>> -> memref<4x8x129xf32, #tpu.memory_space<vmem>>
        tpu.vector_store_idx %scatter3A_811[%div3A_6, %rem3A_4, %add3A_795], %get3A_806 : memref<4x8x129xf32, #tpu.memory_space<vmem>>[vector<16xi32>, vector<16xi32>, vector<16xi32>], vector<16xf32>,
        %get3A_812 = arith.constant 0 : i32
        %get3A_813 = arith.constant 0 : i32
        %get3A_814 = tpu.memref_slice %arg7[%scan3A_259, %get3A_812, %get3A_813] : memref<2x128x32xf32, #tpu.memory_space<vmem>> -> memref<1x128x32xf32, #tpu.memory_space<vmem>>
        %get3A_815 = tpu.memref_squeeze %get3A_814 : memref<1x128x32xf32, #tpu.memory_space<vmem>> -> memref<128x32xf32, #tpu.memory_space<vmem>>
        %get3A_816 = arith.index_cast %add3A_799 : i32 to index
        %get3A_817 = arith.constant 16 : index
        %get3A_818 = tpu.vector_load %get3A_815[%get3A_816, %get3A_817] {strides = array<i32>} : memref<128x32xf32, #tpu.memory_space<vmem>>, vector<16xf32>,
        %scatter3A_819 = arith.constant 0 : i32
        %scatter3A_820 = arith.constant 0 : i32
        %scatter3A_821 = arith.constant 0 : i32
        %scatter3A_822 = tpu.memref_slice %arg8[%scan3A_260, %scatter3A_819, %scatter3A_820, %scatter3A_821] : memref<2x4x8x129xf32, #tpu.memory_space<vmem>> -> memref<1x4x8x129xf32, #tpu.memory_space<vmem>>
        %scatter3A_823 = tpu.memref_squeeze %scatter3A_822 : memref<1x4x8x129xf32, #tpu.memory_space<vmem>> -> memref<4x8x129xf32, #tpu.memory_space<vmem>>
        tpu.vector_store_idx %scatter3A_823[%add3A_9, %rem3A_4, %add3A_795], %get3A_818 : memref<4x8x129xf32, #tpu.memory_space<vmem>>[vector<16xi32>, vector<16xi32>, vector<16xi32>], vector<16xf32>,
        %add3A_824 = arith.constant 1 : i32
        %add3A_825 = vector.broadcast %add3A_824 : i32 to vector<16xi32>
        %add3A_826 = arith.addi %add3A_795, %add3A_825 : vector<16xi32>
        scf.yield %add3A_826 : vector<16xi32>
      }
      %scan3A_266 = arith.constant 8 : i32
      %jit3A_267 = arith.constant 50 : i32
      %div3A_268 = arith.divsi %add3A_232, %jit3A_267 : i32
      %sign3A_269 = arith.constant 0 : i32
      %sign3A_270 = arith.cmpi sgt, %add3A_232, %sign3A_269 : i32
      %sign3A_271 = arith.extui %sign3A_270 : i1 to i32
      %sign3A_272 = arith.constant 0 : i32
      %sign3A_273 = arith.cmpi slt, %add3A_232, %sign3A_272 : i32
      %sign3A_274 = arith.extui %sign3A_273 : i1 to i32
      %sign3A_275 = arith.subi %sign3A_271, %sign3A_274 : i32
      %sign3A_276 = arith.constant 0 : i32
      %sign3A_277 = arith.cmpi sgt, %jit3A_267, %sign3A_276 : i32
      %sign3A_278 = arith.extui %sign3A_277 : i1 to i32
      %sign3A_279 = arith.constant 0 : i32
      %sign3A_280 = arith.cmpi slt, %jit3A_267, %sign3A_279 : i32
      %sign3A_281 = arith.extui %sign3A_280 : i1 to i32
      %sign3A_282 = arith.subi %sign3A_278, %sign3A_281 : i32
      %ne3A_283 = arith.cmpi ne, %sign3A_275, %sign3A_282 : i32
      %rem3A_284 = arith.remsi %add3A_232, %jit3A_267 : i32
      %ne3A_285 = arith.constant 0 : i32
      %ne3A_286 = arith.cmpi ne, %rem3A_284, %ne3A_285 : i32
      %and3A_287 = arith.andi %ne3A_283, %ne3A_286 : i1
      %sub3A_288 = arith.constant 1 : i32
      %sub3A_289 = arith.subi %div3A_268, %sub3A_288 : i32
      %select_n3A_290 = arith.select %and3A_287, %sub3A_289, %div3A_268 : i32
      %jit3A_291 = arith.constant 50 : i32
      %eq3A_292 = arith.constant 0 : i32
      %eq3A_293 = arith.cmpi eq, %jit3A_291, %eq3A_292 : i32
      %jit3A_294 = arith.constant 1 : i32
      %select_n3A_295 = arith.select %eq3A_293, %jit3A_294, %jit3A_291 : i32
      %rem3A_296 = arith.remsi %add3A_232, %select_n3A_295 : i32
      %ne3A_297 = arith.constant 0 : i32
      %ne3A_298 = arith.cmpi ne, %rem3A_296, %ne3A_297 : i32
      %lt3A_299 = arith.constant 0 : i32
      %lt3A_300 = arith.cmpi slt, %rem3A_296, %lt3A_299 : i32
      %lt3A_301 = arith.constant 0 : i32
      %lt3A_302 = arith.cmpi slt, %select_n3A_295, %lt3A_301 : i32
      %ne3A_303 = arith.xori %lt3A_300, %lt3A_302 : i1
      %and3A_304 = arith.andi %ne3A_303, %ne3A_298 : i1
      %add3A_305 = arith.addi %rem3A_296, %select_n3A_295 : i32
      %select_n3A_306 = arith.select %and3A_304, %add3A_305, %rem3A_296 : i32
      %mul3A_307 = arith.constant 4 : i32
      %mul3A_308 = arith.muli %add3A, %mul3A_307 : i32
      %add3A_309 = arith.addi %mul3A_308, %select_n3A_290 : i32
      %dma_start3A_310 = arith.constant 1 : i32
      %dma_start3A_311 = arith.constant 0 : i32
      %dma_start3A_312 = arith.constant 0 : i32
      %dma_start3A_313 = arith.constant 0 : i32
      %dma_start3A_314 = tpu.memref_slice %arg8[%dma_start3A_310, %dma_start3A_311, %dma_start3A_312, %dma_start3A_313] : memref<2x4x8x129xf32, #tpu.memory_space<vmem>> -> memref<1x4x8x128xf32, #tpu.memory_space<vmem>>
      %dma_start3A_315 = tpu.memref_squeeze %dma_start3A_314 : memref<1x4x8x128xf32, #tpu.memory_space<vmem>> -> memref<4x8x128xf32, #tpu.memory_space<vmem>>
      %dma_start3A_316 = arith.constant 0 : i32
      %dma_start3A_317 = arith.constant 0 : i32
      %dma_start3A_318 = arith.constant 0 : i32
      %dma_start3A_319 = tpu.memref_slice %arg4[%select_n3A_306, %dma_start3A_316, %add3A_309, %dma_start3A_317, %dma_start3A_318] : memref<50x4x128x8x128xf32, #tpu.memory_space<hbm>> -> memref<1x4x1x8x128xf32, #tpu.memory_space<hbm>>
      %dma_start3A_320 = tpu.memref_squeeze %dma_start3A_319 : memref<1x4x1x8x128xf32, #tpu.memory_space<hbm>> -> memref<4x8x128xf32, #tpu.memory_space<hbm>>
      %dma_start3A_321 = arith.constant 0 : i32
      %dma_start3A_322 = arith.constant 0 : i32
      %dma_start3A_323 = arith.constant 0 : i32
      %dma_start3A_324 = tpu.memref_slice %arg4[%select_n3A_306, %dma_start3A_321, %add3A_309, %dma_start3A_322, %dma_start3A_323] : memref<50x4x128x8x128xf32, #tpu.memory_space<hbm>> -> memref<1x4x1x8x128xf32, #tpu.memory_space<hbm>>
      %dma_start3A_325 = tpu.memref_squeeze %dma_start3A_324 : memref<1x4x1x8x128xf32, #tpu.memory_space<hbm>> -> memref<4x8x128xf32, #tpu.memory_space<hbm>>
      %dma_start3A_326 = arith.constant 0 : i32
      %dma_start3A_327 = arith.constant 0 : i32
      %dma_start3A_328 = arith.constant 0 : i32
      %dma_start3A_329 = tpu.memref_slice %arg8[%dma_start3A_310, %dma_start3A_326, %dma_start3A_327, %dma_start3A_328] : memref<2x4x8x129xf32, #tpu.memory_space<vmem>> -> memref<1x4x8x128xf32, #tpu.memory_space<vmem>>
      %dma_start3A_330 = tpu.memref_squeeze %dma_start3A_329 : memref<1x4x8x128xf32, #tpu.memory_space<vmem>> -> memref<4x8x128xf32, #tpu.memory_space<vmem>>
      tpu.enqueue_dma source(%dma_start3A_330 : memref<4x8x128xf32, #tpu.memory_space<vmem>>) target(%dma_start3A_325 : memref<4x8x128xf32, #tpu.memory_space<hbm>>) target_semaphore(%arg12 : memref<!tpu.dma_semaphore, #tpu.memory_space<semaphore_mem>>)
    }
    %scan3A_91 = arith.constant 100 : i32
    %dma_wait3A = arith.constant 0 : i32
    %dma_wait3A_92 = arith.constant 0 : i32
    %dma_wait3A_93 = arith.constant 0 : i32
    %dma_wait3A_94 = arith.constant 0 : i32
    %dma_wait3A_95 = arith.constant 0 : i32
    %dma_wait3A_96 = arith.constant 0 : i32
    %dma_wait3A_97 = tpu.memref_slice %arg8[%dma_wait3A, %dma_wait3A_94, %dma_wait3A_95, %dma_wait3A_96] : memref<2x4x8x129xf32, #tpu.memory_space<vmem>> -> memref<1x4x8x128xf32, #tpu.memory_space<vmem>>
    %dma_wait3A_98 = tpu.memref_squeeze %dma_wait3A_97 : memref<1x4x8x128xf32, #tpu.memory_space<vmem>> -> memref<4x8x128xf32, #tpu.memory_space<vmem>>
    %dma_wait3A_99 = arith.constant 0 : i32
    %dma_wait3A_100 = arith.constant 0 : i32
    %dma_wait3A_101 = arith.constant 0 : i32
    %dma_wait3A_102 = tpu.memref_slice %arg4[%dma_wait3A_92, %dma_wait3A_99, %dma_wait3A_93, %dma_wait3A_100, %dma_wait3A_101] : memref<50x4x128x8x128xf32, #tpu.memory_space<hbm>> -> memref<1x4x1x8x128xf32, #tpu.memory_space<hbm>>
    %dma_wait3A_103 = tpu.memref_squeeze %dma_wait3A_102 : memref<1x4x1x8x128xf32, #tpu.memory_space<hbm>> -> memref<4x8x128xf32, #tpu.memory_space<hbm>>
    %dma_wait3A_104 = arith.constant 0 : i32
    %dma_wait3A_105 = arith.constant 0 : i32
    %dma_wait3A_106 = arith.constant 0 : i32
    %dma_wait3A_107 = tpu.memref_slice %arg4[%dma_wait3A_92, %dma_wait3A_104, %dma_wait3A_93, %dma_wait3A_105, %dma_wait3A_106] : memref<50x4x128x8x128xf32, #tpu.memory_space<hbm>> -> memref<1x4x1x8x128xf32, #tpu.memory_space<hbm>>
    %dma_wait3A_108 = tpu.memref_squeeze %dma_wait3A_107 : memref<1x4x1x8x128xf32, #tpu.memory_space<hbm>> -> memref<4x8x128xf32, #tpu.memory_space<hbm>>
    %dma_wait3A_109 = arith.constant 0 : i32
    %dma_wait3A_110 = arith.constant 0 : i32
    %dma_wait3A_111 = arith.constant 0 : i32
    %dma_wait3A_112 = tpu.memref_slice %arg8[%dma_wait3A, %dma_wait3A_109, %dma_wait3A_110, %dma_wait3A_111] : memref<2x4x8x129xf32, #tpu.memory_space<vmem>> -> memref<1x4x8x128xf32, #tpu.memory_space<vmem>>
    %dma_wait3A_113 = tpu.memref_squeeze %dma_wait3A_112 : memref<1x4x8x128xf32, #tpu.memory_space<vmem>> -> memref<4x8x128xf32, #tpu.memory_space<vmem>>
    tpu.wait_dma2 semaphore(%arg11 : memref<!tpu.dma_semaphore, #tpu.memory_space<semaphore_mem>>) src(%dma_wait3A_113 : memref<4x8x128xf32, #tpu.memory_space<vmem>>) dst(%dma_wait3A_108 : memref<4x8x128xf32, #tpu.memory_space<hbm>>)
    %dma_wait3A_114 = arith.constant 1 : i32
    %dma_wait3A_115 = arith.constant 0 : i32
    %dma_wait3A_116 = arith.constant 0 : i32
    %dma_wait3A_117 = arith.constant 0 : i32
    %dma_wait3A_118 = arith.constant 0 : i32
    %dma_wait3A_119 = arith.constant 0 : i32
    %dma_wait3A_120 = tpu.memref_slice %arg8[%dma_wait3A_114, %dma_wait3A_117, %dma_wait3A_118, %dma_wait3A_119] : memref<2x4x8x129xf32, #tpu.memory_space<vmem>> -> memref<1x4x8x128xf32, #tpu.memory_space<vmem>>
    %dma_wait3A_121 = tpu.memref_squeeze %dma_wait3A_120 : memref<1x4x8x128xf32, #tpu.memory_space<vmem>> -> memref<4x8x128xf32, #tpu.memory_space<vmem>>
    %dma_wait3A_122 = arith.constant 0 : i32
    %dma_wait3A_123 = arith.constant 0 : i32
    %dma_wait3A_124 = arith.constant 0 : i32
    %dma_wait3A_125 = tpu.memref_slice %arg4[%dma_wait3A_115, %dma_wait3A_122, %dma_wait3A_116, %dma_wait3A_123, %dma_wait3A_124] : memref<50x4x128x8x128xf32, #tpu.memory_space<hbm>> -> memref<1x4x1x8x128xf32, #tpu.memory_space<hbm>>
    %dma_wait3A_126 = tpu.memref_squeeze %dma_wait3A_125 : memref<1x4x1x8x128xf32, #tpu.memory_space<hbm>> -> memref<4x8x128xf32, #tpu.memory_space<hbm>>
    %dma_wait3A_127 = arith.constant 0 : i32
    %dma_wait3A_128 = arith.constant 0 : i32
    %dma_wait3A_129 = arith.constant 0 : i32
    %dma_wait3A_130 = tpu.memref_slice %arg4[%dma_wait3A_115, %dma_wait3A_127, %dma_wait3A_116, %dma_wait3A_128, %dma_wait3A_129] : memref<50x4x128x8x128xf32, #tpu.memory_space<hbm>> -> memref<1x4x1x8x128xf32, #tpu.memory_space<hbm>>
    %dma_wait3A_131 = tpu.memref_squeeze %dma_wait3A_130 : memref<1x4x1x8x128xf32, #tpu.memory_space<hbm>> -> memref<4x8x128xf32, #tpu.memory_space<hbm>>
    %dma_wait3A_132 = arith.constant 0 : i32
    %dma_wait3A_133 = arith.constant 0 : i32
    %dma_wait3A_134 = arith.constant 0 : i32
    %dma_wait3A_135 = tpu.memref_slice %arg8[%dma_wait3A_114, %dma_wait3A_132, %dma_wait3A_133, %dma_wait3A_134] : memref<2x4x8x129xf32, #tpu.memory_space<vmem>> -> memref<1x4x8x128xf32, #tpu.memory_space<vmem>>
    %dma_wait3A_136 = tpu.memref_squeeze %dma_wait3A_135 : memref<1x4x8x128xf32, #tpu.memory_space<vmem>> -> memref<4x8x128xf32, #tpu.memory_space<vmem>>
    tpu.wait_dma2 semaphore(%arg12 : memref<!tpu.dma_semaphore, #tpu.memory_space<semaphore_mem>>) src(%dma_wait3A_136 : memref<4x8x128xf32, #tpu.memory_space<vmem>>) dst(%dma_wait3A_131 : memref<4x8x128xf32, #tpu.memory_space<hbm>>)
    return
  }
}

</mosaic_0001>

<sc_bundles>
// kernel: kernel.3.cloned.1.call-start
scs
__scs_entry_jumppad:
0x0: {  	(pc) =	sbr.rel $0x88, $3  }
0x1: {  	(tag) =	ssettag $0x0;
	lr =	simm.s32 $0x1  }
0x2: {  	[smem:$0x3F9F] =	sst lr;
	_ =	strace $0xD0000000  }
0x3: {  	_ = 	snop  }
0x4: {  	_ = 	snop  }
0x5: {  	_ = 	snop  }
0x6: {  	_ = 	snop  }
0x7: {  	_ = 	snop  }
__scs_overlays_trampoline_lowered:
0x8: {  	[smem:$0x3FAE] =	sst s0  }
0x9: {  	[smem:$0x3FAF] =	sst s1  }
0xa: {  	[smem:$0x3FB0] =	sst s2  }
0xb: {  	[smem:$0x3FB1] =	sst s3  }
0xc: {  	[smem:$0x3FB2] =	sst s4  }
0xd: {  	[smem:$0x3FB3] =	sst s5  }
0xe: {  	[smem:$0x3FB4] =	sst s6  }
0xf: {  	[smem:$0x3FB5] =	sst s7  }
0x10: {  	[smem:$0x3FB6] =	sst s8  }
0x11: {  	[smem:$0x3FB7] =	sst s9;
	s0 =	simm.s32 @!p0 $0x0  }
0x12: {  	s1 =	sld [smem:$0x3F9D];
	s0 =	simm.s32 @p0 $0x1  }
0x13: {  	[smem:$0x3FB8] =	sst s0;
	s0 =	simm.s32 @!p1 $0x0  }
0x14: {  	s2 =	sld [smem:$0x3F9C];
	s0 =	simm.s32 @p1 $0x1  }
0x15: {  	[smem:$0x3FB9] =	sst s0;
	s0 =	simm.s32 @!p2 $0x0  }
0x16: {  	s3 =	sld [smem:$0x3FDB];
	s0 =	simm.s32 @p2 $0x1  }
0x17: {  	s4 =	simm.s32 $0x1BF5;
	[smem:$0x3FBB] =	sst s0  }
0x18: {  	s0 =	sld [smem:$0x3F9E];
	_ =	swait.ge [sflag:s4], $0x0  }
0x19: {  	s7 =	sld [smem:$0x3F9F]  }
0x1a: {  	s8 =	sadd.s32 $0xFFFFE003, lr  }
0x1b: {  	s9 =	sadd.s32 $0xFFFFFEF7, lr;
	s5 =	simm.s32 $0xFFFFFFFF;
	p2 =	slt.u32 s8, $0xFFFFF086  }
0x1c: {  	p1 =	slt.u32 s9, $0xF7A;
	s5 =	simm.s32 @!p2 $0x0  }
0x1d: {  	s5 =	simm.s32 @p1 $0x1;
	p0 =	seq.s32 s7, s2  }
0x1e: {  	s7 =	smul.u32 @!p0 $0xF7A, s2;
	p2 =	seq.s32 @!p0 s5, $0x0  }
0x1f: {  	s9 =	smul.u32 $0xF7A, s1;
	s8 =	simm.s32 @!p0 $0x1BF5;
	p2 =	por !p2, p0  }
0x20: {  	[sflag:s8] =	ssyncset.s32 @!p0 $0xFFFFF086;
	s6 =	sadd.s32 @!p0 s3, s7;
	s7 =	simm.s32 @!p0 $0x108  }
0x21: {  	s3 =	sadd.s32 s3, s9;
	s6 =	sadd.s32 @!p0 $0x88, s6;
	s7 =	simm.s32 @p2 $0x1082  }
0x22: {  	[simem:s7], [sflag:s8] =	dma.local @!p0 [hbm:s6], $0xF7A  }
0x23: {  	s9 =	sor.u32 $0xD0000000, s2;
	s6 =	simm.s32 $0x108;
	_ =	swait.ge @!p0 [sflag:s8], $0x0  }
0x24: {  	s3 =	sadd.s32 $0x88, s3;
	s6 =	simm.s32 @!p1 $0x1082;
	[sflag:s4] =	ssyncset.s32 $0xFFFFF086  }
0x25: {  	[simem:s6], [sflag:s4] =	dma.local [hbm:s3], $0xF7A  }
0x26: {  	[smem:$0x3F9F] =	sst s1;
	(tag) =	ssettag s2;
	_ =	strace s9  }
0x27: {  	s1 =	sld [smem:$0x3FAF]  }
0x28: {  	s2 =	sld [smem:$0x3FB0]  }
0x29: {  	s4 =	sld [smem:$0x3FB2]  }
0x2a: {  	p0 =	seq.s32 s5, $0x0;
	s5 =	sld [smem:$0x3FB3]  }
0x2b: {  	s6 =	sld [smem:$0x3FB4]  }
0x2c: {  	s7 =	sld [smem:$0x3FB5]  }
0x2d: {  	s3 =	simm.s32 $0x108;
	s8 =	sld [smem:$0x3FB6]  }
0x2e: {  	s3 =	simm.s32 @!p0 $0x1082;
	s9 =	sld [smem:$0x3FB7]  }
0x2f: {  	lr =	sadd.s32 s0, s3;
	s0 =	sld [smem:$0x3FAE]  }
0x30: {  	s3 =	sld [smem:$0x3FB1]  }
0x31: {  	[smem:$0x3FBA] =	sst s10  }
0x32: {  	s10 =	sld [smem:$0x3FB8];
	_ =	sdelay $0x3  }
0x33: {  	p0 =	seq.s32 s10, $0x1;
	s10 =	sld [smem:$0x3FBA];
	_ =	sdelay $0x3  }
0x34: {  	[smem:$0x3FBA] =	sst s10  }
0x35: {  	s10 =	sld [smem:$0x3FB9];
	_ =	sdelay $0x3  }
0x36: {  	p1 =	seq.s32 s10, $0x1;
	s10 =	sld [smem:$0x3FBA];
	_ =	sdelay $0x3  }
0x37: {  	[smem:$0x3FBA] =	sst s10  }
0x38: {  	s10 =	sld [smem:$0x3FBB]  }
0x39: {  	_ = 	snop;
	(pc) =	sbr.ind lr, $3  }
0x3a: {  	_ = 	snop  }
0x3b: {  	_ = 	snop  }
0x3c: {  	p2 =	seq.s32 s10, $0x1;
	s10 =	sld [smem:$0x3FBA]  }
0x3d: {  	_ =	shalt  }
0x3e: {  	_ =	shalt  }
0x3f: {  	_ =	shalt  }
0x40: {  	_ =	shalt  }
0x41: {  	_ =	shalt  }
0x42: {  	_ =	shalt  }
0x43: {  	_ =	shalt  }
0x44: {  	_ =	shalt  }
0x45: {  	_ =	shalt  }
0x46: {  	_ =	shalt  }
0x47: {  	_ =	shalt  }
0x48: {  	_ =	shalt  }
0x49: {  	_ =	shalt  }
0x4a: {  	_ =	shalt  }
0x4b: {  	_ =	shalt  }
0x4c: {  	_ =	shalt  }
0x4d: {  	_ =	shalt  }
0x4e: {  	_ =	shalt  }
0x4f: {  	_ =	shalt  }
0x50: {  	_ =	shalt  }
0x51: {  	_ =	shalt  }
0x52: {  	_ =	shalt  }
0x53: {  	_ =	shalt  }
0x54: {  	_ =	shalt  }
0x55: {  	_ =	shalt  }
0x56: {  	_ =	shalt  }
0x57: {  	_ =	shalt  }
0x58: {  	_ =	shalt  }
0x59: {  	_ =	shalt  }
0x5a: {  	_ =	shalt  }
0x5b: {  	_ =	shalt  }
0x5c: {  	_ =	shalt  }
0x5d: {  	_ =	shalt  }
0x5e: {  	_ =	shalt  }
0x5f: {  	_ =	shalt  }
0x60: {  	_ =	shalt  }
0x61: {  	_ =	shalt  }
0x62: {  	_ =	shalt  }
0x63: {  	_ =	shalt  }
0x64: {  	_ =	shalt  }
0x65: {  	_ =	shalt  }
0x66: {  	_ =	shalt  }
0x67: {  	_ =	shalt  }
0x68: {  	_ =	shalt  }
0x69: {  	_ =	shalt  }
0x6a: {  	_ =	shalt  }
0x6b: {  	_ =	shalt  }
0x6c: {  	_ =	shalt  }
0x6d: {  	_ =	shalt  }
0x6e: {  	_ =	shalt  }
0x6f: {  	_ =	shalt  }
0x70: {  	_ =	shalt  }
0x71: {  	_ =	shalt  }
0x72: {  	_ =	shalt  }
0x73: {  	_ =	shalt  }
0x74: {  	_ =	shalt  }
0x75: {  	_ =	shalt  }
0x76: {  	_ =	shalt  }
0x77: {  	_ =	shalt  }
0x78: {  	_ =	shalt  }
0x79: {  	_ =	shalt  }
0x7a: {  	_ =	shalt  }
0x7b: {  	_ =	shalt  }
0x7c: {  	_ =	shalt  }
0x7d: {  	_ =	shalt  }
0x7e: {  	_ =	shalt  }
0x7f: {  	_ =	shalt  }
0x80: {  	_ =	shalt  }
0x81: {  	_ =	shalt  }
0x82: {  	_ =	shalt  }
0x83: {  	_ =	shalt  }
0x84: {  	_ =	shalt  }
0x85: {  	_ =	shalt  }
0x86: {  	_ =	shalt  }
0x87: {  	_ =	shalt  }
.Lfunc_end0:
.L_simem_size_0:
called_computation_lowered:
.L_overlay_start_0:
0x88: {  	s2 =	sld [smem:$0x3FD9]  }
0x89: {  	s3 =	sld [smem:$0x3FFE];
	_ =	sdelay $0x1  }
0x8a: {  	s1 =	srdreg.scid  }
0x8b: {  	s0 =	sand.u32 $0x1, s1  }
0x8c: {  	s17 =	sshll.u32 s0, $0xA;
	s2 =	sadd.s32 s3, s2  }
0x8d: {  	s2 =	sadd.s32 s2, s17  }
0x8e: {  	[smem:$0x3FC6] =	sst s2  }
0x8f: {  	_ = 	snop  }
0x90: {  	s2 =	sld [smem:$0x3FD0];
	(tm) =	ssettm $0x1  }
0x91: {  	s18 =	sld [smem:$0x3FFB];
	_ =	sdelay $0x3  }
0x92: {  	_ =	strace s18  }
0x93: {  	s3 =	sld [smem:$0x3FFC];
	_ =	sdelay $0x3  }
0x94: {  	_ =	strace s3  }
0x95: {  	s3 =	sld [smem:$0x3FFD];
	_ =	sdelay $0x3  }
0x96: {  	_ =	strace s3  }
0x97: {  	_ =	strace $0x8FFFFFFF  }
0x98: {  	s19 =	sld [smem:$0x3FDB];
	_ =	sdelay $0x1  }
0x99: {  	s4 =	simm.s32 $_scs_section_size  }
0x9a: {  	s5 =	simm.s32 $_size__tile_overlayer_lowered;
	s6 =	simm.s32 $_tile_overlayer_lowered  }
0x9b: {  	s22 =	simm.s32 $0x1BFF;
	s21 =	sshll.u32 s6, $0x1;
	s3 =	sadd.s32 s4, s19  }
0x9c: {  	s7 =	simm.s32 $0x0;
	s20 =	sshll.u32 s5, $0x1;
	s5 =	sadd.s32 s21, s3  }
0x9d: {  	[timem:s7], [sflag:s22] =	dma.local [hbm:s5], s20  }
0x9e: {  	_ =	swait.ge [sflag:s22], s20  }
0x9f: {  	s4 =	ssub.s32 $0x0, s20;
	[sflag:s22] =	ssyncset.done $0x0  }
0xa0: {  	[sflag:s22] =	ssyncadd.s32 s4;
	_ =	sdelay $0x1  }
0xa1: {  	s23 =	simm.s32 $0x1B8B  }
0xa2: {  	_ =	swait.ge [sflag:s23], $0x1  }
0xa3: {  	[sflag:s23] =	ssyncset.done $0x0  }
0xa4: {  	s25 =	simm.s32 $0x1B8E;
	s24 =	sld [smem:$0x3FFE];
	[sflag:s23] =	ssyncadd.s32 $0xFFFFFFFF  }
0xa5: {  	s26 =	simm.s32 $execute0_lowered;
	[smem:$0x3FD2] =	sst s25  }
0xa6: {  	s5 =	sshll.u32 s26, $0x1;
	_ =	strace $0x80000046;
	[dreg:$0x1] =	wrdreg $0xFFFFFFFF  }
0xa7: {  	s28 =	simm.s32 $_size_execute0_lowered;
	s3 =	sadd.s32 s3, s5;
	[dreg:$0x0] =	wrdreg $0x0  }
0xa8: {  	s5 =	sshll.u32 s28, $0x1;
	[dreg:$0x2] =	wrdreg s3  }
0xa9: {  	[dreg:$0x3] =	wrdreg s5  }
0xaa: {  	[dreg:$0x4] =	wrdreg $0xC0  }
0xab: {  	_ =	task [dreg:s7], $0x5FFFF  }
0xac: {  	[dreg:$0x1] =	wrdreg $0xFFFFFFFF  }
0xad: {  	[dreg:$0x0] =	wrdreg $0x60  }
0xae: {  	[dreg:$0x2] =	wrdreg s24  }
0xaf: {  	[dreg:$0x3] =	wrdreg s2  }
0xb0: {  	[dreg:$0x4] =	wrdreg $0x9  }
0xb1: {  	_ =	task.clear_ibuf [dreg:s7], $0x5FFFF;
	_ =	strace $0x90000046  }
0xb2: {  	s29 =	simm.s32 $0x9;
	_ =	strace $0x80000048  }
0xb3: {  	_ =	swait.ge [sflag:s29], $0x1  }
0xb4: {  	[sflag:s29] =	ssyncadd.s32 $0xFFFFFFFF  }
0xb5: {  	_ =	strace $0x90000048  }
0xb6: {  	_ =	sfence  }
0xb7: {  	s30 =	sld [smem:$0x0];
	_ =	sdelay $0x2  }
0xb8: {  	s31 =	sshll.u32 s1, $0xD;
	s1 =	sshrl.u32 s1, $0x2  }
0xb9: {  	s3 =	sand.u32 $0x4000, s31;
	s1 =	sadd.s32 s1, s30  }
0xba: {  	s0 =	sor.u32 s3, s0;
	s1 =	sshll.u32 s1, $0x11  }
0xbb: {  	s0 =	sor.u32 s1, s0  }
0xbc: {  	s0 =	sadd.s32 $0x8F2B, s0  }
0xbd: {  	[sflag:s0] =	ssyncadd.remote.s32 $0x1  }
0xbe: {  	_ =	sfence.sel $0xFFFF  }
0xbf: {  	[dreg:$0x0] =	wrdreg $0xFFFFFFFF;
	(pc) =	sbr.abs _section_cstart, $3  }
0xc0: {  	[dreg:$0x1] =	wrdreg $0xFFFFFFFF  }
0xc1: {  	_ =	task.clear_ibuf [dreg:s7], $0x2FFFF;
	_ =	strace $0x9FFFFFFF  }
0xc2: {  	(tm) =	ssettm $0x7FFFFFFF  }
0xc3: {  	_ =	shalt  }
tec
execute0_lowered:
.L_overlay_start_1:
0x0: {  	(tag) =	ssettag $0x1  }
0x1: {  	v3 =	vlaneseq.u32  }
0x2: {  	s0 =	rddreg [dreg:$0x0];
	v0 =	vmul.u32 $0x38, v3  }
0x3: {  	s1 =	srdreg.scid;
	s3 =	stileid.u32  }
0x4: {  	s2 =	rddreg [dreg:$0x1];
	s9 =	simm.s32 $0x80;
	s14 =	simm.s32 $0x1;
	v3 =	vmul.u32 $0x88, v3;
	v1 =	vadd.s32 $0x380, v0;
	v2 =	vadd.s32 $0x700, v0  }
0x5: {  	s15 =	simm.s32 $0x9100;
	s23 =	simm.s32 $0x2;
	s24 =	simm.s32 $0x4;
	v4 =	vadd.s32 $0xA80, v0;
	v5 =	vadd.s32 $0xE00, v0;
	v6 =	vadd.s32 $0x1180, v0  }
0x6: {  	s19 =	simm.s32 $0xAB90;
	s20 =	simm.s32 $0xAC18;
	s21 =	simm.s32 $0xACA0;
	v7 =	vadd.s32 $0x1500, v0;
	v8 =	vadd.s32 $0x1880, v0;
	v9 =	vadd.s32 $0x880, v3  }
0x7: {  	s22 =	simm.s32 $0xAD28;
	s28 =	simm.s32 $0xAE38;
	s29 =	simm.s32 $0xAEC0;
	v10 =	vor.u32 $0x1, v3;
	v11 =	vadd.s32 $0x881, v3;
	v12 =	vor.u32 $0x2, v3  }
0x8: {  	s30 =	simm.s32 $0xAF48;
	s31 =	simm.s32 $0xAFD0;
	s8 =	simm.s32 $0xB278;
	v13 =	vadd.s32 $0x882, v3;
	v14 =	vor.u32 $0x3, v3;
	v15 =	vadd.s32 $0x883, v3  }
0x9: {  	s11 =	simm.s32 $0x0;
	s1 =	sand.u32 $0x1, s1;
	s4 =	sshll.u32 s3, $0x1;
	v16 =	vor.u32 $0x4, v3;
	v17 =	vadd.s32 $0x884, v3;
	v18 =	vor.u32 $0x5, v3  }
0xa: {  	s3 =	simm.s32 $0x0;
	s5 =	sor.u32 s1, s4;
	s1 =	ssub.s32 $0x2, s1;
	v19 =	vadd.s32 $0x885, v3;
	v20 =	vor.u32 $0x6, v3;
	v21 =	vadd.s32 $0x886, v3  }
0xb: {  	[smem:$0x7FF] =	sst s3;
	s4 =	smul.u32 $0xE00, s5;
	s6 =	sshrl.u32 s1, $0x1;
	v22 =	vor.u32 $0x7, v3;
	v23 =	vadd.s32 $0x887, v3;
	v24 =	vadd.s32 $0x8, v3  }
0xc: {  	_ =	strace $0x80000047;
	v25 =	vadd.s32 $0x888, v3;
	v26 =	vadd.s32 $0x9, v3;
	v27 =	vadd.s32 $0x889, v3;
	s25 =	ssub.s32 s1, s6;
	s6 =	sshll.u32 s5, $0x9  }
0xd: {  	v28 =	vadd.s32 $0xA, v3;
	v29 =	vadd.s32 $0x88A, v3;
	v30 =	vadd.s32 $0xB, v3;
	s1 =	simm.s32 $0xB058;
	s5 =	simm.s32 $0xB168;
	s7 =	sadd.s32 s4, s0  }
0xe: {  	v31 =	vadd.s32 $0x88B, v3;
	v32 =	vadd.s32 $0xC, v3;
	v33 =	vadd.s32 $0x88C, v3;
	s4 =	sadd.s32 $0xF42A00, s0;
	s0 =	smax.u32 s25, $0x1;
	s25 =	simm.s32 $0xA200  }
0xf: {  	v34 =	vadd.s32 $0xD, v3;
	v35 =	vadd.s32 $0x88D, v3;
	v36 =	vadd.s32 $0xE, v3;
	s26 =	sadd.s32 $0x600, s7;
	[dreg:$0x4] =	wrdreg s0;
	s0 =	simm.s32 $0xB0E0  }
0x10: {  	v37 =	vadd.s32 $0x88E, v3;
	v38 =	vadd.s32 $0xF, v3;
	v39 =	vadd.s32 $0x88F, v3;
	s7 =	simm.s32 $0xB1F0;
	[dreg:$0x3] =	wrdreg s26;
	s26 =	simm.s32 $0xADB0  }
.LBB2_1:
0x11: {  	[dreg:$0x5] =	wrdreg s11  }
0x12: {  	s10 =	rddreg [dreg:$0x3];
	s16 =	simm.s32 $0x5  }
0x13: {  	[tilespmem:s3], [sflag:$0x5] =	stream.linear.gather [hbm4b:s10+s3], $0x7000, $0x38;
	[tilespmem:$0xB300] =	vst v63  }
0x14: {  	_ =	swait.ge [sflag:s16], $0x7000  }
0x15: {  	[sflag:s16] =	ssyncset.done $0x0  }
0x16: {  	[sflag:s16] =	ssyncadd.s32 $0xFFFF9000  }
0x17: {  	v40 =	vld.idx.msk [tilespmem:v0+s3+$0x0], $0xffff;
	_ =	sdelay $0x4  }
0x18: {  	[tilespmem:$0x7000] =	vst v40  }
0x19: {  	v40 =	vld.idx.msk [tilespmem:v1+s3+$0x0], $0xffff;
	_ =	sdelay $0x4  }
0x1a: {  	[tilespmem:$0x7010] =	vst v40  }
0x1b: {  	v40 =	vld.idx.msk [tilespmem:v2+s3+$0x0], $0xffff;
	_ =	sdelay $0x4  }
0x1c: {  	[tilespmem:$0x7020] =	vst v40  }
0x1d: {  	v40 =	vld.idx.msk [tilespmem:v4+s3+$0x0], $0xffff;
	_ =	sdelay $0x4  }
0x1e: {  	[tilespmem:$0x7030] =	vst v40  }
0x1f: {  	v40 =	vld.idx.msk [tilespmem:v5+s3+$0x0], $0xffff;
	_ =	sdelay $0x4  }
0x20: {  	[tilespmem:$0x7040] =	vst v40  }
0x21: {  	v40 =	vld.idx.msk [tilespmem:v6+s3+$0x0], $0xffff;
	_ =	sdelay $0x4  }
0x22: {  	[tilespmem:$0x7050] =	vst v40  }
0x23: {  	v40 =	vld.idx.msk [tilespmem:v7+s3+$0x0], $0xffff;
	_ =	sdelay $0x4  }
0x24: {  	[tilespmem:$0x7060] =	vst v40  }
0x25: {  	v40 =	vld.idx.msk [tilespmem:v8+s3+$0x0], $0xffff;
	_ =	sdelay $0x4  }
0x26: {  	s17 =	simm.s32 $0x7000;
	s18 =	simm.s32 $0x7100;
	s10 =	simm.s32 $0x0;
	[tilespmem:$0x7070] =	vst v40  }
0x27: {  	[tilespmem:s18], [sflag:$0x1] =	stream.indirect.gather [hbm4b:s4+s9], $0x20, s17, s9, $0xb8;
	[tilespmem:$0xB300] =	vst v63  }
.LBB2_2:
0x28: {  	s11 =	sshllo.u32 s10, $0x1  }
0x29: {  	s12 =	sand.u32 $0xFF, s11  }
0x2a: {  	s12 =	smul.u32 $0x29, s12;
	_ =	sdelay $0x1  }
0x2b: {  	s13 =	smul.u32 $0x29, s10;
	s12 =	sshrl.u32 s12, $0xB  }
0x2c: {  	s12 =	smul.u32 $0x32, s12  }
0x2d: {  	s13 =	sshrl.u32 s13, $0x3  }
0x2e: {  	s11 =	ssub.s32 s11, s12;
	s12 =	sand.u32 $0x1F80, s13  }
0x2f: {  	s11 =	sand.u32 $0xFF, s11;
	v40 =	vmov s12  }
0x30: {  	v41 =	vmov s11;
	v40 =	vmul.u32 $0x38, v40  }
0x31: {  	v42 =	vand.u32 $0x38, v41  }
0x32: {  	v40 =	vor.u32 v42, v40  }
0x33: {  	v40 =	vbroadcast v40, $0x0  }
0x34: {  	s13 =	sor.u32 $0x10, s12;
	v41 =	vand.u32 $0x7, v41  }
0x35: {  	v43 =	vmov s13;
	v40 =	vor.u32 v41, v40  }
0x36: {  	v43 =	vmul.u32 $0x38, v43;
	v40 =	vadd.s32 v0, v40;
	_ =	sdelay $0x1  }
0x37: {  	v43 =	vor.u32 v42, v43  }
0x38: {  	v43 =	vbroadcast v43, $0x0  }
0x39: {  	s18 =	sor.u32 $0x20, s12  }
0x3a: {  	v44 =	vmov s18;
	v43 =	vor.u32 v41, v43;
	v40 =	vld.idx.msk [tilespmem:v40+s3+$0x0], $0xffff  }
0x3b: {  	v44 =	vmul.u32 $0x38, v44;
	v43 =	vadd.s32 v0, v43;
	_ =	sdelay $0x1  }
0x3c: {  	v44 =	vor.u32 v42, v44  }
0x3d: {  	v44 =	vbroadcast v44, $0x0  }
0x3e: {  	s16 =	sor.u32 $0x30, s12;
	[tilespmem:$0x7080] =	vst v40  }
0x3f: {  	v55 =	vmov s16;
	v54 =	vor.u32 v41, v44;
	v40 =	vld.idx.msk [tilespmem:v43+s3+$0x0], $0xffff  }
0x40: {  	v44 =	vmul.u32 $0x38, v55;
	v43 =	vadd.s32 v0, v54;
	_ =	sdelay $0x1  }
0x41: {  	v44 =	vor.u32 v42, v44  }
0x42: {  	v44 =	vbroadcast v44, $0x0  }
0x43: {  	s17 =	sor.u32 $0x40, s12;
	[tilespmem:$0x7090] =	vst v40  }
0x44: {  	v57 =	vmov s17;
	v56 =	vor.u32 v41, v44;
	v40 =	vld.idx.msk [tilespmem:v43+s3+$0x0], $0xffff  }
0x45: {  	v44 =	vmul.u32 $0x38, v57;
	v43 =	vadd.s32 v0, v56;
	_ =	sdelay $0x1  }
0x46: {  	v44 =	vor.u32 v42, v44  }
0x47: {  	v44 =	vbroadcast v44, $0x0  }
0x48: {  	s18 =	sor.u32 $0x50, s12;
	[tilespmem:$0x70A0] =	vst v40  }
0x49: {  	v59 =	vmov s18;
	v58 =	vor.u32 v41, v44;
	v40 =	vld.idx.msk [tilespmem:v43+s3+$0x0], $0xffff  }
0x4a: {  	v44 =	vmul.u32 $0x38, v59;
	v43 =	vadd.s32 v0, v58;
	_ =	sdelay $0x1  }
0x4b: {  	v44 =	vor.u32 v42, v44  }
0x4c: {  	v44 =	vbroadcast v44, $0x0  }
0x4d: {  	s16 =	sor.u32 $0x60, s12;
	[tilespmem:$0x70B0] =	vst v40  }
0x4e: {  	v61 =	vmov s16;
	v60 =	vor.u32 v41, v44;
	v40 =	vld.idx.msk [tilespmem:v43+s3+$0x0], $0xffff  }
0x4f: {  	v44 =	vmul.u32 $0x38, v61;
	v43 =	vadd.s32 v0, v60;
	_ =	sdelay $0x1  }
0x50: {  	v44 =	vor.u32 v42, v44  }
0x51: {  	v44 =	vbroadcast v44, $0x0  }
0x52: {  	s17 =	sor.u32 $0x70, s12;
	[tilespmem:$0x70C0] =	vst v40  }
0x53: {  	v63 =	vmov s17;
	v62 =	vor.u32 v41, v44;
	v40 =	vld.idx.msk [tilespmem:v43+s3+$0x0], $0xffff  }
0x54: {  	v44 =	vmul.u32 $0x38, v63;
	v43 =	vadd.s32 v0, v62;
	_ =	sdelay $0x1  }
0x55: {  	v42 =	vor.u32 v42, v44  }
0x56: {  	v42 =	vbroadcast v42, $0x0  }
0x57: {  	[tilespmem:$0x70D0] =	vst v40  }
0x58: {  	v41 =	vor.u32 v41, v42;
	v40 =	vld.idx.msk [tilespmem:v43+s3+$0x0], $0xffff  }
0x59: {  	v41 =	vadd.s32 v0, v41;
	_ =	sdelay $0x3  }
0x5a: {  	[tilespmem:$0x70E0] =	vst v40  }
0x5b: {  	v40 =	vld.idx.msk [tilespmem:v41+s3+$0x0], $0xffff;
	_ =	sdelay $0x4  }
0x5c: {  	s18 =	simm.s32 $0x7080;
	s16 =	simm.s32 $0x8100;
	[tilespmem:$0x70F0] =	vst v40  }
0x5d: {  	[tilespmem:s16], [sflag:$0x2] =	stream.indirect.gather [hbm4b:s4+s9], $0x20, s18, s9, $0xb8;
	[tilespmem:$0xB300] =	vst v63  }
0x5e: {  	_ =	swait.ge [sflag:s14], $0x1000  }
0x5f: {  	p0 =	seq.s32 s10, $0x0;
	[sflag:s14] =	ssyncset.done $0x0  }
0x60: {  	s16 =	simm.s32 @!p0 $0x3;
	[sflag:s14] =	ssyncadd.s32 $0xFFFFF000  }
0x61: {  	_ =	swait.ge @!p0 [sflag:s16], $0x1000  }
0x62: {  	s13 =	sshll.u32 s10, $0x1;
	[sflag:s16] =	ssyncset.done @!p0 $0x0  }
0x63: {  	s17 =	simm.s32 $0x800;
	v40 =	vimm.s32 $0x0;
	[sflag:s16] =	ssyncadd.s32 @!p0 $0xFFFFF000;
	s16 =	simm.s32 $0x0  }
.LBB2_3:
0x64: {  	p1 =	sne.s32 s17, $0x3800;
	v41 =	vld [tilespmem:s16+$0x7100];
	v42 =	vadd.s32 v3, v40;
	_ =	sdelay $0x4  }
0x65: {  	[tilespmem:v42+s15+$0x0] =	vst.idx.msk $0xffff, v41  }
0x66: {  	v42 =	vadd.s32 v9, v40;
	v41 =	vld [tilespmem:s16+$0x7110];
	_ =	sdelay $0x4  }
0x67: {  	[tilespmem:v42+s15+$0x0] =	vst.idx.msk $0xffff, v41  }
0x68: {  	v42 =	vadd.s32 v10, v40;
	v41 =	vld [tilespmem:s16+$0x7120];
	_ =	sdelay $0x4  }
0x69: {  	[tilespmem:v42+s15+$0x0] =	vst.idx.msk $0xffff, v41  }
0x6a: {  	v42 =	vadd.s32 v11, v40;
	v41 =	vld [tilespmem:s16+$0x7130];
	_ =	sdelay $0x4  }
0x6b: {  	[tilespmem:v42+s15+$0x0] =	vst.idx.msk $0xffff, v41  }
0x6c: {  	v42 =	vadd.s32 v12, v40;
	v41 =	vld [tilespmem:s16+$0x7140];
	_ =	sdelay $0x4  }
0x6d: {  	[tilespmem:v42+s15+$0x0] =	vst.idx.msk $0xffff, v41  }
0x6e: {  	v42 =	vadd.s32 v13, v40;
	v41 =	vld [tilespmem:s16+$0x7150];
	_ =	sdelay $0x4  }
0x6f: {  	[tilespmem:v42+s15+$0x0] =	vst.idx.msk $0xffff, v41  }
0x70: {  	v42 =	vadd.s32 v14, v40;
	v41 =	vld [tilespmem:s16+$0x7160];
	_ =	sdelay $0x4  }
0x71: {  	[tilespmem:v42+s15+$0x0] =	vst.idx.msk $0xffff, v41  }
0x72: {  	v42 =	vadd.s32 v15, v40;
	v41 =	vld [tilespmem:s16+$0x7170];
	_ =	sdelay $0x4  }
0x73: {  	[tilespmem:v42+s15+$0x0] =	vst.idx.msk $0xffff, v41  }
0x74: {  	v42 =	vadd.s32 v16, v40;
	v41 =	vld [tilespmem:s16+$0x7180];
	_ =	sdelay $0x4  }
0x75: {  	[tilespmem:v42+s15+$0x0] =	vst.idx.msk $0xffff, v41  }
0x76: {  	v42 =	vadd.s32 v17, v40;
	v41 =	vld [tilespmem:s16+$0x7190];
	_ =	sdelay $0x4  }
0x77: {  	[tilespmem:v42+s15+$0x0] =	vst.idx.msk $0xffff, v41  }
0x78: {  	v42 =	vadd.s32 v18, v40;
	v41 =	vld [tilespmem:s16+$0x71A0];
	_ =	sdelay $0x4  }
0x79: {  	[tilespmem:v42+s15+$0x0] =	vst.idx.msk $0xffff, v41  }
0x7a: {  	v42 =	vadd.s32 v19, v40;
	v41 =	vld [tilespmem:s16+$0x71B0];
	_ =	sdelay $0x4  }
0x7b: {  	[tilespmem:v42+s15+$0x0] =	vst.idx.msk $0xffff, v41  }
0x7c: {  	v42 =	vadd.s32 v20, v40;
	v41 =	vld [tilespmem:s16+$0x71C0];
	_ =	sdelay $0x4  }
0x7d: {  	[tilespmem:v42+s15+$0x0] =	vst.idx.msk $0xffff, v41  }
0x7e: {  	v42 =	vadd.s32 v21, v40;
	v41 =	vld [tilespmem:s16+$0x71D0];
	_ =	sdelay $0x4  }
0x7f: {  	[tilespmem:v42+s15+$0x0] =	vst.idx.msk $0xffff, v41  }
0x80: {  	v42 =	vadd.s32 v22, v40;
	v41 =	vld [tilespmem:s16+$0x71E0];
	_ =	sdelay $0x4  }
0x81: {  	[tilespmem:v42+s15+$0x0] =	vst.idx.msk $0xffff, v41  }
0x82: {  	v42 =	vadd.s32 v23, v40;
	v41 =	vld [tilespmem:s16+$0x71F0];
	_ =	sdelay $0x4  }
0x83: {  	[tilespmem:v42+s15+$0x0] =	vst.idx.msk $0xffff, v41  }
0x84: {  	v42 =	vadd.s32 v24, v40;
	v41 =	vld [tilespmem:s16+$0x7200];
	_ =	sdelay $0x4  }
0x85: {  	[tilespmem:v42+s15+$0x0] =	vst.idx.msk $0xffff, v41  }
0x86: {  	v42 =	vadd.s32 v25, v40;
	v41 =	vld [tilespmem:s16+$0x7210];
	_ =	sdelay $0x4  }
0x87: {  	[tilespmem:v42+s15+$0x0] =	vst.idx.msk $0xffff, v41  }
0x88: {  	v42 =	vadd.s32 v26, v40;
	v41 =	vld [tilespmem:s16+$0x7220];
	_ =	sdelay $0x4  }
0x89: {  	[tilespmem:v42+s15+$0x0] =	vst.idx.msk $0xffff, v41  }
0x8a: {  	v42 =	vadd.s32 v27, v40;
	v41 =	vld [tilespmem:s16+$0x7230];
	_ =	sdelay $0x4  }
0x8b: {  	[tilespmem:v42+s15+$0x0] =	vst.idx.msk $0xffff, v41  }
0x8c: {  	v42 =	vadd.s32 v28, v40;
	v41 =	vld [tilespmem:s16+$0x7240];
	_ =	sdelay $0x4  }
0x8d: {  	[tilespmem:v42+s15+$0x0] =	vst.idx.msk $0xffff, v41  }
0x8e: {  	v42 =	vadd.s32 v29, v40;
	v41 =	vld [tilespmem:s16+$0x7250];
	_ =	sdelay $0x4  }
0x8f: {  	[tilespmem:v42+s15+$0x0] =	vst.idx.msk $0xffff, v41  }
0x90: {  	v42 =	vadd.s32 v30, v40;
	v41 =	vld [tilespmem:s16+$0x7260];
	_ =	sdelay $0x4  }
0x91: {  	[tilespmem:v42+s15+$0x0] =	vst.idx.msk $0xffff, v41  }
0x92: {  	v42 =	vadd.s32 v31, v40;
	v41 =	vld [tilespmem:s16+$0x7270];
	_ =	sdelay $0x4  }
0x93: {  	[tilespmem:v42+s15+$0x0] =	vst.idx.msk $0xffff, v41  }
0x94: {  	v42 =	vadd.s32 v32, v40;
	v41 =	vld [tilespmem:s16+$0x7280];
	_ =	sdelay $0x4  }
0x95: {  	[tilespmem:v42+s15+$0x0] =	vst.idx.msk $0xffff, v41  }
0x96: {  	v42 =	vadd.s32 v33, v40;
	v41 =	vld [tilespmem:s16+$0x7290];
	_ =	sdelay $0x4  }
0x97: {  	[tilespmem:v42+s15+$0x0] =	vst.idx.msk $0xffff, v41  }
0x98: {  	v42 =	vadd.s32 v34, v40;
	v41 =	vld [tilespmem:s16+$0x72A0];
	_ =	sdelay $0x4  }
0x99: {  	[tilespmem:v42+s15+$0x0] =	vst.idx.msk $0xffff, v41  }
0x9a: {  	v42 =	vadd.s32 v35, v40;
	v41 =	vld [tilespmem:s16+$0x72B0];
	_ =	sdelay $0x4  }
0x9b: {  	[tilespmem:v42+s15+$0x0] =	vst.idx.msk $0xffff, v41  }
0x9c: {  	v42 =	vadd.s32 v36, v40;
	v41 =	vld [tilespmem:s16+$0x72C0];
	_ =	sdelay $0x4  }
0x9d: {  	[tilespmem:v42+s15+$0x0] =	vst.idx.msk $0xffff, v41  }
0x9e: {  	v42 =	vadd.s32 v37, v40;
	v41 =	vld [tilespmem:s16+$0x72D0];
	_ =	sdelay $0x4  }
0x9f: {  	[tilespmem:v42+s15+$0x0] =	vst.idx.msk $0xffff, v41  }
0xa0: {  	v42 =	vadd.s32 v38, v40;
	v41 =	vld [tilespmem:s16+$0x72E0];
	_ =	sdelay $0x4  }
0xa1: {  	[tilespmem:v42+s15+$0x0] =	vst.idx.msk $0xffff, v41  }
0xa2: {  	v42 =	vadd.s32 v39, v40;
	v41 =	vld [tilespmem:s16+$0x72F0]  }
.Ltmp0:
0xa3: {  	(pc) =	sbr.rel @p1 .LBB2_3-.Ltmp0, $2  }
0xa4: {  	_ =	sdelay $0x2  }
0xa5: {  	v40 =	vadd.s32 $0x10, v40;
	s16 =	sshra.s32 s17, $0x2;
	s17 =	sadd.s32 $0x800, s17;
	[tilespmem:v42+s15+$0x0] =	vst.idx.msk $0xffff, v41  }
0xa6: {  	v41 =	vld [tilespmem:s16+$0x7100];
	v42 =	vadd.s32 v3, v40;
	_ =	sdelay $0x4  }
0xa7: {  	[tilespmem:v42+s15+$0x0] =	vst.idx.msk $0xffff, v41  }
0xa8: {  	v52 =	vadd.s32 v9, v40;
	v41 =	vld [tilespmem:s16+$0x7110];
	_ =	sdelay $0x4  }
0xa9: {  	[tilespmem:v52+s15+$0x0] =	vst.idx.msk $0xffff, v41  }
0xaa: {  	v53 =	vadd.s32 v10, v40;
	v41 =	vld [tilespmem:s16+$0x7120];
	_ =	sdelay $0x4  }
0xab: {  	[tilespmem:v53+s15+$0x0] =	vst.idx.msk $0xffff, v41  }
0xac: {  	v54 =	vadd.s32 v11, v40;
	v41 =	vld [tilespmem:s16+$0x7130];
	_ =	sdelay $0x4  }
0xad: {  	[tilespmem:v54+s15+$0x0] =	vst.idx.msk $0xffff, v41  }
0xae: {  	v55 =	vadd.s32 v12, v40;
	v41 =	vld [tilespmem:s16+$0x7140];
	_ =	sdelay $0x4  }
0xaf: {  	[tilespmem:v55+s15+$0x0] =	vst.idx.msk $0xffff, v41  }
0xb0: {  	v56 =	vadd.s32 v13, v40;
	v41 =	vld [tilespmem:s16+$0x7150];
	_ =	sdelay $0x4  }
0xb1: {  	[tilespmem:v56+s15+$0x0] =	vst.idx.msk $0xffff, v41  }
0xb2: {  	v57 =	vadd.s32 v14, v40;
	v41 =	vld [tilespmem:s16+$0x7160];
	_ =	sdelay $0x4  }
0xb3: {  	[tilespmem:v57+s15+$0x0] =	vst.idx.msk $0xffff, v41  }
0xb4: {  	v58 =	vadd.s32 v15, v40;
	v41 =	vld [tilespmem:s16+$0x7170];
	_ =	sdelay $0x4  }
0xb5: {  	[tilespmem:v58+s15+$0x0] =	vst.idx.msk $0xffff, v41  }
0xb6: {  	v59 =	vadd.s32 v16, v40;
	v41 =	vld [tilespmem:s16+$0x7180];
	_ =	sdelay $0x4  }
0xb7: {  	[tilespmem:v59+s15+$0x0] =	vst.idx.msk $0xffff, v41  }
0xb8: {  	v60 =	vadd.s32 v17, v40;
	v41 =	vld [tilespmem:s16+$0x7190];
	_ =	sdelay $0x4  }
0xb9: {  	[tilespmem:v60+s15+$0x0] =	vst.idx.msk $0xffff, v41  }
0xba: {  	v61 =	vadd.s32 v18, v40;
	v41 =	vld [tilespmem:s16+$0x71A0];
	_ =	sdelay $0x4  }
0xbb: {  	[tilespmem:v61+s15+$0x0] =	vst.idx.msk $0xffff, v41  }
0xbc: {  	v62 =	vadd.s32 v19, v40;
	v41 =	vld [tilespmem:s16+$0x71B0];
	_ =	sdelay $0x4  }
0xbd: {  	[tilespmem:v62+s15+$0x0] =	vst.idx.msk $0xffff, v41  }
0xbe: {  	v63 =	vadd.s32 v20, v40;
	v41 =	vld [tilespmem:s16+$0x71C0];
	_ =	sdelay $0x4  }
0xbf: {  	[tilespmem:v63+s15+$0x0] =	vst.idx.msk $0xffff, v41  }
0xc0: {  	v45 =	vadd.s32 v21, v40;
	v41 =	vld [tilespmem:s16+$0x71D0];
	_ =	sdelay $0x4  }
0xc1: {  	[tilespmem:v45+s15+$0x0] =	vst.idx.msk $0xffff, v41  }
0xc2: {  	v46 =	vadd.s32 v22, v40;
	v41 =	vld [tilespmem:s16+$0x71E0];
	_ =	sdelay $0x4  }
0xc3: {  	[tilespmem:v46+s15+$0x0] =	vst.idx.msk $0xffff, v41  }
0xc4: {  	v47 =	vadd.s32 v23, v40;
	v41 =	vld [tilespmem:s16+$0x71F0];
	_ =	sdelay $0x4  }
0xc5: {  	[tilespmem:v47+s15+$0x0] =	vst.idx.msk $0xffff, v41  }
0xc6: {  	v48 =	vadd.s32 v24, v40;
	v41 =	vld [tilespmem:s16+$0x7200];
	_ =	sdelay $0x4  }
0xc7: {  	[tilespmem:v48+s15+$0x0] =	vst.idx.msk $0xffff, v41  }
0xc8: {  	v49 =	vadd.s32 v25, v40;
	v41 =	vld [tilespmem:s16+$0x7210];
	_ =	sdelay $0x4  }
0xc9: {  	[tilespmem:v49+s15+$0x0] =	vst.idx.msk $0xffff, v41  }
0xca: {  	v50 =	vadd.s32 v26, v40;
	v41 =	vld [tilespmem:s16+$0x7220];
	_ =	sdelay $0x4  }
0xcb: {  	[tilespmem:v50+s15+$0x0] =	vst.idx.msk $0xffff, v41  }
0xcc: {  	v51 =	vadd.s32 v27, v40;
	v41 =	vld [tilespmem:s16+$0x7230];
	_ =	sdelay $0x4  }
0xcd: {  	[tilespmem:v51+s15+$0x0] =	vst.idx.msk $0xffff, v41  }
0xce: {  	v52 =	vadd.s32 v28, v40;
	v41 =	vld [tilespmem:s16+$0x7240];
	_ =	sdelay $0x4  }
0xcf: {  	[tilespmem:v52+s15+$0x0] =	vst.idx.msk $0xffff, v41  }
0xd0: {  	v53 =	vadd.s32 v29, v40;
	v41 =	vld [tilespmem:s16+$0x7250];
	_ =	sdelay $0x4  }
0xd1: {  	[tilespmem:v53+s15+$0x0] =	vst.idx.msk $0xffff, v41  }
0xd2: {  	v54 =	vadd.s32 v30, v40;
	v41 =	vld [tilespmem:s16+$0x7260];
	_ =	sdelay $0x4  }
0xd3: {  	[tilespmem:v54+s15+$0x0] =	vst.idx.msk $0xffff, v41  }
0xd4: {  	v55 =	vadd.s32 v31, v40;
	v41 =	vld [tilespmem:s16+$0x7270];
	_ =	sdelay $0x4  }
0xd5: {  	[tilespmem:v55+s15+$0x0] =	vst.idx.msk $0xffff, v41  }
0xd6: {  	v56 =	vadd.s32 v32, v40;
	v41 =	vld [tilespmem:s16+$0x7280];
	_ =	sdelay $0x4  }
0xd7: {  	[tilespmem:v56+s15+$0x0] =	vst.idx.msk $0xffff, v41  }
0xd8: {  	v57 =	vadd.s32 v33, v40;
	v41 =	vld [tilespmem:s16+$0x7290];
	_ =	sdelay $0x4  }
0xd9: {  	[tilespmem:v57+s15+$0x0] =	vst.idx.msk $0xffff, v41  }
0xda: {  	v58 =	vadd.s32 v34, v40;
	v41 =	vld [tilespmem:s16+$0x72A0];
	_ =	sdelay $0x4  }
0xdb: {  	[tilespmem:v58+s15+$0x0] =	vst.idx.msk $0xffff, v41  }
0xdc: {  	v59 =	vadd.s32 v35, v40;
	v41 =	vld [tilespmem:s16+$0x72B0];
	_ =	sdelay $0x4  }
0xdd: {  	[tilespmem:v59+s15+$0x0] =	vst.idx.msk $0xffff, v41  }
0xde: {  	v60 =	vadd.s32 v36, v40;
	v41 =	vld [tilespmem:s16+$0x72C0];
	_ =	sdelay $0x4  }
0xdf: {  	[tilespmem:v60+s15+$0x0] =	vst.idx.msk $0xffff, v41  }
0xe0: {  	v61 =	vadd.s32 v37, v40;
	v41 =	vld [tilespmem:s16+$0x72D0];
	_ =	sdelay $0x4  }
0xe1: {  	[tilespmem:v61+s15+$0x0] =	vst.idx.msk $0xffff, v41  }
0xe2: {  	v62 =	vadd.s32 v38, v40;
	v41 =	vld [tilespmem:s16+$0x72E0];
	_ =	sdelay $0x2  }
0xe3: {  	s17 =	smulhi.u32 $0x51EB851F, s13;
	_ =	sdelay $0x1  }
0xe4: {  	s17 =	sshrl.u32 s17, $0x4;
	[tilespmem:v62+s15+$0x0] =	vst.idx.msk $0xffff, v41  }
0xe5: {  	s17 =	smul.u32 $0x32, s17;
	v63 =	vadd.s32 v39, v40;
	v41 =	vld [tilespmem:s16+$0x72F0];
	_ =	sdelay $0x1  }
0xe6: {  	s16 =	ssub.s32 s13, s17  }
0xe7: {  	s16 =	sshll.u32 s16, $0x10  }
0xe8: {  	s12 =	sadd.s32 s6, s12;
	s16 =	sadd.s32 s2, s16  }
0xe9: {  	s16 =	sadd.s32 s12, s16;
	[tilespmem:v63+s15+$0x0] =	vst.idx.msk $0xffff, v41  }
0xea: {  	[hbm4b:s16+s3] =	stream.linear.scatter [tilespmem:s15], [sflag:$0x3], $0x80, $0x38;
	[tilespmem:$0xB300] =	vst v63  }
0xeb: {  	s18 =	simm.s32 $0x9188;
	s17 =	sadd.s32 $0x10, s16  }
0xec: {  	[hbm4b:s17+s3] =	stream.linear.scatter [tilespmem:s18], [sflag:$0x3], $0x80, $0x38;
	[tilespmem:$0xB300] =	vst v63  }
0xed: {  	s17 =	sadd.s32 $0x20, s16;
	s18 =	simm.s32 $0x9210  }
0xee: {  	[hbm4b:s17+s3] =	stream.linear.scatter [tilespmem:s18], [sflag:$0x3], $0x80, $0x38;
	[tilespmem:$0xB300] =	vst v63  }
0xef: {  	s17 =	sadd.s32 $0x30, s16;
	s18 =	simm.s32 $0x9298  }
0xf0: {  	[hbm4b:s17+s3] =	stream.linear.scatter [tilespmem:s18], [sflag:$0x3], $0x80, $0x38;
	[tilespmem:$0xB300] =	vst v63  }
0xf1: {  	s17 =	sadd.s32 $0x40, s16;
	s18 =	simm.s32 $0x9320  }
0xf2: {  	[hbm4b:s17+s3] =	stream.linear.scatter [tilespmem:s18], [sflag:$0x3], $0x80, $0x38;
	[tilespmem:$0xB300] =	vst v63  }
0xf3: {  	s17 =	sadd.s32 $0x50, s16;
	s18 =	simm.s32 $0x93A8  }
0xf4: {  	[hbm4b:s17+s3] =	stream.linear.scatter [tilespmem:s18], [sflag:$0x3], $0x80, $0x38;
	[tilespmem:$0xB300] =	vst v63  }
0xf5: {  	s17 =	sadd.s32 $0x60, s16;
	s18 =	simm.s32 $0x9430  }
0xf6: {  	[hbm4b:s17+s3] =	stream.linear.scatter [tilespmem:s18], [sflag:$0x3], $0x80, $0x38;
	[tilespmem:$0xB300] =	vst v63  }
0xf7: {  	s17 =	sadd.s32 $0x70, s16;
	s18 =	simm.s32 $0x94B8  }
0xf8: {  	[hbm4b:s17+s3] =	stream.linear.scatter [tilespmem:s18], [sflag:$0x3], $0x80, $0x38;
	[tilespmem:$0xB300] =	vst v63  }
0xf9: {  	s17 =	sadd.s32 $0x4000, s16;
	s18 =	simm.s32 $0x9540  }
0xfa: {  	[hbm4b:s17+s3] =	stream.linear.scatter [tilespmem:s18], [sflag:$0x3], $0x80, $0x38;
	[tilespmem:$0xB300] =	vst v63  }
0xfb: {  	s17 =	sadd.s32 $0x4010, s16;
	s18 =	simm.s32 $0x95C8  }
0xfc: {  	[hbm4b:s17+s3] =	stream.linear.scatter [tilespmem:s18], [sflag:$0x3], $0x80, $0x38;
	[tilespmem:$0xB300] =	vst v63  }
0xfd: {  	s17 =	sadd.s32 $0x4020, s16;
	s18 =	simm.s32 $0x9650  }
0xfe: {  	[hbm4b:s17+s3] =	stream.linear.scatter [tilespmem:s18], [sflag:$0x3], $0x80, $0x38;
	[tilespmem:$0xB300] =	vst v63  }
0xff: {  	s17 =	sadd.s32 $0x4030, s16;
	s18 =	simm.s32 $0x96D8  }
0x100: {  	[hbm4b:s17+s3] =	stream.linear.scatter [tilespmem:s18], [sflag:$0x3], $0x80, $0x38;
	[tilespmem:$0xB300] =	vst v63  }
0x101: {  	s17 =	sadd.s32 $0x4040, s16;
	s18 =	simm.s32 $0x9760  }
0x102: {  	[hbm4b:s17+s3] =	stream.linear.scatter [tilespmem:s18], [sflag:$0x3], $0x80, $0x38;
	[tilespmem:$0xB300] =	vst v63  }
0x103: {  	s17 =	sadd.s32 $0x4050, s16;
	s18 =	simm.s32 $0x97E8  }
0x104: {  	[hbm4b:s17+s3] =	stream.linear.scatter [tilespmem:s18], [sflag:$0x3], $0x80, $0x38;
	[tilespmem:$0xB300] =	vst v63  }
0x105: {  	s17 =	sadd.s32 $0x4060, s16;
	s18 =	simm.s32 $0x9870  }
0x106: {  	[hbm4b:s17+s3] =	stream.linear.scatter [tilespmem:s18], [sflag:$0x3], $0x80, $0x38;
	[tilespmem:$0xB300] =	vst v63  }
0x107: {  	s17 =	sadd.s32 $0x4070, s16;
	s18 =	simm.s32 $0x98F8  }
0x108: {  	[hbm4b:s17+s3] =	stream.linear.scatter [tilespmem:s18], [sflag:$0x3], $0x80, $0x38;
	[tilespmem:$0xB300] =	vst v63  }
0x109: {  	s17 =	sadd.s32 $0x8000, s16;
	s18 =	simm.s32 $0x9980  }
0x10a: {  	[hbm4b:s17+s3] =	stream.linear.scatter [tilespmem:s18], [sflag:$0x3], $0x80, $0x38;
	[tilespmem:$0xB300] =	vst v63  }
0x10b: {  	s17 =	sadd.s32 $0x8010, s16;
	s18 =	simm.s32 $0x9A08  }
0x10c: {  	[hbm4b:s17+s3] =	stream.linear.scatter [tilespmem:s18], [sflag:$0x3], $0x80, $0x38;
	[tilespmem:$0xB300] =	vst v63  }
0x10d: {  	s17 =	sadd.s32 $0x8020, s16;
	s18 =	simm.s32 $0x9A90  }
0x10e: {  	[hbm4b:s17+s3] =	stream.linear.scatter [tilespmem:s18], [sflag:$0x3], $0x80, $0x38;
	[tilespmem:$0xB300] =	vst v63  }
0x10f: {  	s17 =	sadd.s32 $0x8030, s16;
	s18 =	simm.s32 $0x9B18  }
0x110: {  	[hbm4b:s17+s3] =	stream.linear.scatter [tilespmem:s18], [sflag:$0x3], $0x80, $0x38;
	[tilespmem:$0xB300] =	vst v63  }
0x111: {  	s17 =	sadd.s32 $0x8040, s16;
	s18 =	simm.s32 $0x9BA0  }
0x112: {  	[hbm4b:s17+s3] =	stream.linear.scatter [tilespmem:s18], [sflag:$0x3], $0x80, $0x38;
	[tilespmem:$0xB300] =	vst v63  }
0x113: {  	s17 =	sadd.s32 $0x8050, s16;
	s18 =	simm.s32 $0x9C28  }
0x114: {  	[hbm4b:s17+s3] =	stream.linear.scatter [tilespmem:s18], [sflag:$0x3], $0x80, $0x38;
	[tilespmem:$0xB300] =	vst v63  }
0x115: {  	s17 =	sadd.s32 $0x8060, s16;
	s18 =	simm.s32 $0x9CB0  }
0x116: {  	[hbm4b:s17+s3] =	stream.linear.scatter [tilespmem:s18], [sflag:$0x3], $0x80, $0x38;
	[tilespmem:$0xB300] =	vst v63  }
0x117: {  	s17 =	sadd.s32 $0x8070, s16;
	s18 =	simm.s32 $0x9D38  }
0x118: {  	[hbm4b:s17+s3] =	stream.linear.scatter [tilespmem:s18], [sflag:$0x3], $0x80, $0x38;
	[tilespmem:$0xB300] =	vst v63  }
0x119: {  	s17 =	sadd.s32 $0xC000, s16;
	s18 =	simm.s32 $0x9DC0  }
0x11a: {  	[hbm4b:s17+s3] =	stream.linear.scatter [tilespmem:s18], [sflag:$0x3], $0x80, $0x38;
	[tilespmem:$0xB300] =	vst v63  }
0x11b: {  	s17 =	sadd.s32 $0xC010, s16;
	s18 =	simm.s32 $0x9E48  }
0x11c: {  	[hbm4b:s17+s3] =	stream.linear.scatter [tilespmem:s18], [sflag:$0x3], $0x80, $0x38;
	[tilespmem:$0xB300] =	vst v63  }
0x11d: {  	s17 =	sadd.s32 $0xC020, s16;
	s18 =	simm.s32 $0x9ED0  }
0x11e: {  	[hbm4b:s17+s3] =	stream.linear.scatter [tilespmem:s18], [sflag:$0x3], $0x80, $0x38;
	[tilespmem:$0xB300] =	vst v63  }
0x11f: {  	s17 =	sadd.s32 $0xC030, s16;
	s18 =	simm.s32 $0x9F58  }
0x120: {  	[hbm4b:s17+s3] =	stream.linear.scatter [tilespmem:s18], [sflag:$0x3], $0x80, $0x38;
	[tilespmem:$0xB300] =	vst v63  }
0x121: {  	s17 =	sadd.s32 $0xC040, s16;
	s18 =	simm.s32 $0x9FE0  }
0x122: {  	[hbm4b:s17+s3] =	stream.linear.scatter [tilespmem:s18], [sflag:$0x3], $0x80, $0x38;
	[tilespmem:$0xB300] =	vst v63  }
0x123: {  	p1 =	sne.s32 s10, $0x63;
	s17 =	sadd.s32 $0xC050, s16;
	s18 =	simm.s32 $0xA068  }
0x124: {  	[hbm4b:s17+s3] =	stream.linear.scatter [tilespmem:s18], [sflag:$0x3], $0x80, $0x38;
	[tilespmem:$0xB300] =	vst v63  }
.Ltmp1:
0x125: {  	_ = 	snop;
	(pc) =	sbr.rel @p1 .LBB2_6-.Ltmp1, $4  }
0x126: {  	s17 =	sadd.s32 $0xC060, s16;
	s18 =	simm.s32 $0xA0F0  }
0x127: {  	[hbm4b:s17+s3] =	stream.linear.scatter [tilespmem:s18], [sflag:$0x3], $0x80, $0x38;
	[tilespmem:$0xB300] =	vst v63  }
0x128: {  	s16 =	sadd.s32 $0xC070, s16;
	s18 =	simm.s32 $0xA178  }
0x129: {  	[hbm4b:s16+s3] =	stream.linear.scatter [tilespmem:s18], [sflag:$0x3], $0x80, $0x38;
	[tilespmem:$0xB300] =	vst v63  }
.Ltmp2:
0x12a: {  	(pc) =	sbr.rel .LBB2_7-.Ltmp2, $4  }
0x12b: {  	_ = 	snop  }
0x12c: {  	_ =	swait.ge [sflag:s23], $0x1000  }
0x12d: {  	[sflag:s23] =	ssyncset.done $0x0  }
0x12e: {  	[sflag:s23] =	ssyncadd.s32 $0xFFFFF000  }
.LBB2_6:
0x12f: {  	s13 =	sadd.s32 $0x2, s13  }
0x130: {  	s16 =	smulhi.u32 $0x51EB851F, s13;
	_ =	sdelay $0x1  }
0x131: {  	s16 =	sshrl.u32 s16, $0x4  }
0x132: {  	s17 =	smul.u32 $0x32, s16;
	s16 =	sshll.u32 s16, $0x7  }
0x133: {  	v40 =	vmov s16  }
0x134: {  	s13 =	ssub.s32 s13, s17;
	v40 =	vmul.u32 $0x38, v40  }
0x135: {  	v41 =	vmov s13  }
0x136: {  	v40 =	vbroadcast v40, $0x0;
	v41 =	vand.u32 $0x3E, v41  }
0x137: {  	v41 =	vadd.s32 v0, v41  }
0x138: {  	s17 =	sor.u32 $0x10, s16;
	v40 =	vadd.s32 v40, v41  }
0x139: {  	v42 =	vmov s17  }
0x13a: {  	v42 =	vmul.u32 $0x38, v42;
	_ =	sdelay $0x1  }
0x13b: {  	v42 =	vbroadcast v42, $0x0  }
0x13c: {  	v40 =	vld.idx.msk [tilespmem:v40+s3+$0x0], $0xffff  }
0x13d: {  	s18 =	sor.u32 $0x20, s16;
	v42 =	vadd.s32 v42, v41  }
0x13e: {  	v43 =	vmov s18  }
0x13f: {  	v43 =	vmul.u32 $0x38, v43;
	_ =	sdelay $0x1  }
0x140: {  	v53 =	vbroadcast v43, $0x0;
	[tilespmem:$0x7000] =	vst v40  }
0x141: {  	v42 =	vld.idx.msk [tilespmem:v42+s3+$0x0], $0xffff  }
0x142: {  	s17 =	sor.u32 $0x30, s16;
	v40 =	vadd.s32 v53, v41  }
0x143: {  	v54 =	vmov s17  }
0x144: {  	v43 =	vmul.u32 $0x38, v54;
	_ =	sdelay $0x1  }
0x145: {  	v55 =	vbroadcast v43, $0x0;
	[tilespmem:$0x7010] =	vst v42  }
0x146: {  	v40 =	vld.idx.msk [tilespmem:v40+s3+$0x0], $0xffff  }
0x147: {  	s18 =	sor.u32 $0x40, s16;
	v42 =	vadd.s32 v55, v41  }
0x148: {  	v56 =	vmov s18  }
0x149: {  	v43 =	vmul.u32 $0x38, v56;
	_ =	sdelay $0x1  }
0x14a: {  	v57 =	vbroadcast v43, $0x0;
	[tilespmem:$0x7020] =	vst v40  }
0x14b: {  	v42 =	vld.idx.msk [tilespmem:v42+s3+$0x0], $0xffff  }
0x14c: {  	s17 =	sor.u32 $0x50, s16;
	v40 =	vadd.s32 v57, v41  }
0x14d: {  	v58 =	vmov s17  }
0x14e: {  	v43 =	vmul.u32 $0x38, v58;
	_ =	sdelay $0x1  }
0x14f: {  	v59 =	vbroadcast v43, $0x0;
	[tilespmem:$0x7030] =	vst v42  }
0x150: {  	v40 =	vld.idx.msk [tilespmem:v40+s3+$0x0], $0xffff  }
0x151: {  	s18 =	sor.u32 $0x60, s16;
	v42 =	vadd.s32 v59, v41  }
0x152: {  	v60 =	vmov s18  }
0x153: {  	v43 =	vmul.u32 $0x38, v60;
	_ =	sdelay $0x1  }
0x154: {  	v61 =	vbroadcast v43, $0x0;
	[tilespmem:$0x7040] =	vst v40  }
0x155: {  	v42 =	vld.idx.msk [tilespmem:v42+s3+$0x0], $0xffff  }
0x156: {  	s16 =	sor.u32 $0x70, s16;
	v40 =	vadd.s32 v61, v41  }
0x157: {  	v62 =	vmov s16  }
0x158: {  	v43 =	vmul.u32 $0x38, v62;
	_ =	sdelay $0x1  }
0x159: {  	v63 =	vbroadcast v43, $0x0;
	[tilespmem:$0x7050] =	vst v42  }
0x15a: {  	v40 =	vld.idx.msk [tilespmem:v40+s3+$0x0], $0xffff  }
0x15b: {  	v41 =	vadd.s32 v63, v41;
	_ =	sdelay $0x3  }
0x15c: {  	[tilespmem:$0x7060] =	vst v40  }
0x15d: {  	v40 =	vld.idx.msk [tilespmem:v41+s3+$0x0], $0xffff;
	_ =	sdelay $0x4  }
.Ltmp3:
0x15e: {  	s18 =	simm.s32 $0x7100;
	s17 =	simm.s32 $0x7000;
	[tilespmem:$0x7070] =	vst v40;
	(pc) =	sbr.rel @p0 .LBB2_8-.Ltmp3, $4  }
0x15f: {  	[tilespmem:s18], [sflag:$0x1] =	stream.indirect.gather [hbm4b:s4+s9], $0x20, s17, s9, $0xb8;
	[tilespmem:$0xB300] =	vst v63  }
0x160: {  	_ =	swait.ge [sflag:s23], $0x1000  }
0x161: {  	[sflag:s23] =	ssyncset.done $0x0  }
0x162: {  	[sflag:s23] =	ssyncadd.s32 $0xFFFFF000  }
.LBB2_7:
0x163: {  	_ =	swait.ge [sflag:s24], $0x1000  }
0x164: {  	[sflag:s24] =	ssyncset.done $0x0  }
0x165: {  	[sflag:s24] =	ssyncadd.s32 $0xFFFFF000  }
.LBB2_8:
0x166: {  	v40 =	vimm.s32 $0x0;
	s13 =	simm.s32 $0x0;
	s16 =	simm.s32 $0x800  }
.LBB2_9:
0x167: {  	p0 =	sne.s32 s16, $0x3800;
	v41 =	vld [tilespmem:s13+$0x8100];
	v42 =	vadd.s32 v3, v40;
	_ =	sdelay $0x4  }
0x168: {  	[tilespmem:v42+s25+$0x0] =	vst.idx.msk $0xffff, v41  }
0x169: {  	v42 =	vadd.s32 v9, v40;
	v41 =	vld [tilespmem:s13+$0x8110];
	_ =	sdelay $0x4  }
0x16a: {  	[tilespmem:v42+s25+$0x0] =	vst.idx.msk $0xffff, v41  }
0x16b: {  	v42 =	vadd.s32 v10, v40;
	v41 =	vld [tilespmem:s13+$0x8120];
	_ =	sdelay $0x4  }
0x16c: {  	[tilespmem:v42+s25+$0x0] =	vst.idx.msk $0xffff, v41  }
0x16d: {  	v42 =	vadd.s32 v11, v40;
	v41 =	vld [tilespmem:s13+$0x8130];
	_ =	sdelay $0x4  }
0x16e: {  	[tilespmem:v42+s25+$0x0] =	vst.idx.msk $0xffff, v41  }
0x16f: {  	v42 =	vadd.s32 v12, v40;
	v41 =	vld [tilespmem:s13+$0x8140];
	_ =	sdelay $0x4  }
0x170: {  	[tilespmem:v42+s25+$0x0] =	vst.idx.msk $0xffff, v41  }
0x171: {  	v42 =	vadd.s32 v13, v40;
	v41 =	vld [tilespmem:s13+$0x8150];
	_ =	sdelay $0x4  }
0x172: {  	[tilespmem:v42+s25+$0x0] =	vst.idx.msk $0xffff, v41  }
0x173: {  	v42 =	vadd.s32 v14, v40;
	v41 =	vld [tilespmem:s13+$0x8160];
	_ =	sdelay $0x4  }
0x174: {  	[tilespmem:v42+s25+$0x0] =	vst.idx.msk $0xffff, v41  }
0x175: {  	v42 =	vadd.s32 v15, v40;
	v41 =	vld [tilespmem:s13+$0x8170];
	_ =	sdelay $0x4  }
0x176: {  	[tilespmem:v42+s25+$0x0] =	vst.idx.msk $0xffff, v41  }
0x177: {  	v42 =	vadd.s32 v16, v40;
	v41 =	vld [tilespmem:s13+$0x8180];
	_ =	sdelay $0x4  }
0x178: {  	[tilespmem:v42+s25+$0x0] =	vst.idx.msk $0xffff, v41  }
0x179: {  	v42 =	vadd.s32 v17, v40;
	v41 =	vld [tilespmem:s13+$0x8190];
	_ =	sdelay $0x4  }
0x17a: {  	[tilespmem:v42+s25+$0x0] =	vst.idx.msk $0xffff, v41  }
0x17b: {  	v42 =	vadd.s32 v18, v40;
	v41 =	vld [tilespmem:s13+$0x81A0];
	_ =	sdelay $0x4  }
0x17c: {  	[tilespmem:v42+s25+$0x0] =	vst.idx.msk $0xffff, v41  }
0x17d: {  	v42 =	vadd.s32 v19, v40;
	v41 =	vld [tilespmem:s13+$0x81B0];
	_ =	sdelay $0x4  }
0x17e: {  	[tilespmem:v42+s25+$0x0] =	vst.idx.msk $0xffff, v41  }
0x17f: {  	v42 =	vadd.s32 v20, v40;
	v41 =	vld [tilespmem:s13+$0x81C0];
	_ =	sdelay $0x4  }
0x180: {  	[tilespmem:v42+s25+$0x0] =	vst.idx.msk $0xffff, v41  }
0x181: {  	v42 =	vadd.s32 v21, v40;
	v41 =	vld [tilespmem:s13+$0x81D0];
	_ =	sdelay $0x4  }
0x182: {  	[tilespmem:v42+s25+$0x0] =	vst.idx.msk $0xffff, v41  }
0x183: {  	v42 =	vadd.s32 v22, v40;
	v41 =	vld [tilespmem:s13+$0x81E0];
	_ =	sdelay $0x4  }
0x184: {  	[tilespmem:v42+s25+$0x0] =	vst.idx.msk $0xffff, v41  }
0x185: {  	v42 =	vadd.s32 v23, v40;
	v41 =	vld [tilespmem:s13+$0x81F0];
	_ =	sdelay $0x4  }
0x186: {  	[tilespmem:v42+s25+$0x0] =	vst.idx.msk $0xffff, v41  }
0x187: {  	v42 =	vadd.s32 v24, v40;
	v41 =	vld [tilespmem:s13+$0x8200];
	_ =	sdelay $0x4  }
0x188: {  	[tilespmem:v42+s25+$0x0] =	vst.idx.msk $0xffff, v41  }
0x189: {  	v42 =	vadd.s32 v25, v40;
	v41 =	vld [tilespmem:s13+$0x8210];
	_ =	sdelay $0x4  }
0x18a: {  	[tilespmem:v42+s25+$0x0] =	vst.idx.msk $0xffff, v41  }
0x18b: {  	v42 =	vadd.s32 v26, v40;
	v41 =	vld [tilespmem:s13+$0x8220];
	_ =	sdelay $0x4  }
0x18c: {  	[tilespmem:v42+s25+$0x0] =	vst.idx.msk $0xffff, v41  }
0x18d: {  	v42 =	vadd.s32 v27, v40;
	v41 =	vld [tilespmem:s13+$0x8230];
	_ =	sdelay $0x4  }
0x18e: {  	[tilespmem:v42+s25+$0x0] =	vst.idx.msk $0xffff, v41  }
0x18f: {  	v42 =	vadd.s32 v28, v40;
	v41 =	vld [tilespmem:s13+$0x8240];
	_ =	sdelay $0x4  }
0x190: {  	[tilespmem:v42+s25+$0x0] =	vst.idx.msk $0xffff, v41  }
0x191: {  	v42 =	vadd.s32 v29, v40;
	v41 =	vld [tilespmem:s13+$0x8250];
	_ =	sdelay $0x4  }
0x192: {  	[tilespmem:v42+s25+$0x0] =	vst.idx.msk $0xffff, v41  }
0x193: {  	v42 =	vadd.s32 v30, v40;
	v41 =	vld [tilespmem:s13+$0x8260];
	_ =	sdelay $0x4  }
0x194: {  	[tilespmem:v42+s25+$0x0] =	vst.idx.msk $0xffff, v41  }
0x195: {  	v42 =	vadd.s32 v31, v40;
	v41 =	vld [tilespmem:s13+$0x8270];
	_ =	sdelay $0x4  }
0x196: {  	[tilespmem:v42+s25+$0x0] =	vst.idx.msk $0xffff, v41  }
0x197: {  	v42 =	vadd.s32 v32, v40;
	v41 =	vld [tilespmem:s13+$0x8280];
	_ =	sdelay $0x4  }
0x198: {  	[tilespmem:v42+s25+$0x0] =	vst.idx.msk $0xffff, v41  }
0x199: {  	v42 =	vadd.s32 v33, v40;
	v41 =	vld [tilespmem:s13+$0x8290];
	_ =	sdelay $0x4  }
0x19a: {  	[tilespmem:v42+s25+$0x0] =	vst.idx.msk $0xffff, v41  }
0x19b: {  	v42 =	vadd.s32 v34, v40;
	v41 =	vld [tilespmem:s13+$0x82A0];
	_ =	sdelay $0x4  }
0x19c: {  	[tilespmem:v42+s25+$0x0] =	vst.idx.msk $0xffff, v41  }
0x19d: {  	v42 =	vadd.s32 v35, v40;
	v41 =	vld [tilespmem:s13+$0x82B0];
	_ =	sdelay $0x4  }
0x19e: {  	[tilespmem:v42+s25+$0x0] =	vst.idx.msk $0xffff, v41  }
0x19f: {  	v42 =	vadd.s32 v36, v40;
	v41 =	vld [tilespmem:s13+$0x82C0];
	_ =	sdelay $0x4  }
0x1a0: {  	[tilespmem:v42+s25+$0x0] =	vst.idx.msk $0xffff, v41  }
0x1a1: {  	v42 =	vadd.s32 v37, v40;
	v41 =	vld [tilespmem:s13+$0x82D0];
	_ =	sdelay $0x4  }
0x1a2: {  	[tilespmem:v42+s25+$0x0] =	vst.idx.msk $0xffff, v41  }
0x1a3: {  	v42 =	vadd.s32 v38, v40;
	v41 =	vld [tilespmem:s13+$0x82E0];
	_ =	sdelay $0x4  }
0x1a4: {  	[tilespmem:v42+s25+$0x0] =	vst.idx.msk $0xffff, v41  }
0x1a5: {  	v42 =	vadd.s32 v39, v40;
	v41 =	vld [tilespmem:s13+$0x82F0]  }
.Ltmp4:
0x1a6: {  	(pc) =	sbr.rel @p0 .LBB2_9-.Ltmp4, $2  }
0x1a7: {  	_ =	sdelay $0x2  }
0x1a8: {  	v40 =	vadd.s32 $0x10, v40;
	s13 =	sshra.s32 s16, $0x2;
	s16 =	sadd.s32 $0x800, s16;
	[tilespmem:v42+s25+$0x0] =	vst.idx.msk $0xffff, v41  }
0x1a9: {  	v41 =	vld [tilespmem:s13+$0x8100];
	v42 =	vadd.s32 v3, v40;
	_ =	sdelay $0x4  }
0x1aa: {  	[tilespmem:v42+s25+$0x0] =	vst.idx.msk $0xffff, v41  }
0x1ab: {  	v52 =	vadd.s32 v9, v40;
	v41 =	vld [tilespmem:s13+$0x8110];
	_ =	sdelay $0x4  }
0x1ac: {  	[tilespmem:v52+s25+$0x0] =	vst.idx.msk $0xffff, v41  }
0x1ad: {  	v53 =	vadd.s32 v10, v40;
	v41 =	vld [tilespmem:s13+$0x8120];
	_ =	sdelay $0x4  }
0x1ae: {  	[tilespmem:v53+s25+$0x0] =	vst.idx.msk $0xffff, v41  }
0x1af: {  	v54 =	vadd.s32 v11, v40;
	v41 =	vld [tilespmem:s13+$0x8130];
	_ =	sdelay $0x4  }
0x1b0: {  	[tilespmem:v54+s25+$0x0] =	vst.idx.msk $0xffff, v41  }
0x1b1: {  	v55 =	vadd.s32 v12, v40;
	v41 =	vld [tilespmem:s13+$0x8140];
	_ =	sdelay $0x4  }
0x1b2: {  	[tilespmem:v55+s25+$0x0] =	vst.idx.msk $0xffff, v41  }
0x1b3: {  	v56 =	vadd.s32 v13, v40;
	v41 =	vld [tilespmem:s13+$0x8150];
	_ =	sdelay $0x4  }
0x1b4: {  	[tilespmem:v56+s25+$0x0] =	vst.idx.msk $0xffff, v41  }
0x1b5: {  	v57 =	vadd.s32 v14, v40;
	v41 =	vld [tilespmem:s13+$0x8160];
	_ =	sdelay $0x4  }
0x1b6: {  	[tilespmem:v57+s25+$0x0] =	vst.idx.msk $0xffff, v41  }
0x1b7: {  	v58 =	vadd.s32 v15, v40;
	v41 =	vld [tilespmem:s13+$0x8170];
	_ =	sdelay $0x4  }
0x1b8: {  	[tilespmem:v58+s25+$0x0] =	vst.idx.msk $0xffff, v41  }
0x1b9: {  	v59 =	vadd.s32 v16, v40;
	v41 =	vld [tilespmem:s13+$0x8180];
	_ =	sdelay $0x4  }
0x1ba: {  	[tilespmem:v59+s25+$0x0] =	vst.idx.msk $0xffff, v41  }
0x1bb: {  	v60 =	vadd.s32 v17, v40;
	v41 =	vld [tilespmem:s13+$0x8190];
	_ =	sdelay $0x4  }
0x1bc: {  	[tilespmem:v60+s25+$0x0] =	vst.idx.msk $0xffff, v41  }
0x1bd: {  	v61 =	vadd.s32 v18, v40;
	v41 =	vld [tilespmem:s13+$0x81A0];
	_ =	sdelay $0x4  }
0x1be: {  	[tilespmem:v61+s25+$0x0] =	vst.idx.msk $0xffff, v41  }
0x1bf: {  	v62 =	vadd.s32 v19, v40;
	v41 =	vld [tilespmem:s13+$0x81B0];
	_ =	sdelay $0x4  }
0x1c0: {  	[tilespmem:v62+s25+$0x0] =	vst.idx.msk $0xffff, v41  }
0x1c1: {  	v63 =	vadd.s32 v20, v40;
	v41 =	vld [tilespmem:s13+$0x81C0];
	_ =	sdelay $0x4  }
0x1c2: {  	[tilespmem:v63+s25+$0x0] =	vst.idx.msk $0xffff, v41  }
0x1c3: {  	v45 =	vadd.s32 v21, v40;
	v41 =	vld [tilespmem:s13+$0x81D0];
	_ =	sdelay $0x4  }
0x1c4: {  	[tilespmem:v45+s25+$0x0] =	vst.idx.msk $0xffff, v41  }
0x1c5: {  	v46 =	vadd.s32 v22, v40;
	v41 =	vld [tilespmem:s13+$0x81E0];
	_ =	sdelay $0x4  }
0x1c6: {  	[tilespmem:v46+s25+$0x0] =	vst.idx.msk $0xffff, v41  }
0x1c7: {  	v47 =	vadd.s32 v23, v40;
	v41 =	vld [tilespmem:s13+$0x81F0];
	_ =	sdelay $0x4  }
0x1c8: {  	[tilespmem:v47+s25+$0x0] =	vst.idx.msk $0xffff, v41  }
0x1c9: {  	v48 =	vadd.s32 v24, v40;
	v41 =	vld [tilespmem:s13+$0x8200];
	_ =	sdelay $0x4  }
0x1ca: {  	[tilespmem:v48+s25+$0x0] =	vst.idx.msk $0xffff, v41  }
0x1cb: {  	v49 =	vadd.s32 v25, v40;
	v41 =	vld [tilespmem:s13+$0x8210];
	_ =	sdelay $0x4  }
0x1cc: {  	[tilespmem:v49+s25+$0x0] =	vst.idx.msk $0xffff, v41  }
0x1cd: {  	v50 =	vadd.s32 v26, v40;
	v41 =	vld [tilespmem:s13+$0x8220];
	_ =	sdelay $0x4  }
0x1ce: {  	[tilespmem:v50+s25+$0x0] =	vst.idx.msk $0xffff, v41  }
0x1cf: {  	v51 =	vadd.s32 v27, v40;
	v41 =	vld [tilespmem:s13+$0x8230];
	_ =	sdelay $0x4  }
0x1d0: {  	[tilespmem:v51+s25+$0x0] =	vst.idx.msk $0xffff, v41  }
0x1d1: {  	v52 =	vadd.s32 v28, v40;
	v41 =	vld [tilespmem:s13+$0x8240];
	_ =	sdelay $0x4  }
0x1d2: {  	[tilespmem:v52+s25+$0x0] =	vst.idx.msk $0xffff, v41  }
0x1d3: {  	v53 =	vadd.s32 v29, v40;
	v41 =	vld [tilespmem:s13+$0x8250];
	_ =	sdelay $0x4  }
0x1d4: {  	[tilespmem:v53+s25+$0x0] =	vst.idx.msk $0xffff, v41  }
0x1d5: {  	v54 =	vadd.s32 v30, v40;
	v41 =	vld [tilespmem:s13+$0x8260];
	_ =	sdelay $0x4  }
0x1d6: {  	[tilespmem:v54+s25+$0x0] =	vst.idx.msk $0xffff, v41  }
0x1d7: {  	v55 =	vadd.s32 v31, v40;
	v41 =	vld [tilespmem:s13+$0x8270];
	_ =	sdelay $0x4  }
0x1d8: {  	[tilespmem:v55+s25+$0x0] =	vst.idx.msk $0xffff, v41  }
0x1d9: {  	v56 =	vadd.s32 v32, v40;
	v41 =	vld [tilespmem:s13+$0x8280];
	_ =	sdelay $0x4  }
0x1da: {  	[tilespmem:v56+s25+$0x0] =	vst.idx.msk $0xffff, v41  }
0x1db: {  	v57 =	vadd.s32 v33, v40;
	v41 =	vld [tilespmem:s13+$0x8290];
	_ =	sdelay $0x4  }
0x1dc: {  	[tilespmem:v57+s25+$0x0] =	vst.idx.msk $0xffff, v41  }
0x1dd: {  	v58 =	vadd.s32 v34, v40;
	v41 =	vld [tilespmem:s13+$0x82A0];
	_ =	sdelay $0x4  }
0x1de: {  	[tilespmem:v58+s25+$0x0] =	vst.idx.msk $0xffff, v41  }
0x1df: {  	v59 =	vadd.s32 v35, v40;
	v41 =	vld [tilespmem:s13+$0x82B0];
	_ =	sdelay $0x4  }
0x1e0: {  	[tilespmem:v59+s25+$0x0] =	vst.idx.msk $0xffff, v41  }
0x1e1: {  	v60 =	vadd.s32 v36, v40;
	v41 =	vld [tilespmem:s13+$0x82C0];
	_ =	sdelay $0x4  }
0x1e2: {  	[tilespmem:v60+s25+$0x0] =	vst.idx.msk $0xffff, v41  }
0x1e3: {  	v61 =	vadd.s32 v37, v40;
	v41 =	vld [tilespmem:s13+$0x82D0];
	_ =	sdelay $0x4  }
0x1e4: {  	[tilespmem:v61+s25+$0x0] =	vst.idx.msk $0xffff, v41  }
0x1e5: {  	v62 =	vadd.s32 v38, v40;
	v41 =	vld [tilespmem:s13+$0x82E0];
	_ =	sdelay $0x4  }
0x1e6: {  	[tilespmem:v62+s25+$0x0] =	vst.idx.msk $0xffff, v41  }
0x1e7: {  	v63 =	vadd.s32 v39, v40;
	v41 =	vld [tilespmem:s13+$0x82F0];
	_ =	sdelay $0x3  }
0x1e8: {  	s11 =	sshll.u32 s11, $0x10;
	s12 =	sadd.s32 s2, s12  }
0x1e9: {  	s11 =	sadd.s32 s11, s12;
	[tilespmem:v63+s25+$0x0] =	vst.idx.msk $0xffff, v41  }
0x1ea: {  	[hbm4b:s11+s3] =	stream.linear.scatter [tilespmem:s25], [sflag:$0x4], $0x80, $0x38;
	[tilespmem:$0xB300] =	vst v63  }
0x1eb: {  	s16 =	simm.s32 $0xA288;
	s12 =	sadd.s32 $0x10, s11  }
0x1ec: {  	[hbm4b:s12+s3] =	stream.linear.scatter [tilespmem:s16], [sflag:$0x4], $0x80, $0x38;
	[tilespmem:$0xB300] =	vst v63  }
0x1ed: {  	s18 =	simm.s32 $0xA310;
	s17 =	sadd.s32 $0x20, s11  }
0x1ee: {  	[hbm4b:s17+s3] =	stream.linear.scatter [tilespmem:s18], [sflag:$0x4], $0x80, $0x38;
	[tilespmem:$0xB300] =	vst v63  }
0x1ef: {  	s13 =	sadd.s32 $0x30, s11;
	s16 =	simm.s32 $0xA398  }
0x1f0: {  	[hbm4b:s13+s3] =	stream.linear.scatter [tilespmem:s16], [sflag:$0x4], $0x80, $0x38;
	[tilespmem:$0xB300] =	vst v63  }
0x1f1: {  	s17 =	sadd.s32 $0x40, s11;
	s18 =	simm.s32 $0xA420  }
0x1f2: {  	[hbm4b:s17+s3] =	stream.linear.scatter [tilespmem:s18], [sflag:$0x4], $0x80, $0x38;
	[tilespmem:$0xB300] =	vst v63  }
0x1f3: {  	s13 =	sadd.s32 $0x50, s11;
	s16 =	simm.s32 $0xA4A8  }
0x1f4: {  	[hbm4b:s13+s3] =	stream.linear.scatter [tilespmem:s16], [sflag:$0x4], $0x80, $0x38;
	[tilespmem:$0xB300] =	vst v63  }
0x1f5: {  	s17 =	sadd.s32 $0x60, s11;
	s18 =	simm.s32 $0xA530  }
0x1f6: {  	[hbm4b:s17+s3] =	stream.linear.scatter [tilespmem:s18], [sflag:$0x4], $0x80, $0x38;
	[tilespmem:$0xB300] =	vst v63  }
0x1f7: {  	s13 =	sadd.s32 $0x70, s11;
	s16 =	simm.s32 $0xA5B8  }
0x1f8: {  	[hbm4b:s13+s3] =	stream.linear.scatter [tilespmem:s16], [sflag:$0x4], $0x80, $0x38;
	[tilespmem:$0xB300] =	vst v63  }
0x1f9: {  	s17 =	sadd.s32 $0x4000, s11;
	s18 =	simm.s32 $0xA640  }
0x1fa: {  	[hbm4b:s17+s3] =	stream.linear.scatter [tilespmem:s18], [sflag:$0x4], $0x80, $0x38;
	[tilespmem:$0xB300] =	vst v63  }
0x1fb: {  	s13 =	sadd.s32 $0x4010, s11;
	s16 =	simm.s32 $0xA6C8  }
0x1fc: {  	[hbm4b:s13+s3] =	stream.linear.scatter [tilespmem:s16], [sflag:$0x4], $0x80, $0x38;
	[tilespmem:$0xB300] =	vst v63  }
0x1fd: {  	s17 =	sadd.s32 $0x4020, s11;
	s18 =	simm.s32 $0xA750  }
0x1fe: {  	[hbm4b:s17+s3] =	stream.linear.scatter [tilespmem:s18], [sflag:$0x4], $0x80, $0x38;
	[tilespmem:$0xB300] =	vst v63  }
0x1ff: {  	s13 =	sadd.s32 $0x4030, s11;
	s16 =	simm.s32 $0xA7D8  }
0x200: {  	[hbm4b:s13+s3] =	stream.linear.scatter [tilespmem:s16], [sflag:$0x4], $0x80, $0x38;
	[tilespmem:$0xB300] =	vst v63  }
0x201: {  	s17 =	sadd.s32 $0x4040, s11;
	s18 =	simm.s32 $0xA860  }
0x202: {  	[hbm4b:s17+s3] =	stream.linear.scatter [tilespmem:s18], [sflag:$0x4], $0x80, $0x38;
	[tilespmem:$0xB300] =	vst v63  }
0x203: {  	s13 =	sadd.s32 $0x4050, s11;
	s16 =	simm.s32 $0xA8E8  }
0x204: {  	[hbm4b:s13+s3] =	stream.linear.scatter [tilespmem:s16], [sflag:$0x4], $0x80, $0x38;
	[tilespmem:$0xB300] =	vst v63  }
0x205: {  	s17 =	sadd.s32 $0x4060, s11;
	s18 =	simm.s32 $0xA970  }
0x206: {  	[hbm4b:s17+s3] =	stream.linear.scatter [tilespmem:s18], [sflag:$0x4], $0x80, $0x38;
	[tilespmem:$0xB300] =	vst v63  }
0x207: {  	s13 =	sadd.s32 $0x4070, s11;
	s16 =	simm.s32 $0xA9F8  }
0x208: {  	[hbm4b:s13+s3] =	stream.linear.scatter [tilespmem:s16], [sflag:$0x4], $0x80, $0x38;
	[tilespmem:$0xB300] =	vst v63  }
0x209: {  	s17 =	sadd.s32 $0x8000, s11;
	s18 =	simm.s32 $0xAA80  }
0x20a: {  	[hbm4b:s17+s3] =	stream.linear.scatter [tilespmem:s18], [sflag:$0x4], $0x80, $0x38;
	[tilespmem:$0xB300] =	vst v63  }
0x20b: {  	s16 =	sadd.s32 $0x8010, s11;
	s17 =	simm.s32 $0xAB08  }
0x20c: {  	[hbm4b:s16+s3] =	stream.linear.scatter [tilespmem:s17], [sflag:$0x4], $0x80, $0x38;
	[tilespmem:$0xB300] =	vst v63  }
0x20d: {  	s18 =	sadd.s32 $0x8020, s11  }
0x20e: {  	[hbm4b:s18+s3] =	stream.linear.scatter [tilespmem:s19], [sflag:$0x4], $0x80, $0x38;
	[tilespmem:$0xB300] =	vst v63  }
0x20f: {  	s13 =	sadd.s32 $0x8030, s11  }
0x210: {  	[hbm4b:s13+s3] =	stream.linear.scatter [tilespmem:s20], [sflag:$0x4], $0x80, $0x38;
	[tilespmem:$0xB300] =	vst v63  }
0x211: {  	s16 =	sadd.s32 $0x8040, s11  }
0x212: {  	[hbm4b:s16+s3] =	stream.linear.scatter [tilespmem:s21], [sflag:$0x4], $0x80, $0x38;
	[tilespmem:$0xB300] =	vst v63  }
0x213: {  	s17 =	sadd.s32 $0x8050, s11  }
0x214: {  	[hbm4b:s17+s3] =	stream.linear.scatter [tilespmem:s22], [sflag:$0x4], $0x80, $0x38;
	[tilespmem:$0xB300] =	vst v63  }
0x215: {  	s18 =	sadd.s32 $0x8060, s11  }
0x216: {  	[hbm4b:s18+s3] =	stream.linear.scatter [tilespmem:s26], [sflag:$0x4], $0x80, $0x38;
	[tilespmem:$0xB300] =	vst v63  }
0x217: {  	s13 =	sadd.s32 $0x8070, s11  }
0x218: {  	[hbm4b:s13+s3] =	stream.linear.scatter [tilespmem:s28], [sflag:$0x4], $0x80, $0x38;
	[tilespmem:$0xB300] =	vst v63  }
0x219: {  	s16 =	sadd.s32 $0xC000, s11  }
0x21a: {  	[hbm4b:s16+s3] =	stream.linear.scatter [tilespmem:s29], [sflag:$0x4], $0x80, $0x38;
	[tilespmem:$0xB300] =	vst v63  }
0x21b: {  	s17 =	sadd.s32 $0xC010, s11  }
0x21c: {  	[hbm4b:s17+s3] =	stream.linear.scatter [tilespmem:s30], [sflag:$0x4], $0x80, $0x38;
	[tilespmem:$0xB300] =	vst v63  }
0x21d: {  	s18 =	sadd.s32 $0xC020, s11  }
0x21e: {  	[hbm4b:s18+s3] =	stream.linear.scatter [tilespmem:s31], [sflag:$0x4], $0x80, $0x38;
	[tilespmem:$0xB300] =	vst v63  }
0x21f: {  	s13 =	sadd.s32 $0xC030, s11  }
0x220: {  	[hbm4b:s13+s3] =	stream.linear.scatter [tilespmem:s1], [sflag:$0x4], $0x80, $0x38;
	[tilespmem:$0xB300] =	vst v63  }
0x221: {  	s10 =	sadd.s32 $0x1, s10;
	s16 =	sadd.s32 $0xC040, s11  }
0x222: {  	[hbm4b:s16+s3] =	stream.linear.scatter [tilespmem:s0], [sflag:$0x4], $0x80, $0x38;
	[tilespmem:$0xB300] =	vst v63  }
0x223: {  	p0 =	sne.s32 s10, $0x64;
	s17 =	sadd.s32 $0xC050, s11  }
0x224: {  	[hbm4b:s17+s3] =	stream.linear.scatter [tilespmem:s5], [sflag:$0x4], $0x80, $0x38;
	[tilespmem:$0xB300] =	vst v63  }
.Ltmp5:
0x225: {  	_ = 	snop;
	(pc) =	sbr.rel @p0 .LBB2_2-.Ltmp5, $4  }
0x226: {  	s18 =	sadd.s32 $0xC060, s11  }
0x227: {  	[hbm4b:s18+s3] =	stream.linear.scatter [tilespmem:s7], [sflag:$0x4], $0x80, $0x38;
	[tilespmem:$0xB300] =	vst v63  }
0x228: {  	s11 =	sadd.s32 $0xC070, s11  }
0x229: {  	[hbm4b:s11+s3] =	stream.linear.scatter [tilespmem:s8], [sflag:$0x4], $0x80, $0x38;
	[tilespmem:$0xB300] =	vst v63  }
0x22a: {  	s10 =	simm.s32 $0x3  }
0x22b: {  	_ =	swait.ge [sflag:s10], $0x1000  }
0x22c: {  	[sflag:s10] =	ssyncset.done $0x0  }
0x22d: {  	[sflag:s10] =	ssyncadd.s32 $0xFFFFF000  }
0x22e: {  	_ =	swait.ge [sflag:s24], $0x1000  }
0x22f: {  	s11 =	rddreg [dreg:$0x5]  }
0x230: {  	s18 =	rddreg [dreg:$0x4];
	s11 =	sadd.s32 $0x1, s11  }
0x231: {  	p0 =	sne.s32 s11, s18  }
.Ltmp6:
0x232: {  	_ = 	snop;
	(pc) =	sbr.rel @p0 .LBB2_1-.Ltmp6, $3  }
0x233: {  	_ =	sdelay $0x1  }
0x234: {  	[sflag:s24] =	ssyncset.done $0x0  }
0x235: {  	[sflag:s24] =	ssyncadd.s32 $0xFFFFF000  }
0x236: {  	_ =	sfence.sel $0x180000  }
0x237: {  	[bflag:$0x0] =	sbarrier.arrive $0xFFFF  }
0x238: {  	_ =	strace $0x90000047  }
0x239: {  	s0 =	stileid.u32;
	[bflag:$0x2] =	sbarrier.arrive $0xFFFF  }
0x23a: {  	p0 =	sne.s32 s0, $0x0;
	s0 =	rddreg [dreg:$0x2]  }
0x23b: {  	s0 =	sadd.s32 @!p0 $0x100000, s0  }
0x23c: {  	[sflag:s0] =	ssyncadd.tile.s32 @!p0 $0x1;
	_ =	shalt  }
.Lfunc_end2:
_tile_overlayer_lowered:
.L_overlay_start_2:
0x23d: {  	(tag) =	ssettag $0x2  }
0x23e: {  	s0 =	rddreg [dreg:$0x0];
	s2 =	stileid.u32  }
0x23f: {  	s1 =	rddreg [dreg:$0x1];
	p0 =	sne.s32 s2, $0x0  }
0x240: {  	s3 =	rddreg [dreg:$0x2];
	[bflag:$0x3] =	sbarrier.arrive $0xFFFF;
	s2 =	simm.s32 @!p0 $0x1C05  }
0x241: {  	[timem:s3], [sflag:s2] =	dma.local @!p0 [hbm:s0], s1  }
0x242: {  	s0 =	simm.s32 @!p0 $0x5  }
0x243: {  	_ =	swait.ge @!p0 [sflag:s0], s1  }
0x244: {  	s1 =	ssub.s32 @!p0 $0x0, s1;
	[sflag:s0] =	ssyncset.done @!p0 $0x0  }
0x245: {  	[sflag:s0] =	ssyncadd.s32 @!p0 s1  }
0x246: {  	[bflag:$0x3] =	sbarrier.arrive $0xFFFF  }
0x247: {  	_ =	shalt  }

</sc_bundles>
